<compile_context>
chip_gen: v7x
topology: tpu7x:2x2x1
jax: 0.10.2.dev20260603
libtpu: 0.0.44.dev20260713+nightly
codegen_flags: <defaults>
</compile_context>

<pallas_src>
import functools

import jax
import jax.numpy as jnp
from jax import lax
from jax.experimental import pallas as pl
from jax.experimental.pallas import tpu as pltpu
from jax.experimental.pallas import tpu_sc as plsc

_BINS = 50
_ROWS = 4096
_COLS = 4096
_NC = 2
_NS = 16
_NW = _NC * _NS


def _minmax_body(x_ref, out_ref, acc_ref):
    i = pl.program_id(0)
    blk = x_ref[0]
    bmin = jnp.min(blk)
    bmax = jnp.max(blk)

    @pl.when(i == 0)
    def _():
        acc_ref[0, 0] = bmin
        acc_ref[0, 1] = bmax

    @pl.when(i > 0)
    def _():
        acc_ref[0, 0] = jnp.minimum(acc_ref[0, 0], bmin)
        acc_ref[0, 1] = jnp.maximum(acc_ref[0, 1], bmax)

    @pl.when(i == pl.num_programs(0) - 1)
    def _():
        out_ref[0:1, :] = jnp.full((1, 16), acc_ref[0, 0], jnp.float32)
        out_ref[1:2, :] = jnp.full((1, 16), acc_ref[0, 1], jnp.float32)


_ROWS_PER_TILE = _ROWS // _NW
_CHUNK_ROWS = 8
_CHUNKS = _ROWS_PER_TILE // _CHUNK_ROWS
_VECS = _CHUNK_ROWS * _COLS // 16
_ROWS_PER_BLK = 1024
_minmax_call = pl.pallas_call(
    _minmax_body,
    grid=(_ROWS // _ROWS_PER_BLK,),
    in_specs=[pl.BlockSpec((1, _ROWS_PER_BLK, _COLS), lambda i: (0, i, 0))],
    out_specs=pl.BlockSpec((2, 16), lambda i: (0, 0)),
    out_shape=jax.ShapeDtypeStruct((2, 16), jnp.float32),
    scratch_shapes=[pltpu.SMEM((1, 2), jnp.float32)],
)


def _hist_body(x_hbm, mm_hbm, out_hbm, buf0, buf1, mm_v, flat, h2, sem0, sem1):
    cid = lax.axis_index("c")
    sid = lax.axis_index("s")
    wid = sid * _NC + cid
    row0 = wid * _ROWS_PER_TILE

    zeros = jnp.zeros((16,), jnp.float32)

    @plsc.parallel_loop(0, (_BINS + 1) * 8, unroll=8)
    def _(j):
        flat[pl.ds(lax.shift_left(j, 4), 16)] = zeros

    pltpu.sync_copy(mm_hbm, mm_v)
    mn = mm_v[0, :]
    mx = mm_v[1, :]
    scale = _BINS / (mx - mn)
    shift = -mn * scale + 65536.0
    lane = lax.iota(jnp.int32, 16)
    ones = jnp.ones((16,), jnp.float32)
    mask = jnp.full((16,), 0x7FFF80, jnp.int32)

    bufs = (buf0, buf1)
    sems = (sem0, sem1)
    copies = [None, None]
    copies[0] = pltpu.async_copy(
        x_hbm.at[0, pl.ds(row0, _CHUNK_ROWS), :], buf0, sem0)
    for g in range(_CHUNKS):
        cur = g & 1
        if g + 1 < _CHUNKS:
            copies[1 - cur] = pltpu.async_copy(
                x_hbm.at[0, pl.ds(row0 + (g + 1) * _CHUNK_ROWS, _CHUNK_ROWS), :],
                bufs[1 - cur], sems[1 - cur])
        copies[cur].wait()
        buf = bufs[cur]

        @plsc.parallel_loop(0, _VECS, unroll=8)
        def _(j, buf=buf):
            r = lax.shift_right_logical(j, 8)
            c = lax.shift_left(lax.bitwise_and(j, _COLS // 16 - 1), 4)
            v = buf[r, pl.ds(c, 16)]
            u = v * scale + shift
            addr = lax.bitwise_or(
                lax.bitwise_and(plsc.bitcast(u, jnp.int32), mask), lane)
            plsc.addupdate_scatter(flat, [addr], ones)

    for b in range(_BINS - 1):
        h2[b, :] = flat[pl.ds(b * 128, 16)]
    h2[_BINS - 1, :] = (flat[pl.ds((_BINS - 1) * 128, 16)]
                        + flat[pl.ds(_BINS * 128, 16)])
    pltpu.sync_copy(h2, out_hbm.at[wid])


@functools.cache
def _make_hist_call():
    mesh = plsc.VectorSubcoreMesh(core_axis_name="c", subcore_axis_name="s")
    return pl.kernel(
        _hist_body,
        mesh=mesh,
        compiler_params=pltpu.CompilerParams(needs_layout_passes=False),
        out_type=jax.ShapeDtypeStruct((_NW, _BINS, 16), jnp.float32),
        scratch_types=[
            pltpu.VMEM((_CHUNK_ROWS, _COLS), jnp.float32),
            pltpu.VMEM((_CHUNK_ROWS, _COLS), jnp.float32),
            pltpu.VMEM((2, 16), jnp.float32),
            pltpu.VMEM(((_BINS + 1) * 128, ), jnp.float32),
            pltpu.VMEM((_BINS, 16), jnp.float32),
            pltpu.SemaphoreType.DMA,
            pltpu.SemaphoreType.DMA,
        ],
    )


def _entropy_body(h_ref, out_ref):
    acc = h_ref[0]
    for i in range(1, _NW):
        acc = acc + h_ref[i]
    hb = jnp.sum(acc, axis=1)
    p = hb / jnp.sum(hb)
    out_ref[...] = jnp.full((1, 1), -jnp.log2(jnp.sum(p * p)), jnp.float32)


_entropy_call = pl.pallas_call(
    _entropy_body,
    out_shape=jax.ShapeDtypeStruct((1, 1), jnp.float32),
)


def kernel(time_freq_map):
    mm = _minmax_call(time_freq_map)
    hists = _make_hist_call()(time_freq_map, mm)
    return _entropy_call(hists)[0, 0]

# --- scband reference (transcript-rebuilt; emitter-appended) ---
"""Pipeline reference for scband-calculate-renyi-entropy-49598282334812 (READ-ONLY COPY).

The authoritative reference and input builder live on the scoring server;
editing this copy changes nothing except your own understanding.
"""

import jax, jax.numpy as jnp
import numpy as np

BINS = 50
ALPHA = 2

def setup_inputs(seed: int = 0) -> dict:
    key = jax.random.key(seed)
    time_freq_map = jax.random.normal(key, (4, 4096, 4096), dtype=jnp.float32)
    return {"time_freq_map": time_freq_map}

def _histc(x, bins):
    # torch.histc with min=0, max=0 uses data min/max; values == max go to last bin
    mn = jnp.min(x)
    mx = jnp.max(x)
    width = mx - mn
    scaled = (x - mn) / width * bins
    idx = jnp.clip(jnp.floor(scaled).astype(jnp.int32), 0, bins - 1)
    return jnp.bincount(idx, length=bins).astype(jnp.float32)

def reference(time_freq_map):
    x = time_freq_map[0].reshape(-1)
    histogram = _histc(x, BINS)
    probability = histogram / jnp.sum(histogram)
    renyi_entropy = (1.0 / (1 - ALPHA)) * jnp.log2(jnp.sum(probability ** ALPHA))
    return renyi_entropy.mean()

if __name__ == "__main__":
    import jax
    _d = setup_inputs()
    print(jax.jit(kernel)(*tuple(_d.values())))

</pallas_src>

<mosaic_0001>
#map = affine_map<(d0, d1) -> (0, 0, 0)>
#map1 = affine_map<(d0, d1) -> (0, 0)>
module attributes {stable_mosaic.version = 14 : i64} {
  func.func @_hist_body(%arg0: i32, %arg1: i32, %arg2: memref<4x4096x4096xf32, #tpu.memory_space<hbm>>, %arg3: memref<2x16xf32, #tpu.memory_space<hbm>>, %arg4: memref<32x50x16xf32, #tpu.memory_space<hbm>>, %arg5: memref<8x4096xf32, #tpu.memory_space<vmem>>, %arg6: memref<8x4096xf32, #tpu.memory_space<vmem>>, %arg7: memref<2x16xf32, #tpu.memory_space<vmem>>, %arg8: memref<6528xf32, #tpu.memory_space<vmem>>, %arg9: memref<50x16xf32, #tpu.memory_space<vmem>>, %arg10: memref<!tpu.dma_semaphore, #tpu.memory_space<semaphore_mem>>, %arg11: memref<!tpu.dma_semaphore, #tpu.memory_space<semaphore_mem>>) attributes {dimension_semantics = [#tpu.dimension_semantics<core_parallel>, #tpu.dimension_semantics<subcore_parallel>], iteration_bounds = array<i64: 2, 16>, scalar_prefetch = 0 : i64, scratch_operands = 7 : i64, tpu.core_type = #tpu.core_type<sc_vector_subcore>, window_params = [{transform_indices = #map}, {transform_indices = #map1}, {transform_indices = #map}]} {
    %mul3A = arith.constant 2 : i32
    %mul3A_0 = arith.muli %arg1, %mul3A : i32
    %add3A = arith.addi %mul3A_0, %arg0 : i32
    %mul3A_1 = arith.constant 128 : i32
    %mul3A_2 = arith.muli %add3A, %mul3A_1 : i32
    %broadcast_in_dim3A = arith.constant 0.000000e+00 : f32
    %broadcast_in_dim3A_3 = vector.broadcast %broadcast_in_dim3A : f32 to vector<16xf32>
    %parallel_loop3A = arith.constant 0 : i32
    %parallel_loop3A_4 = arith.constant 408 : i32
    %parallel_loop3A_5 = arith.constant 1 : i32
    scf.for %parallel_loop3A_627 = %parallel_loop3A to %parallel_loop3A_4 step %parallel_loop3A_5  : i32 {
      %parallel_loop3A_628 = arith.constant 4 : i32
      %parallel_loop3A_629 = arith.shli %parallel_loop3A_627, %parallel_loop3A_628 : i32
      %parallel_loop3A_630 = arith.index_cast %parallel_loop3A_629 : i32 to index
      %parallel_loop3A_631 = tpu.vector_load %arg8[%parallel_loop3A_630] {strides = array<i32>} : memref<6528xf32, #tpu.memory_space<vmem>>, vector<16xf32>,
      tpu.vector_store %arg8[%parallel_loop3A_630], %broadcast_in_dim3A_3 {strides = array<i32>} : memref<6528xf32, #tpu.memory_space<vmem>>, vector<16xf32>,
    } {sc.loop_unroll_factor = 8 : i64, sc.parallel_access}
    "tpu.region"() ({
      %run_scoped3A = tpu.sem_alloc : memref<!tpu.dma_semaphore, #tpu.memory_space<semaphore_mem>>
      tpu.enqueue_dma source(%arg3 : memref<2x16xf32, #tpu.memory_space<hbm>>) target(%arg7 : memref<2x16xf32, #tpu.memory_space<vmem>>) target_semaphore(%run_scoped3A : memref<!tpu.dma_semaphore, #tpu.memory_space<semaphore_mem>>)
      tpu.wait_dma2 semaphore(%run_scoped3A : memref<!tpu.dma_semaphore, #tpu.memory_space<semaphore_mem>>) src(%arg3 : memref<2x16xf32, #tpu.memory_space<hbm>>) dst(%arg7 : memref<2x16xf32, #tpu.memory_space<vmem>>)
      tpu.yield
    }) : () -> ()
    %get3A = arith.constant 0 : i32
    %get3A_6 = arith.index_cast %get3A : i32 to index
    %get3A_7 = arith.constant 0 : index
    %get3A_8 = tpu.vector_load %arg7[%get3A_6, %get3A_7] {strides = array<i32>} : memref<2x16xf32, #tpu.memory_space<vmem>>, vector<16xf32>,
    %get3A_9 = arith.constant 1 : i32
    %get3A_10 = arith.index_cast %get3A_9 : i32 to index
    %get3A_11 = arith.constant 0 : index
    %get3A_12 = tpu.vector_load %arg7[%get3A_10, %get3A_11] {strides = array<i32>} : memref<2x16xf32, #tpu.memory_space<vmem>>, vector<16xf32>,
    %sub3A = arith.subf %get3A_12, %get3A_8 : vector<16xf32>
    %div3A = arith.constant 5.000000e+01 : f32
    %div3A_13 = vector.broadcast %div3A : f32 to vector<16xf32>
    %div3A_14 = arith.divf %div3A_13, %sub3A : vector<16xf32>
    %neg3A = arith.constant 0.000000e+00 : f32
    %neg3A_15 = vector.broadcast %neg3A : f32 to vector<16xf32>
    %neg3A_16 = arith.subf %neg3A_15, %get3A_8 : vector<16xf32>
    %mul3A_17 = arith.mulf %neg3A_16, %div3A_14 : vector<16xf32>
    %add3A_18 = arith.constant 6.553600e+04 : f32
    %add3A_19 = vector.broadcast %add3A_18 : f32 to vector<16xf32>
    %add3A_20 = arith.addf %mul3A_17, %add3A_19 : vector<16xf32>
    %iota3A = tpu.iota {dimensions = array<i32: 0>} : vector<16xi32>
    %broadcast_in_dim3A_21 = arith.constant 1.000000e+00 : f32
    %broadcast_in_dim3A_22 = vector.broadcast %broadcast_in_dim3A_21 : f32 to vector<16xf32>
    %broadcast_in_dim3A_23 = arith.constant 8388480 : i32
    %broadcast_in_dim3A_24 = vector.broadcast %broadcast_in_dim3A_23 : i32 to vector<16xi32>
    %dma_start3A = arith.constant 0 : i32
    %dma_start3A_25 = arith.constant 0 : i32
    %dma_start3A_26 = tpu.memref_slice %arg2[%dma_start3A, %mul3A_2, %dma_start3A_25] : memref<4x4096x4096xf32, #tpu.memory_space<hbm>> -> memref<1x8x4096xf32, #tpu.memory_space<hbm>>
    %dma_start3A_27 = tpu.memref_squeeze %dma_start3A_26 : memref<1x8x4096xf32, #tpu.memory_space<hbm>> -> memref<8x4096xf32, #tpu.memory_space<hbm>>
    %dma_start3A_28 = arith.constant 0 : i32
    %dma_start3A_29 = tpu.memref_slice %arg2[%dma_start3A, %mul3A_2, %dma_start3A_28] : memref<4x4096x4096xf32, #tpu.memory_space<hbm>> -> memref<1x8x4096xf32, #tpu.memory_space<hbm>>
    %dma_start3A_30 = tpu.memref_squeeze %dma_start3A_29 : memref<1x8x4096xf32, #tpu.memory_space<hbm>> -> memref<8x4096xf32, #tpu.memory_space<hbm>>
    tpu.enqueue_dma source(%dma_start3A_30 : memref<8x4096xf32, #tpu.memory_space<hbm>>) target(%arg5 : memref<8x4096xf32, #tpu.memory_space<vmem>>) target_semaphore(%arg10 : memref<!tpu.dma_semaphore, #tpu.memory_space<semaphore_mem>>)
    %add3A_31 = arith.constant 8 : i32
    %add3A_32 = arith.addi %mul3A_2, %add3A_31 : i32
    %dma_start3A_33 = arith.constant 0 : i32
    %dma_start3A_34 = arith.constant 0 : i32
    %dma_start3A_35 = tpu.memref_slice %arg2[%dma_start3A_33, %add3A_32, %dma_start3A_34] : memref<4x4096x4096xf32, #tpu.memory_space<hbm>> -> memref<1x8x4096xf32, #tpu.memory_space<hbm>>
    %dma_start3A_36 = tpu.memref_squeeze %dma_start3A_35 : memref<1x8x4096xf32, #tpu.memory_space<hbm>> -> memref<8x4096xf32, #tpu.memory_space<hbm>>
    %dma_start3A_37 = arith.constant 0 : i32
    %dma_start3A_38 = tpu.memref_slice %arg2[%dma_start3A_33, %add3A_32, %dma_start3A_37] : memref<4x4096x4096xf32, #tpu.memory_space<hbm>> -> memref<1x8x4096xf32, #tpu.memory_space<hbm>>
    %dma_start3A_39 = tpu.memref_squeeze %dma_start3A_38 : memref<1x8x4096xf32, #tpu.memory_space<hbm>> -> memref<8x4096xf32, #tpu.memory_space<hbm>>
    tpu.enqueue_dma source(%dma_start3A_39 : memref<8x4096xf32, #tpu.memory_space<hbm>>) target(%arg6 : memref<8x4096xf32, #tpu.memory_space<vmem>>) target_semaphore(%arg11 : memref<!tpu.dma_semaphore, #tpu.memory_space<semaphore_mem>>)
    %dma_wait3A = arith.constant 0 : i32
    %dma_wait3A_40 = arith.constant 0 : i32
    %dma_wait3A_41 = tpu.memref_slice %arg2[%dma_wait3A, %mul3A_2, %dma_wait3A_40] : memref<4x4096x4096xf32, #tpu.memory_space<hbm>> -> memref<1x8x4096xf32, #tpu.memory_space<hbm>>
    %dma_wait3A_42 = tpu.memref_squeeze %dma_wait3A_41 : memref<1x8x4096xf32, #tpu.memory_space<hbm>> -> memref<8x4096xf32, #tpu.memory_space<hbm>>
    %dma_wait3A_43 = arith.constant 0 : i32
    %dma_wait3A_44 = tpu.memref_slice %arg2[%dma_wait3A, %mul3A_2, %dma_wait3A_43] : memref<4x4096x4096xf32, #tpu.memory_space<hbm>> -> memref<1x8x4096xf32, #tpu.memory_space<hbm>>
    %dma_wait3A_45 = tpu.memref_squeeze %dma_wait3A_44 : memref<1x8x4096xf32, #tpu.memory_space<hbm>> -> memref<8x4096xf32, #tpu.memory_space<hbm>>
    tpu.wait_dma2 semaphore(%arg10 : memref<!tpu.dma_semaphore, #tpu.memory_space<semaphore_mem>>) src(%dma_wait3A_45 : memref<8x4096xf32, #tpu.memory_space<hbm>>) dst(%arg5 : memref<8x4096xf32, #tpu.memory_space<vmem>>)
    %parallel_loop3A_46 = arith.constant 0 : i32
    %parallel_loop3A_47 = arith.constant 2048 : i32
    %parallel_loop3A_48 = arith.constant 1 : i32
    scf.for %parallel_loop3A_627 = %parallel_loop3A_46 to %parallel_loop3A_47 step %parallel_loop3A_48  : i32 {
      %parallel_loop3A_628 = arith.constant 8 : i32
      %parallel_loop3A_629 = arith.shrui %parallel_loop3A_627, %parallel_loop3A_628 : i32
      %parallel_loop3A_630 = arith.constant 255 : i32
      %parallel_loop3A_631 = arith.andi %parallel_loop3A_627, %parallel_loop3A_630 : i32
      %parallel_loop3A_632 = arith.constant 4 : i32
      %parallel_loop3A_633 = arith.shli %parallel_loop3A_631, %parallel_loop3A_632 : i32
      %parallel_loop3A_634 = arith.index_cast %parallel_loop3A_629 : i32 to index
      %parallel_loop3A_635 = arith.index_cast %parallel_loop3A_633 : i32 to index
      %parallel_loop3A_636 = tpu.vector_load %arg5[%parallel_loop3A_634, %parallel_loop3A_635] {strides = array<i32>} : memref<8x4096xf32, #tpu.memory_space<vmem>>, vector<16xf32>,
      %parallel_loop3A_637 = arith.mulf %parallel_loop3A_636, %div3A_14 : vector<16xf32>
      %parallel_loop3A_638 = arith.addf %parallel_loop3A_637, %add3A_20 : vector<16xf32>
      %parallel_loop3A_639 = vector.bitcast %parallel_loop3A_638 : vector<16xf32> to vector<16xi32>
      %parallel_loop3A_640 = arith.andi %parallel_loop3A_639, %broadcast_in_dim3A_24 : vector<16xi32>
      %parallel_loop3A_641 = arith.ori %parallel_loop3A_640, %iota3A : vector<16xi32>
      tpu.vector_store_idx %arg8[%parallel_loop3A_641], %broadcast_in_dim3A_22 {add = true} : memref<6528xf32, #tpu.memory_space<vmem>>[vector<16xi32>], vector<16xf32>,
    } {sc.loop_unroll_factor = 8 : i64, sc.parallel_access}
    %add3A_49 = arith.constant 16 : i32
    %add3A_50 = arith.addi %mul3A_2, %add3A_49 : i32
    %dma_start3A_51 = arith.constant 0 : i32
    %dma_start3A_52 = arith.constant 0 : i32
    %dma_start3A_53 = tpu.memref_slice %arg2[%dma_start3A_51, %add3A_50, %dma_start3A_52] : memref<4x4096x4096xf32, #tpu.memory_space<hbm>> -> memref<1x8x4096xf32, #tpu.memory_space<hbm>>
    %dma_start3A_54 = tpu.memref_squeeze %dma_start3A_53 : memref<1x8x4096xf32, #tpu.memory_space<hbm>> -> memref<8x4096xf32, #tpu.memory_space<hbm>>
    %dma_start3A_55 = arith.constant 0 : i32
    %dma_start3A_56 = tpu.memref_slice %arg2[%dma_start3A_51, %add3A_50, %dma_start3A_55] : memref<4x4096x4096xf32, #tpu.memory_space<hbm>> -> memref<1x8x4096xf32, #tpu.memory_space<hbm>>
    %dma_start3A_57 = tpu.memref_squeeze %dma_start3A_56 : memref<1x8x4096xf32, #tpu.memory_space<hbm>> -> memref<8x4096xf32, #tpu.memory_space<hbm>>
    tpu.enqueue_dma source(%dma_start3A_57 : memref<8x4096xf32, #tpu.memory_space<hbm>>) target(%arg5 : memref<8x4096xf32, #tpu.memory_space<vmem>>) target_semaphore(%arg10 : memref<!tpu.dma_semaphore, #tpu.memory_space<semaphore_mem>>)
    %dma_wait3A_58 = arith.constant 0 : i32
    %dma_wait3A_59 = arith.constant 0 : i32
    %dma_wait3A_60 = tpu.memref_slice %arg2[%dma_wait3A_58, %add3A_32, %dma_wait3A_59] : memref<4x4096x4096xf32, #tpu.memory_space<hbm>> -> memref<1x8x4096xf32, #tpu.memory_space<hbm>>
    %dma_wait3A_61 = tpu.memref_squeeze %dma_wait3A_60 : memref<1x8x4096xf32, #tpu.memory_space<hbm>> -> memref<8x4096xf32, #tpu.memory_space<hbm>>
    %dma_wait3A_62 = arith.constant 0 : i32
    %dma_wait3A_63 = tpu.memref_slice %arg2[%dma_wait3A_58, %add3A_32, %dma_wait3A_62] : memref<4x4096x4096xf32, #tpu.memory_space<hbm>> -> memref<1x8x4096xf32, #tpu.memory_space<hbm>>
    %dma_wait3A_64 = tpu.memref_squeeze %dma_wait3A_63 : memref<1x8x4096xf32, #tpu.memory_space<hbm>> -> memref<8x4096xf32, #tpu.memory_space<hbm>>
    tpu.wait_dma2 semaphore(%arg11 : memref<!tpu.dma_semaphore, #tpu.memory_space<semaphore_mem>>) src(%dma_wait3A_64 : memref<8x4096xf32, #tpu.memory_space<hbm>>) dst(%arg6 : memref<8x4096xf32, #tpu.memory_space<vmem>>)
    %parallel_loop3A_65 = arith.constant 0 : i32
    %parallel_loop3A_66 = arith.constant 2048 : i32
    %parallel_loop3A_67 = arith.constant 1 : i32
    scf.for %parallel_loop3A_627 = %parallel_loop3A_65 to %parallel_loop3A_66 step %parallel_loop3A_67  : i32 {
      %parallel_loop3A_628 = arith.constant 8 : i32
      %parallel_loop3A_629 = arith.shrui %parallel_loop3A_627, %parallel_loop3A_628 : i32
      %parallel_loop3A_630 = arith.constant 255 : i32
      %parallel_loop3A_631 = arith.andi %parallel_loop3A_627, %parallel_loop3A_630 : i32
      %parallel_loop3A_632 = arith.constant 4 : i32
      %parallel_loop3A_633 = arith.shli %parallel_loop3A_631, %parallel_loop3A_632 : i32
      %parallel_loop3A_634 = arith.index_cast %parallel_loop3A_629 : i32 to index
      %parallel_loop3A_635 = arith.index_cast %parallel_loop3A_633 : i32 to index
      %parallel_loop3A_636 = tpu.vector_load %arg6[%parallel_loop3A_634, %parallel_loop3A_635] {strides = array<i32>} : memref<8x4096xf32, #tpu.memory_space<vmem>>, vector<16xf32>,
      %parallel_loop3A_637 = arith.mulf %parallel_loop3A_636, %div3A_14 : vector<16xf32>
      %parallel_loop3A_638 = arith.addf %parallel_loop3A_637, %add3A_20 : vector<16xf32>
      %parallel_loop3A_639 = vector.bitcast %parallel_loop3A_638 : vector<16xf32> to vector<16xi32>
      %parallel_loop3A_640 = arith.andi %parallel_loop3A_639, %broadcast_in_dim3A_24 : vector<16xi32>
      %parallel_loop3A_641 = arith.ori %parallel_loop3A_640, %iota3A : vector<16xi32>
      tpu.vector_store_idx %arg8[%parallel_loop3A_641], %broadcast_in_dim3A_22 {add = true} : memref<6528xf32, #tpu.memory_space<vmem>>[vector<16xi32>], vector<16xf32>,
    } {sc.loop_unroll_factor = 8 : i64, sc.parallel_access}
    %add3A_68 = arith.constant 24 : i32
    %add3A_69 = arith.addi %mul3A_2, %add3A_68 : i32
    %dma_start3A_70 = arith.constant 0 : i32
    %dma_start3A_71 = arith.constant 0 : i32
    %dma_start3A_72 = tpu.memref_slice %arg2[%dma_start3A_70, %add3A_69, %dma_start3A_71] : memref<4x4096x4096xf32, #tpu.memory_space<hbm>> -> memref<1x8x4096xf32, #tpu.memory_space<hbm>>
    %dma_start3A_73 = tpu.memref_squeeze %dma_start3A_72 : memref<1x8x4096xf32, #tpu.memory_space<hbm>> -> memref<8x4096xf32, #tpu.memory_space<hbm>>
    %dma_start3A_74 = arith.constant 0 : i32
    %dma_start3A_75 = tpu.memref_slice %arg2[%dma_start3A_70, %add3A_69, %dma_start3A_74] : memref<4x4096x4096xf32, #tpu.memory_space<hbm>> -> memref<1x8x4096xf32, #tpu.memory_space<hbm>>
    %dma_start3A_76 = tpu.memref_squeeze %dma_start3A_75 : memref<1x8x4096xf32, #tpu.memory_space<hbm>> -> memref<8x4096xf32, #tpu.memory_space<hbm>>
    tpu.enqueue_dma source(%dma_start3A_76 : memref<8x4096xf32, #tpu.memory_space<hbm>>) target(%arg6 : memref<8x4096xf32, #tpu.memory_space<vmem>>) target_semaphore(%arg11 : memref<!tpu.dma_semaphore, #tpu.memory_space<semaphore_mem>>)
    %dma_wait3A_77 = arith.constant 0 : i32
    %dma_wait3A_78 = arith.constant 0 : i32
    %dma_wait3A_79 = tpu.memref_slice %arg2[%dma_wait3A_77, %add3A_50, %dma_wait3A_78] : memref<4x4096x4096xf32, #tpu.memory_space<hbm>> -> memref<1x8x4096xf32, #tpu.memory_space<hbm>>
    %dma_wait3A_80 = tpu.memref_squeeze %dma_wait3A_79 : memref<1x8x4096xf32, #tpu.memory_space<hbm>> -> memref<8x4096xf32, #tpu.memory_space<hbm>>
    %dma_wait3A_81 = arith.constant 0 : i32
    %dma_wait3A_82 = tpu.memref_slice %arg2[%dma_wait3A_77, %add3A_50, %dma_wait3A_81] : memref<4x4096x4096xf32, #tpu.memory_space<hbm>> -> memref<1x8x4096xf32, #tpu.memory_space<hbm>>
    %dma_wait3A_83 = tpu.memref_squeeze %dma_wait3A_82 : memref<1x8x4096xf32, #tpu.memory_space<hbm>> -> memref<8x4096xf32, #tpu.memory_space<hbm>>
    tpu.wait_dma2 semaphore(%arg10 : memref<!tpu.dma_semaphore, #tpu.memory_space<semaphore_mem>>) src(%dma_wait3A_83 : memref<8x4096xf32, #tpu.memory_space<hbm>>) dst(%arg5 : memref<8x4096xf32, #tpu.memory_space<vmem>>)
    %parallel_loop3A_84 = arith.constant 0 : i32
    %parallel_loop3A_85 = arith.constant 2048 : i32
    %parallel_loop3A_86 = arith.constant 1 : i32
    scf.for %parallel_loop3A_627 = %parallel_loop3A_84 to %parallel_loop3A_85 step %parallel_loop3A_86  : i32 {
      %parallel_loop3A_628 = arith.constant 8 : i32
      %parallel_loop3A_629 = arith.shrui %parallel_loop3A_627, %parallel_loop3A_628 : i32
      %parallel_loop3A_630 = arith.constant 255 : i32
      %parallel_loop3A_631 = arith.andi %parallel_loop3A_627, %parallel_loop3A_630 : i32
      %parallel_loop3A_632 = arith.constant 4 : i32
      %parallel_loop3A_633 = arith.shli %parallel_loop3A_631, %parallel_loop3A_632 : i32
      %parallel_loop3A_634 = arith.index_cast %parallel_loop3A_629 : i32 to index
      %parallel_loop3A_635 = arith.index_cast %parallel_loop3A_633 : i32 to index
      %parallel_loop3A_636 = tpu.vector_load %arg5[%parallel_loop3A_634, %parallel_loop3A_635] {strides = array<i32>} : memref<8x4096xf32, #tpu.memory_space<vmem>>, vector<16xf32>,
      %parallel_loop3A_637 = arith.mulf %parallel_loop3A_636, %div3A_14 : vector<16xf32>
      %parallel_loop3A_638 = arith.addf %parallel_loop3A_637, %add3A_20 : vector<16xf32>
      %parallel_loop3A_639 = vector.bitcast %parallel_loop3A_638 : vector<16xf32> to vector<16xi32>
      %parallel_loop3A_640 = arith.andi %parallel_loop3A_639, %broadcast_in_dim3A_24 : vector<16xi32>
      %parallel_loop3A_641 = arith.ori %parallel_loop3A_640, %iota3A : vector<16xi32>
      tpu.vector_store_idx %arg8[%parallel_loop3A_641], %broadcast_in_dim3A_22 {add = true} : memref<6528xf32, #tpu.memory_space<vmem>>[vector<16xi32>], vector<16xf32>,
    } {sc.loop_unroll_factor = 8 : i64, sc.parallel_access}
    %add3A_87 = arith.constant 32 : i32
    %add3A_88 = arith.addi %mul3A_2, %add3A_87 : i32
    %dma_start3A_89 = arith.constant 0 : i32
    %dma_start3A_90 = arith.constant 0 : i32
    %dma_start3A_91 = tpu.memref_slice %arg2[%dma_start3A_89, %add3A_88, %dma_start3A_90] : memref<4x4096x4096xf32, #tpu.memory_space<hbm>> -> memref<1x8x4096xf32, #tpu.memory_space<hbm>>
    %dma_start3A_92 = tpu.memref_squeeze %dma_start3A_91 : memref<1x8x4096xf32, #tpu.memory_space<hbm>> -> memref<8x4096xf32, #tpu.memory_space<hbm>>
    %dma_start3A_93 = arith.constant 0 : i32
    %dma_start3A_94 = tpu.memref_slice %arg2[%dma_start3A_89, %add3A_88, %dma_start3A_93] : memref<4x4096x4096xf32, #tpu.memory_space<hbm>> -> memref<1x8x4096xf32, #tpu.memory_space<hbm>>
    %dma_start3A_95 = tpu.memref_squeeze %dma_start3A_94 : memref<1x8x4096xf32, #tpu.memory_space<hbm>> -> memref<8x4096xf32, #tpu.memory_space<hbm>>
    tpu.enqueue_dma source(%dma_start3A_95 : memref<8x4096xf32, #tpu.memory_space<hbm>>) target(%arg5 : memref<8x4096xf32, #tpu.memory_space<vmem>>) target_semaphore(%arg10 : memref<!tpu.dma_semaphore, #tpu.memory_space<semaphore_mem>>)
    %dma_wait3A_96 = arith.constant 0 : i32
    %dma_wait3A_97 = arith.constant 0 : i32
    %dma_wait3A_98 = tpu.memref_slice %arg2[%dma_wait3A_96, %add3A_69, %dma_wait3A_97] : memref<4x4096x4096xf32, #tpu.memory_space<hbm>> -> memref<1x8x4096xf32, #tpu.memory_space<hbm>>
    %dma_wait3A_99 = tpu.memref_squeeze %dma_wait3A_98 : memref<1x8x4096xf32, #tpu.memory_space<hbm>> -> memref<8x4096xf32, #tpu.memory_space<hbm>>
    %dma_wait3A_100 = arith.constant 0 : i32
    %dma_wait3A_101 = tpu.memref_slice %arg2[%dma_wait3A_96, %add3A_69, %dma_wait3A_100] : memref<4x4096x4096xf32, #tpu.memory_space<hbm>> -> memref<1x8x4096xf32, #tpu.memory_space<hbm>>
    %dma_wait3A_102 = tpu.memref_squeeze %dma_wait3A_101 : memref<1x8x4096xf32, #tpu.memory_space<hbm>> -> memref<8x4096xf32, #tpu.memory_space<hbm>>
    tpu.wait_dma2 semaphore(%arg11 : memref<!tpu.dma_semaphore, #tpu.memory_space<semaphore_mem>>) src(%dma_wait3A_102 : memref<8x4096xf32, #tpu.memory_space<hbm>>) dst(%arg6 : memref<8x4096xf32, #tpu.memory_space<vmem>>)
    %parallel_loop3A_103 = arith.constant 0 : i32
    %parallel_loop3A_104 = arith.constant 2048 : i32
    %parallel_loop3A_105 = arith.constant 1 : i32
    scf.for %parallel_loop3A_627 = %parallel_loop3A_103 to %parallel_loop3A_104 step %parallel_loop3A_105  : i32 {
      %parallel_loop3A_628 = arith.constant 8 : i32
      %parallel_loop3A_629 = arith.shrui %parallel_loop3A_627, %parallel_loop3A_628 : i32
      %parallel_loop3A_630 = arith.constant 255 : i32
      %parallel_loop3A_631 = arith.andi %parallel_loop3A_627, %parallel_loop3A_630 : i32
      %parallel_loop3A_632 = arith.constant 4 : i32
      %parallel_loop3A_633 = arith.shli %parallel_loop3A_631, %parallel_loop3A_632 : i32
      %parallel_loop3A_634 = arith.index_cast %parallel_loop3A_629 : i32 to index
      %parallel_loop3A_635 = arith.index_cast %parallel_loop3A_633 : i32 to index
      %parallel_loop3A_636 = tpu.vector_load %arg6[%parallel_loop3A_634, %parallel_loop3A_635] {strides = array<i32>} : memref<8x4096xf32, #tpu.memory_space<vmem>>, vector<16xf32>,
      %parallel_loop3A_637 = arith.mulf %parallel_loop3A_636, %div3A_14 : vector<16xf32>
      %parallel_loop3A_638 = arith.addf %parallel_loop3A_637, %add3A_20 : vector<16xf32>
      %parallel_loop3A_639 = vector.bitcast %parallel_loop3A_638 : vector<16xf32> to vector<16xi32>
      %parallel_loop3A_640 = arith.andi %parallel_loop3A_639, %broadcast_in_dim3A_24 : vector<16xi32>
      %parallel_loop3A_641 = arith.ori %parallel_loop3A_640, %iota3A : vector<16xi32>
      tpu.vector_store_idx %arg8[%parallel_loop3A_641], %broadcast_in_dim3A_22 {add = true} : memref<6528xf32, #tpu.memory_space<vmem>>[vector<16xi32>], vector<16xf32>,
    } {sc.loop_unroll_factor = 8 : i64, sc.parallel_access}
    %add3A_106 = arith.constant 40 : i32
    %add3A_107 = arith.addi %mul3A_2, %add3A_106 : i32
    %dma_start3A_108 = arith.constant 0 : i32
    %dma_start3A_109 = arith.constant 0 : i32
    %dma_start3A_110 = tpu.memref_slice %arg2[%dma_start3A_108, %add3A_107, %dma_start3A_109] : memref<4x4096x4096xf32, #tpu.memory_space<hbm>> -> memref<1x8x4096xf32, #tpu.memory_space<hbm>>
    %dma_start3A_111 = tpu.memref_squeeze %dma_start3A_110 : memref<1x8x4096xf32, #tpu.memory_space<hbm>> -> memref<8x4096xf32, #tpu.memory_space<hbm>>
    %dma_start3A_112 = arith.constant 0 : i32
    %dma_start3A_113 = tpu.memref_slice %arg2[%dma_start3A_108, %add3A_107, %dma_start3A_112] : memref<4x4096x4096xf32, #tpu.memory_space<hbm>> -> memref<1x8x4096xf32, #tpu.memory_space<hbm>>
    %dma_start3A_114 = tpu.memref_squeeze %dma_start3A_113 : memref<1x8x4096xf32, #tpu.memory_space<hbm>> -> memref<8x4096xf32, #tpu.memory_space<hbm>>
    tpu.enqueue_dma source(%dma_start3A_114 : memref<8x4096xf32, #tpu.memory_space<hbm>>) target(%arg6 : memref<8x4096xf32, #tpu.memory_space<vmem>>) target_semaphore(%arg11 : memref<!tpu.dma_semaphore, #tpu.memory_space<semaphore_mem>>)
    %dma_wait3A_115 = arith.constant 0 : i32
    %dma_wait3A_116 = arith.constant 0 : i32
    %dma_wait3A_117 = tpu.memref_slice %arg2[%dma_wait3A_115, %add3A_88, %dma_wait3A_116] : memref<4x4096x4096xf32, #tpu.memory_space<hbm>> -> memref<1x8x4096xf32, #tpu.memory_space<hbm>>
    %dma_wait3A_118 = tpu.memref_squeeze %dma_wait3A_117 : memref<1x8x4096xf32, #tpu.memory_space<hbm>> -> memref<8x4096xf32, #tpu.memory_space<hbm>>
    %dma_wait3A_119 = arith.constant 0 : i32
    %dma_wait3A_120 = tpu.memref_slice %arg2[%dma_wait3A_115, %add3A_88, %dma_wait3A_119] : memref<4x4096x4096xf32, #tpu.memory_space<hbm>> -> memref<1x8x4096xf32, #tpu.memory_space<hbm>>
    %dma_wait3A_121 = tpu.memref_squeeze %dma_wait3A_120 : memref<1x8x4096xf32, #tpu.memory_space<hbm>> -> memref<8x4096xf32, #tpu.memory_space<hbm>>
    tpu.wait_dma2 semaphore(%arg10 : memref<!tpu.dma_semaphore, #tpu.memory_space<semaphore_mem>>) src(%dma_wait3A_121 : memref<8x4096xf32, #tpu.memory_space<hbm>>) dst(%arg5 : memref<8x4096xf32, #tpu.memory_space<vmem>>)
    %parallel_loop3A_122 = arith.constant 0 : i32
    %parallel_loop3A_123 = arith.constant 2048 : i32
    %parallel_loop3A_124 = arith.constant 1 : i32
    scf.for %parallel_loop3A_627 = %parallel_loop3A_122 to %parallel_loop3A_123 step %parallel_loop3A_124  : i32 {
      %parallel_loop3A_628 = arith.constant 8 : i32
      %parallel_loop3A_629 = arith.shrui %parallel_loop3A_627, %parallel_loop3A_628 : i32
      %parallel_loop3A_630 = arith.constant 255 : i32
      %parallel_loop3A_631 = arith.andi %parallel_loop3A_627, %parallel_loop3A_630 : i32
      %parallel_loop3A_632 = arith.constant 4 : i32
      %parallel_loop3A_633 = arith.shli %parallel_loop3A_631, %parallel_loop3A_632 : i32
      %parallel_loop3A_634 = arith.index_cast %parallel_loop3A_629 : i32 to index
      %parallel_loop3A_635 = arith.index_cast %parallel_loop3A_633 : i32 to index
      %parallel_loop3A_636 = tpu.vector_load %arg5[%parallel_loop3A_634, %parallel_loop3A_635] {strides = array<i32>} : memref<8x4096xf32, #tpu.memory_space<vmem>>, vector<16xf32>,
      %parallel_loop3A_637 = arith.mulf %parallel_loop3A_636, %div3A_14 : vector<16xf32>
      %parallel_loop3A_638 = arith.addf %parallel_loop3A_637, %add3A_20 : vector<16xf32>
      %parallel_loop3A_639 = vector.bitcast %parallel_loop3A_638 : vector<16xf32> to vector<16xi32>
      %parallel_loop3A_640 = arith.andi %parallel_loop3A_639, %broadcast_in_dim3A_24 : vector<16xi32>
      %parallel_loop3A_641 = arith.ori %parallel_loop3A_640, %iota3A : vector<16xi32>
      tpu.vector_store_idx %arg8[%parallel_loop3A_641], %broadcast_in_dim3A_22 {add = true} : memref<6528xf32, #tpu.memory_space<vmem>>[vector<16xi32>], vector<16xf32>,
    } {sc.loop_unroll_factor = 8 : i64, sc.parallel_access}
    %add3A_125 = arith.constant 48 : i32
    %add3A_126 = arith.addi %mul3A_2, %add3A_125 : i32
    %dma_start3A_127 = arith.constant 0 : i32
    %dma_start3A_128 = arith.constant 0 : i32
    %dma_start3A_129 = tpu.memref_slice %arg2[%dma_start3A_127, %add3A_126, %dma_start3A_128] : memref<4x4096x4096xf32, #tpu.memory_space<hbm>> -> memref<1x8x4096xf32, #tpu.memory_space<hbm>>
    %dma_start3A_130 = tpu.memref_squeeze %dma_start3A_129 : memref<1x8x4096xf32, #tpu.memory_space<hbm>> -> memref<8x4096xf32, #tpu.memory_space<hbm>>
    %dma_start3A_131 = arith.constant 0 : i32
    %dma_start3A_132 = tpu.memref_slice %arg2[%dma_start3A_127, %add3A_126, %dma_start3A_131] : memref<4x4096x4096xf32, #tpu.memory_space<hbm>> -> memref<1x8x4096xf32, #tpu.memory_space<hbm>>
    %dma_start3A_133 = tpu.memref_squeeze %dma_start3A_132 : memref<1x8x4096xf32, #tpu.memory_space<hbm>> -> memref<8x4096xf32, #tpu.memory_space<hbm>>
    tpu.enqueue_dma source(%dma_start3A_133 : memref<8x4096xf32, #tpu.memory_space<hbm>>) target(%arg5 : memref<8x4096xf32, #tpu.memory_space<vmem>>) target_semaphore(%arg10 : memref<!tpu.dma_semaphore, #tpu.memory_space<semaphore_mem>>)
    %dma_wait3A_134 = arith.constant 0 : i32
    %dma_wait3A_135 = arith.constant 0 : i32
    %dma_wait3A_136 = tpu.memref_slice %arg2[%dma_wait3A_134, %add3A_107, %dma_wait3A_135] : memref<4x4096x4096xf32, #tpu.memory_space<hbm>> -> memref<1x8x4096xf32, #tpu.memory_space<hbm>>
    %dma_wait3A_137 = tpu.memref_squeeze %dma_wait3A_136 : memref<1x8x4096xf32, #tpu.memory_space<hbm>> -> memref<8x4096xf32, #tpu.memory_space<hbm>>
    %dma_wait3A_138 = arith.constant 0 : i32
    %dma_wait3A_139 = tpu.memref_slice %arg2[%dma_wait3A_134, %add3A_107, %dma_wait3A_138] : memref<4x4096x4096xf32, #tpu.memory_space<hbm>> -> memref<1x8x4096xf32, #tpu.memory_space<hbm>>
    %dma_wait3A_140 = tpu.memref_squeeze %dma_wait3A_139 : memref<1x8x4096xf32, #tpu.memory_space<hbm>> -> memref<8x4096xf32, #tpu.memory_space<hbm>>
    tpu.wait_dma2 semaphore(%arg11 : memref<!tpu.dma_semaphore, #tpu.memory_space<semaphore_mem>>) src(%dma_wait3A_140 : memref<8x4096xf32, #tpu.memory_space<hbm>>) dst(%arg6 : memref<8x4096xf32, #tpu.memory_space<vmem>>)
    %parallel_loop3A_141 = arith.constant 0 : i32
    %parallel_loop3A_142 = arith.constant 2048 : i32
    %parallel_loop3A_143 = arith.constant 1 : i32
    scf.for %parallel_loop3A_627 = %parallel_loop3A_141 to %parallel_loop3A_142 step %parallel_loop3A_143  : i32 {
      %parallel_loop3A_628 = arith.constant 8 : i32
      %parallel_loop3A_629 = arith.shrui %parallel_loop3A_627, %parallel_loop3A_628 : i32
      %parallel_loop3A_630 = arith.constant 255 : i32
      %parallel_loop3A_631 = arith.andi %parallel_loop3A_627, %parallel_loop3A_630 : i32
      %parallel_loop3A_632 = arith.constant 4 : i32
      %parallel_loop3A_633 = arith.shli %parallel_loop3A_631, %parallel_loop3A_632 : i32
      %parallel_loop3A_634 = arith.index_cast %parallel_loop3A_629 : i32 to index
      %parallel_loop3A_635 = arith.index_cast %parallel_loop3A_633 : i32 to index
      %parallel_loop3A_636 = tpu.vector_load %arg6[%parallel_loop3A_634, %parallel_loop3A_635] {strides = array<i32>} : memref<8x4096xf32, #tpu.memory_space<vmem>>, vector<16xf32>,
      %parallel_loop3A_637 = arith.mulf %parallel_loop3A_636, %div3A_14 : vector<16xf32>
      %parallel_loop3A_638 = arith.addf %parallel_loop3A_637, %add3A_20 : vector<16xf32>
      %parallel_loop3A_639 = vector.bitcast %parallel_loop3A_638 : vector<16xf32> to vector<16xi32>
      %parallel_loop3A_640 = arith.andi %parallel_loop3A_639, %broadcast_in_dim3A_24 : vector<16xi32>
      %parallel_loop3A_641 = arith.ori %parallel_loop3A_640, %iota3A : vector<16xi32>
      tpu.vector_store_idx %arg8[%parallel_loop3A_641], %broadcast_in_dim3A_22 {add = true} : memref<6528xf32, #tpu.memory_space<vmem>>[vector<16xi32>], vector<16xf32>,
    } {sc.loop_unroll_factor = 8 : i64, sc.parallel_access}
    %add3A_144 = arith.constant 56 : i32
    %add3A_145 = arith.addi %mul3A_2, %add3A_144 : i32
    %dma_start3A_146 = arith.constant 0 : i32
    %dma_start3A_147 = arith.constant 0 : i32
    %dma_start3A_148 = tpu.memref_slice %arg2[%dma_start3A_146, %add3A_145, %dma_start3A_147] : memref<4x4096x4096xf32, #tpu.memory_space<hbm>> -> memref<1x8x4096xf32, #tpu.memory_space<hbm>>
    %dma_start3A_149 = tpu.memref_squeeze %dma_start3A_148 : memref<1x8x4096xf32, #tpu.memory_space<hbm>> -> memref<8x4096xf32, #tpu.memory_space<hbm>>
    %dma_start3A_150 = arith.constant 0 : i32
    %dma_start3A_151 = tpu.memref_slice %arg2[%dma_start3A_146, %add3A_145, %dma_start3A_150] : memref<4x4096x4096xf32, #tpu.memory_space<hbm>> -> memref<1x8x4096xf32, #tpu.memory_space<hbm>>
    %dma_start3A_152 = tpu.memref_squeeze %dma_start3A_151 : memref<1x8x4096xf32, #tpu.memory_space<hbm>> -> memref<8x4096xf32, #tpu.memory_space<hbm>>
    tpu.enqueue_dma source(%dma_start3A_152 : memref<8x4096xf32, #tpu.memory_space<hbm>>) target(%arg6 : memref<8x4096xf32, #tpu.memory_space<vmem>>) target_semaphore(%arg11 : memref<!tpu.dma_semaphore, #tpu.memory_space<semaphore_mem>>)
    %dma_wait3A_153 = arith.constant 0 : i32
    %dma_wait3A_154 = arith.constant 0 : i32
    %dma_wait3A_155 = tpu.memref_slice %arg2[%dma_wait3A_153, %add3A_126, %dma_wait3A_154] : memref<4x4096x4096xf32, #tpu.memory_space<hbm>> -> memref<1x8x4096xf32, #tpu.memory_space<hbm>>
    %dma_wait3A_156 = tpu.memref_squeeze %dma_wait3A_155 : memref<1x8x4096xf32, #tpu.memory_space<hbm>> -> memref<8x4096xf32, #tpu.memory_space<hbm>>
    %dma_wait3A_157 = arith.constant 0 : i32
    %dma_wait3A_158 = tpu.memref_slice %arg2[%dma_wait3A_153, %add3A_126, %dma_wait3A_157] : memref<4x4096x4096xf32, #tpu.memory_space<hbm>> -> memref<1x8x4096xf32, #tpu.memory_space<hbm>>
    %dma_wait3A_159 = tpu.memref_squeeze %dma_wait3A_158 : memref<1x8x4096xf32, #tpu.memory_space<hbm>> -> memref<8x4096xf32, #tpu.memory_space<hbm>>
    tpu.wait_dma2 semaphore(%arg10 : memref<!tpu.dma_semaphore, #tpu.memory_space<semaphore_mem>>) src(%dma_wait3A_159 : memref<8x4096xf32, #tpu.memory_space<hbm>>) dst(%arg5 : memref<8x4096xf32, #tpu.memory_space<vmem>>)
    %parallel_loop3A_160 = arith.constant 0 : i32
    %parallel_loop3A_161 = arith.constant 2048 : i32
    %parallel_loop3A_162 = arith.constant 1 : i32
    scf.for %parallel_loop3A_627 = %parallel_loop3A_160 to %parallel_loop3A_161 step %parallel_loop3A_162  : i32 {
      %parallel_loop3A_628 = arith.constant 8 : i32
      %parallel_loop3A_629 = arith.shrui %parallel_loop3A_627, %parallel_loop3A_628 : i32
      %parallel_loop3A_630 = arith.constant 255 : i32
      %parallel_loop3A_631 = arith.andi %parallel_loop3A_627, %parallel_loop3A_630 : i32
      %parallel_loop3A_632 = arith.constant 4 : i32
      %parallel_loop3A_633 = arith.shli %parallel_loop3A_631, %parallel_loop3A_632 : i32
      %parallel_loop3A_634 = arith.index_cast %parallel_loop3A_629 : i32 to index
      %parallel_loop3A_635 = arith.index_cast %parallel_loop3A_633 : i32 to index
      %parallel_loop3A_636 = tpu.vector_load %arg5[%parallel_loop3A_634, %parallel_loop3A_635] {strides = array<i32>} : memref<8x4096xf32, #tpu.memory_space<vmem>>, vector<16xf32>,
      %parallel_loop3A_637 = arith.mulf %parallel_loop3A_636, %div3A_14 : vector<16xf32>
      %parallel_loop3A_638 = arith.addf %parallel_loop3A_637, %add3A_20 : vector<16xf32>
      %parallel_loop3A_639 = vector.bitcast %parallel_loop3A_638 : vector<16xf32> to vector<16xi32>
      %parallel_loop3A_640 = arith.andi %parallel_loop3A_639, %broadcast_in_dim3A_24 : vector<16xi32>
      %parallel_loop3A_641 = arith.ori %parallel_loop3A_640, %iota3A : vector<16xi32>
      tpu.vector_store_idx %arg8[%parallel_loop3A_641], %broadcast_in_dim3A_22 {add = true} : memref<6528xf32, #tpu.memory_space<vmem>>[vector<16xi32>], vector<16xf32>,
    } {sc.loop_unroll_factor = 8 : i64, sc.parallel_access}
    %add3A_163 = arith.constant 64 : i32
    %add3A_164 = arith.addi %mul3A_2, %add3A_163 : i32
    %dma_start3A_165 = arith.constant 0 : i32
    %dma_start3A_166 = arith.constant 0 : i32
    %dma_start3A_167 = tpu.memref_slice %arg2[%dma_start3A_165, %add3A_164, %dma_start3A_166] : memref<4x4096x4096xf32, #tpu.memory_space<hbm>> -> memref<1x8x4096xf32, #tpu.memory_space<hbm>>
    %dma_start3A_168 = tpu.memref_squeeze %dma_start3A_167 : memref<1x8x4096xf32, #tpu.memory_space<hbm>> -> memref<8x4096xf32, #tpu.memory_space<hbm>>
    %dma_start3A_169 = arith.constant 0 : i32
    %dma_start3A_170 = tpu.memref_slice %arg2[%dma_start3A_165, %add3A_164, %dma_start3A_169] : memref<4x4096x4096xf32, #tpu.memory_space<hbm>> -> memref<1x8x4096xf32, #tpu.memory_space<hbm>>
    %dma_start3A_171 = tpu.memref_squeeze %dma_start3A_170 : memref<1x8x4096xf32, #tpu.memory_space<hbm>> -> memref<8x4096xf32, #tpu.memory_space<hbm>>
    tpu.enqueue_dma source(%dma_start3A_171 : memref<8x4096xf32, #tpu.memory_space<hbm>>) target(%arg5 : memref<8x4096xf32, #tpu.memory_space<vmem>>) target_semaphore(%arg10 : memref<!tpu.dma_semaphore, #tpu.memory_space<semaphore_mem>>)
    %dma_wait3A_172 = arith.constant 0 : i32
    %dma_wait3A_173 = arith.constant 0 : i32
    %dma_wait3A_174 = tpu.memref_slice %arg2[%dma_wait3A_172, %add3A_145, %dma_wait3A_173] : memref<4x4096x4096xf32, #tpu.memory_space<hbm>> -> memref<1x8x4096xf32, #tpu.memory_space<hbm>>
    %dma_wait3A_175 = tpu.memref_squeeze %dma_wait3A_174 : memref<1x8x4096xf32, #tpu.memory_space<hbm>> -> memref<8x4096xf32, #tpu.memory_space<hbm>>
    %dma_wait3A_176 = arith.constant 0 : i32
    %dma_wait3A_177 = tpu.memref_slice %arg2[%dma_wait3A_172, %add3A_145, %dma_wait3A_176] : memref<4x4096x4096xf32, #tpu.memory_space<hbm>> -> memref<1x8x4096xf32, #tpu.memory_space<hbm>>
    %dma_wait3A_178 = tpu.memref_squeeze %dma_wait3A_177 : memref<1x8x4096xf32, #tpu.memory_space<hbm>> -> memref<8x4096xf32, #tpu.memory_space<hbm>>
    tpu.wait_dma2 semaphore(%arg11 : memref<!tpu.dma_semaphore, #tpu.memory_space<semaphore_mem>>) src(%dma_wait3A_178 : memref<8x4096xf32, #tpu.memory_space<hbm>>) dst(%arg6 : memref<8x4096xf32, #tpu.memory_space<vmem>>)
    %parallel_loop3A_179 = arith.constant 0 : i32
    %parallel_loop3A_180 = arith.constant 2048 : i32
    %parallel_loop3A_181 = arith.constant 1 : i32
    scf.for %parallel_loop3A_627 = %parallel_loop3A_179 to %parallel_loop3A_180 step %parallel_loop3A_181  : i32 {
      %parallel_loop3A_628 = arith.constant 8 : i32
      %parallel_loop3A_629 = arith.shrui %parallel_loop3A_627, %parallel_loop3A_628 : i32
      %parallel_loop3A_630 = arith.constant 255 : i32
      %parallel_loop3A_631 = arith.andi %parallel_loop3A_627, %parallel_loop3A_630 : i32
      %parallel_loop3A_632 = arith.constant 4 : i32
      %parallel_loop3A_633 = arith.shli %parallel_loop3A_631, %parallel_loop3A_632 : i32
      %parallel_loop3A_634 = arith.index_cast %parallel_loop3A_629 : i32 to index
      %parallel_loop3A_635 = arith.index_cast %parallel_loop3A_633 : i32 to index
      %parallel_loop3A_636 = tpu.vector_load %arg6[%parallel_loop3A_634, %parallel_loop3A_635] {strides = array<i32>} : memref<8x4096xf32, #tpu.memory_space<vmem>>, vector<16xf32>,
      %parallel_loop3A_637 = arith.mulf %parallel_loop3A_636, %div3A_14 : vector<16xf32>
      %parallel_loop3A_638 = arith.addf %parallel_loop3A_637, %add3A_20 : vector<16xf32>
      %parallel_loop3A_639 = vector.bitcast %parallel_loop3A_638 : vector<16xf32> to vector<16xi32>
      %parallel_loop3A_640 = arith.andi %parallel_loop3A_639, %broadcast_in_dim3A_24 : vector<16xi32>
      %parallel_loop3A_641 = arith.ori %parallel_loop3A_640, %iota3A : vector<16xi32>
      tpu.vector_store_idx %arg8[%parallel_loop3A_641], %broadcast_in_dim3A_22 {add = true} : memref<6528xf32, #tpu.memory_space<vmem>>[vector<16xi32>], vector<16xf32>,
    } {sc.loop_unroll_factor = 8 : i64, sc.parallel_access}
    %add3A_182 = arith.constant 72 : i32
    %add3A_183 = arith.addi %mul3A_2, %add3A_182 : i32
    %dma_start3A_184 = arith.constant 0 : i32
    %dma_start3A_185 = arith.constant 0 : i32
    %dma_start3A_186 = tpu.memref_slice %arg2[%dma_start3A_184, %add3A_183, %dma_start3A_185] : memref<4x4096x4096xf32, #tpu.memory_space<hbm>> -> memref<1x8x4096xf32, #tpu.memory_space<hbm>>
    %dma_start3A_187 = tpu.memref_squeeze %dma_start3A_186 : memref<1x8x4096xf32, #tpu.memory_space<hbm>> -> memref<8x4096xf32, #tpu.memory_space<hbm>>
    %dma_start3A_188 = arith.constant 0 : i32
    %dma_start3A_189 = tpu.memref_slice %arg2[%dma_start3A_184, %add3A_183, %dma_start3A_188] : memref<4x4096x4096xf32, #tpu.memory_space<hbm>> -> memref<1x8x4096xf32, #tpu.memory_space<hbm>>
    %dma_start3A_190 = tpu.memref_squeeze %dma_start3A_189 : memref<1x8x4096xf32, #tpu.memory_space<hbm>> -> memref<8x4096xf32, #tpu.memory_space<hbm>>
    tpu.enqueue_dma source(%dma_start3A_190 : memref<8x4096xf32, #tpu.memory_space<hbm>>) target(%arg6 : memref<8x4096xf32, #tpu.memory_space<vmem>>) target_semaphore(%arg11 : memref<!tpu.dma_semaphore, #tpu.memory_space<semaphore_mem>>)
    %dma_wait3A_191 = arith.constant 0 : i32
    %dma_wait3A_192 = arith.constant 0 : i32
    %dma_wait3A_193 = tpu.memref_slice %arg2[%dma_wait3A_191, %add3A_164, %dma_wait3A_192] : memref<4x4096x4096xf32, #tpu.memory_space<hbm>> -> memref<1x8x4096xf32, #tpu.memory_space<hbm>>
    %dma_wait3A_194 = tpu.memref_squeeze %dma_wait3A_193 : memref<1x8x4096xf32, #tpu.memory_space<hbm>> -> memref<8x4096xf32, #tpu.memory_space<hbm>>
    %dma_wait3A_195 = arith.constant 0 : i32
    %dma_wait3A_196 = tpu.memref_slice %arg2[%dma_wait3A_191, %add3A_164, %dma_wait3A_195] : memref<4x4096x4096xf32, #tpu.memory_space<hbm>> -> memref<1x8x4096xf32, #tpu.memory_space<hbm>>
    %dma_wait3A_197 = tpu.memref_squeeze %dma_wait3A_196 : memref<1x8x4096xf32, #tpu.memory_space<hbm>> -> memref<8x4096xf32, #tpu.memory_space<hbm>>
    tpu.wait_dma2 semaphore(%arg10 : memref<!tpu.dma_semaphore, #tpu.memory_space<semaphore_mem>>) src(%dma_wait3A_197 : memref<8x4096xf32, #tpu.memory_space<hbm>>) dst(%arg5 : memref<8x4096xf32, #tpu.memory_space<vmem>>)
    %parallel_loop3A_198 = arith.constant 0 : i32
    %parallel_loop3A_199 = arith.constant 2048 : i32
    %parallel_loop3A_200 = arith.constant 1 : i32
    scf.for %parallel_loop3A_627 = %parallel_loop3A_198 to %parallel_loop3A_199 step %parallel_loop3A_200  : i32 {
      %parallel_loop3A_628 = arith.constant 8 : i32
      %parallel_loop3A_629 = arith.shrui %parallel_loop3A_627, %parallel_loop3A_628 : i32
      %parallel_loop3A_630 = arith.constant 255 : i32
      %parallel_loop3A_631 = arith.andi %parallel_loop3A_627, %parallel_loop3A_630 : i32
      %parallel_loop3A_632 = arith.constant 4 : i32
      %parallel_loop3A_633 = arith.shli %parallel_loop3A_631, %parallel_loop3A_632 : i32
      %parallel_loop3A_634 = arith.index_cast %parallel_loop3A_629 : i32 to index
      %parallel_loop3A_635 = arith.index_cast %parallel_loop3A_633 : i32 to index
      %parallel_loop3A_636 = tpu.vector_load %arg5[%parallel_loop3A_634, %parallel_loop3A_635] {strides = array<i32>} : memref<8x4096xf32, #tpu.memory_space<vmem>>, vector<16xf32>,
      %parallel_loop3A_637 = arith.mulf %parallel_loop3A_636, %div3A_14 : vector<16xf32>
      %parallel_loop3A_638 = arith.addf %parallel_loop3A_637, %add3A_20 : vector<16xf32>
      %parallel_loop3A_639 = vector.bitcast %parallel_loop3A_638 : vector<16xf32> to vector<16xi32>
      %parallel_loop3A_640 = arith.andi %parallel_loop3A_639, %broadcast_in_dim3A_24 : vector<16xi32>
      %parallel_loop3A_641 = arith.ori %parallel_loop3A_640, %iota3A : vector<16xi32>
      tpu.vector_store_idx %arg8[%parallel_loop3A_641], %broadcast_in_dim3A_22 {add = true} : memref<6528xf32, #tpu.memory_space<vmem>>[vector<16xi32>], vector<16xf32>,
    } {sc.loop_unroll_factor = 8 : i64, sc.parallel_access}
    %add3A_201 = arith.constant 80 : i32
    %add3A_202 = arith.addi %mul3A_2, %add3A_201 : i32
    %dma_start3A_203 = arith.constant 0 : i32
    %dma_start3A_204 = arith.constant 0 : i32
    %dma_start3A_205 = tpu.memref_slice %arg2[%dma_start3A_203, %add3A_202, %dma_start3A_204] : memref<4x4096x4096xf32, #tpu.memory_space<hbm>> -> memref<1x8x4096xf32, #tpu.memory_space<hbm>>
    %dma_start3A_206 = tpu.memref_squeeze %dma_start3A_205 : memref<1x8x4096xf32, #tpu.memory_space<hbm>> -> memref<8x4096xf32, #tpu.memory_space<hbm>>
    %dma_start3A_207 = arith.constant 0 : i32
    %dma_start3A_208 = tpu.memref_slice %arg2[%dma_start3A_203, %add3A_202, %dma_start3A_207] : memref<4x4096x4096xf32, #tpu.memory_space<hbm>> -> memref<1x8x4096xf32, #tpu.memory_space<hbm>>
    %dma_start3A_209 = tpu.memref_squeeze %dma_start3A_208 : memref<1x8x4096xf32, #tpu.memory_space<hbm>> -> memref<8x4096xf32, #tpu.memory_space<hbm>>
    tpu.enqueue_dma source(%dma_start3A_209 : memref<8x4096xf32, #tpu.memory_space<hbm>>) target(%arg5 : memref<8x4096xf32, #tpu.memory_space<vmem>>) target_semaphore(%arg10 : memref<!tpu.dma_semaphore, #tpu.memory_space<semaphore_mem>>)
    %dma_wait3A_210 = arith.constant 0 : i32
    %dma_wait3A_211 = arith.constant 0 : i32
    %dma_wait3A_212 = tpu.memref_slice %arg2[%dma_wait3A_210, %add3A_183, %dma_wait3A_211] : memref<4x4096x4096xf32, #tpu.memory_space<hbm>> -> memref<1x8x4096xf32, #tpu.memory_space<hbm>>
    %dma_wait3A_213 = tpu.memref_squeeze %dma_wait3A_212 : memref<1x8x4096xf32, #tpu.memory_space<hbm>> -> memref<8x4096xf32, #tpu.memory_space<hbm>>
    %dma_wait3A_214 = arith.constant 0 : i32
    %dma_wait3A_215 = tpu.memref_slice %arg2[%dma_wait3A_210, %add3A_183, %dma_wait3A_214] : memref<4x4096x4096xf32, #tpu.memory_space<hbm>> -> memref<1x8x4096xf32, #tpu.memory_space<hbm>>
    %dma_wait3A_216 = tpu.memref_squeeze %dma_wait3A_215 : memref<1x8x4096xf32, #tpu.memory_space<hbm>> -> memref<8x4096xf32, #tpu.memory_space<hbm>>
    tpu.wait_dma2 semaphore(%arg11 : memref<!tpu.dma_semaphore, #tpu.memory_space<semaphore_mem>>) src(%dma_wait3A_216 : memref<8x4096xf32, #tpu.memory_space<hbm>>) dst(%arg6 : memref<8x4096xf32, #tpu.memory_space<vmem>>)
    %parallel_loop3A_217 = arith.constant 0 : i32
    %parallel_loop3A_218 = arith.constant 2048 : i32
    %parallel_loop3A_219 = arith.constant 1 : i32
    scf.for %parallel_loop3A_627 = %parallel_loop3A_217 to %parallel_loop3A_218 step %parallel_loop3A_219  : i32 {
      %parallel_loop3A_628 = arith.constant 8 : i32
      %parallel_loop3A_629 = arith.shrui %parallel_loop3A_627, %parallel_loop3A_628 : i32
      %parallel_loop3A_630 = arith.constant 255 : i32
      %parallel_loop3A_631 = arith.andi %parallel_loop3A_627, %parallel_loop3A_630 : i32
      %parallel_loop3A_632 = arith.constant 4 : i32
      %parallel_loop3A_633 = arith.shli %parallel_loop3A_631, %parallel_loop3A_632 : i32
      %parallel_loop3A_634 = arith.index_cast %parallel_loop3A_629 : i32 to index
      %parallel_loop3A_635 = arith.index_cast %parallel_loop3A_633 : i32 to index
      %parallel_loop3A_636 = tpu.vector_load %arg6[%parallel_loop3A_634, %parallel_loop3A_635] {strides = array<i32>} : memref<8x4096xf32, #tpu.memory_space<vmem>>, vector<16xf32>,
      %parallel_loop3A_637 = arith.mulf %parallel_loop3A_636, %div3A_14 : vector<16xf32>
      %parallel_loop3A_638 = arith.addf %parallel_loop3A_637, %add3A_20 : vector<16xf32>
      %parallel_loop3A_639 = vector.bitcast %parallel_loop3A_638 : vector<16xf32> to vector<16xi32>
      %parallel_loop3A_640 = arith.andi %parallel_loop3A_639, %broadcast_in_dim3A_24 : vector<16xi32>
      %parallel_loop3A_641 = arith.ori %parallel_loop3A_640, %iota3A : vector<16xi32>
      tpu.vector_store_idx %arg8[%parallel_loop3A_641], %broadcast_in_dim3A_22 {add = true} : memref<6528xf32, #tpu.memory_space<vmem>>[vector<16xi32>], vector<16xf32>,
    } {sc.loop_unroll_factor = 8 : i64, sc.parallel_access}
    %add3A_220 = arith.constant 88 : i32
    %add3A_221 = arith.addi %mul3A_2, %add3A_220 : i32
    %dma_start3A_222 = arith.constant 0 : i32
    %dma_start3A_223 = arith.constant 0 : i32
    %dma_start3A_224 = tpu.memref_slice %arg2[%dma_start3A_222, %add3A_221, %dma_start3A_223] : memref<4x4096x4096xf32, #tpu.memory_space<hbm>> -> memref<1x8x4096xf32, #tpu.memory_space<hbm>>
    %dma_start3A_225 = tpu.memref_squeeze %dma_start3A_224 : memref<1x8x4096xf32, #tpu.memory_space<hbm>> -> memref<8x4096xf32, #tpu.memory_space<hbm>>
    %dma_start3A_226 = arith.constant 0 : i32
    %dma_start3A_227 = tpu.memref_slice %arg2[%dma_start3A_222, %add3A_221, %dma_start3A_226] : memref<4x4096x4096xf32, #tpu.memory_space<hbm>> -> memref<1x8x4096xf32, #tpu.memory_space<hbm>>
    %dma_start3A_228 = tpu.memref_squeeze %dma_start3A_227 : memref<1x8x4096xf32, #tpu.memory_space<hbm>> -> memref<8x4096xf32, #tpu.memory_space<hbm>>
    tpu.enqueue_dma source(%dma_start3A_228 : memref<8x4096xf32, #tpu.memory_space<hbm>>) target(%arg6 : memref<8x4096xf32, #tpu.memory_space<vmem>>) target_semaphore(%arg11 : memref<!tpu.dma_semaphore, #tpu.memory_space<semaphore_mem>>)
    %dma_wait3A_229 = arith.constant 0 : i32
    %dma_wait3A_230 = arith.constant 0 : i32
    %dma_wait3A_231 = tpu.memref_slice %arg2[%dma_wait3A_229, %add3A_202, %dma_wait3A_230] : memref<4x4096x4096xf32, #tpu.memory_space<hbm>> -> memref<1x8x4096xf32, #tpu.memory_space<hbm>>
    %dma_wait3A_232 = tpu.memref_squeeze %dma_wait3A_231 : memref<1x8x4096xf32, #tpu.memory_space<hbm>> -> memref<8x4096xf32, #tpu.memory_space<hbm>>
    %dma_wait3A_233 = arith.constant 0 : i32
    %dma_wait3A_234 = tpu.memref_slice %arg2[%dma_wait3A_229, %add3A_202, %dma_wait3A_233] : memref<4x4096x4096xf32, #tpu.memory_space<hbm>> -> memref<1x8x4096xf32, #tpu.memory_space<hbm>>
    %dma_wait3A_235 = tpu.memref_squeeze %dma_wait3A_234 : memref<1x8x4096xf32, #tpu.memory_space<hbm>> -> memref<8x4096xf32, #tpu.memory_space<hbm>>
    tpu.wait_dma2 semaphore(%arg10 : memref<!tpu.dma_semaphore, #tpu.memory_space<semaphore_mem>>) src(%dma_wait3A_235 : memref<8x4096xf32, #tpu.memory_space<hbm>>) dst(%arg5 : memref<8x4096xf32, #tpu.memory_space<vmem>>)
    %parallel_loop3A_236 = arith.constant 0 : i32
    %parallel_loop3A_237 = arith.constant 2048 : i32
    %parallel_loop3A_238 = arith.constant 1 : i32
    scf.for %parallel_loop3A_627 = %parallel_loop3A_236 to %parallel_loop3A_237 step %parallel_loop3A_238  : i32 {
      %parallel_loop3A_628 = arith.constant 8 : i32
      %parallel_loop3A_629 = arith.shrui %parallel_loop3A_627, %parallel_loop3A_628 : i32
      %parallel_loop3A_630 = arith.constant 255 : i32
      %parallel_loop3A_631 = arith.andi %parallel_loop3A_627, %parallel_loop3A_630 : i32
      %parallel_loop3A_632 = arith.constant 4 : i32
      %parallel_loop3A_633 = arith.shli %parallel_loop3A_631, %parallel_loop3A_632 : i32
      %parallel_loop3A_634 = arith.index_cast %parallel_loop3A_629 : i32 to index
      %parallel_loop3A_635 = arith.index_cast %parallel_loop3A_633 : i32 to index
      %parallel_loop3A_636 = tpu.vector_load %arg5[%parallel_loop3A_634, %parallel_loop3A_635] {strides = array<i32>} : memref<8x4096xf32, #tpu.memory_space<vmem>>, vector<16xf32>,
      %parallel_loop3A_637 = arith.mulf %parallel_loop3A_636, %div3A_14 : vector<16xf32>
      %parallel_loop3A_638 = arith.addf %parallel_loop3A_637, %add3A_20 : vector<16xf32>
      %parallel_loop3A_639 = vector.bitcast %parallel_loop3A_638 : vector<16xf32> to vector<16xi32>
      %parallel_loop3A_640 = arith.andi %parallel_loop3A_639, %broadcast_in_dim3A_24 : vector<16xi32>
      %parallel_loop3A_641 = arith.ori %parallel_loop3A_640, %iota3A : vector<16xi32>
      tpu.vector_store_idx %arg8[%parallel_loop3A_641], %broadcast_in_dim3A_22 {add = true} : memref<6528xf32, #tpu.memory_space<vmem>>[vector<16xi32>], vector<16xf32>,
    } {sc.loop_unroll_factor = 8 : i64, sc.parallel_access}
    %add3A_239 = arith.constant 96 : i32
    %add3A_240 = arith.addi %mul3A_2, %add3A_239 : i32
    %dma_start3A_241 = arith.constant 0 : i32
    %dma_start3A_242 = arith.constant 0 : i32
    %dma_start3A_243 = tpu.memref_slice %arg2[%dma_start3A_241, %add3A_240, %dma_start3A_242] : memref<4x4096x4096xf32, #tpu.memory_space<hbm>> -> memref<1x8x4096xf32, #tpu.memory_space<hbm>>
    %dma_start3A_244 = tpu.memref_squeeze %dma_start3A_243 : memref<1x8x4096xf32, #tpu.memory_space<hbm>> -> memref<8x4096xf32, #tpu.memory_space<hbm>>
    %dma_start3A_245 = arith.constant 0 : i32
    %dma_start3A_246 = tpu.memref_slice %arg2[%dma_start3A_241, %add3A_240, %dma_start3A_245] : memref<4x4096x4096xf32, #tpu.memory_space<hbm>> -> memref<1x8x4096xf32, #tpu.memory_space<hbm>>
    %dma_start3A_247 = tpu.memref_squeeze %dma_start3A_246 : memref<1x8x4096xf32, #tpu.memory_space<hbm>> -> memref<8x4096xf32, #tpu.memory_space<hbm>>
    tpu.enqueue_dma source(%dma_start3A_247 : memref<8x4096xf32, #tpu.memory_space<hbm>>) target(%arg5 : memref<8x4096xf32, #tpu.memory_space<vmem>>) target_semaphore(%arg10 : memref<!tpu.dma_semaphore, #tpu.memory_space<semaphore_mem>>)
    %dma_wait3A_248 = arith.constant 0 : i32
    %dma_wait3A_249 = arith.constant 0 : i32
    %dma_wait3A_250 = tpu.memref_slice %arg2[%dma_wait3A_248, %add3A_221, %dma_wait3A_249] : memref<4x4096x4096xf32, #tpu.memory_space<hbm>> -> memref<1x8x4096xf32, #tpu.memory_space<hbm>>
    %dma_wait3A_251 = tpu.memref_squeeze %dma_wait3A_250 : memref<1x8x4096xf32, #tpu.memory_space<hbm>> -> memref<8x4096xf32, #tpu.memory_space<hbm>>
    %dma_wait3A_252 = arith.constant 0 : i32
    %dma_wait3A_253 = tpu.memref_slice %arg2[%dma_wait3A_248, %add3A_221, %dma_wait3A_252] : memref<4x4096x4096xf32, #tpu.memory_space<hbm>> -> memref<1x8x4096xf32, #tpu.memory_space<hbm>>
    %dma_wait3A_254 = tpu.memref_squeeze %dma_wait3A_253 : memref<1x8x4096xf32, #tpu.memory_space<hbm>> -> memref<8x4096xf32, #tpu.memory_space<hbm>>
    tpu.wait_dma2 semaphore(%arg11 : memref<!tpu.dma_semaphore, #tpu.memory_space<semaphore_mem>>) src(%dma_wait3A_254 : memref<8x4096xf32, #tpu.memory_space<hbm>>) dst(%arg6 : memref<8x4096xf32, #tpu.memory_space<vmem>>)
    %parallel_loop3A_255 = arith.constant 0 : i32
    %parallel_loop3A_256 = arith.constant 2048 : i32
    %parallel_loop3A_257 = arith.constant 1 : i32
    scf.for %parallel_loop3A_627 = %parallel_loop3A_255 to %parallel_loop3A_256 step %parallel_loop3A_257  : i32 {
      %parallel_loop3A_628 = arith.constant 8 : i32
      %parallel_loop3A_629 = arith.shrui %parallel_loop3A_627, %parallel_loop3A_628 : i32
      %parallel_loop3A_630 = arith.constant 255 : i32
      %parallel_loop3A_631 = arith.andi %parallel_loop3A_627, %parallel_loop3A_630 : i32
      %parallel_loop3A_632 = arith.constant 4 : i32
      %parallel_loop3A_633 = arith.shli %parallel_loop3A_631, %parallel_loop3A_632 : i32
      %parallel_loop3A_634 = arith.index_cast %parallel_loop3A_629 : i32 to index
      %parallel_loop3A_635 = arith.index_cast %parallel_loop3A_633 : i32 to index
      %parallel_loop3A_636 = tpu.vector_load %arg6[%parallel_loop3A_634, %parallel_loop3A_635] {strides = array<i32>} : memref<8x4096xf32, #tpu.memory_space<vmem>>, vector<16xf32>,
      %parallel_loop3A_637 = arith.mulf %parallel_loop3A_636, %div3A_14 : vector<16xf32>
      %parallel_loop3A_638 = arith.addf %parallel_loop3A_637, %add3A_20 : vector<16xf32>
      %parallel_loop3A_639 = vector.bitcast %parallel_loop3A_638 : vector<16xf32> to vector<16xi32>
      %parallel_loop3A_640 = arith.andi %parallel_loop3A_639, %broadcast_in_dim3A_24 : vector<16xi32>
      %parallel_loop3A_641 = arith.ori %parallel_loop3A_640, %iota3A : vector<16xi32>
      tpu.vector_store_idx %arg8[%parallel_loop3A_641], %broadcast_in_dim3A_22 {add = true} : memref<6528xf32, #tpu.memory_space<vmem>>[vector<16xi32>], vector<16xf32>,
    } {sc.loop_unroll_factor = 8 : i64, sc.parallel_access}
    %add3A_258 = arith.constant 104 : i32
    %add3A_259 = arith.addi %mul3A_2, %add3A_258 : i32
    %dma_start3A_260 = arith.constant 0 : i32
    %dma_start3A_261 = arith.constant 0 : i32
    %dma_start3A_262 = tpu.memref_slice %arg2[%dma_start3A_260, %add3A_259, %dma_start3A_261] : memref<4x4096x4096xf32, #tpu.memory_space<hbm>> -> memref<1x8x4096xf32, #tpu.memory_space<hbm>>
    %dma_start3A_263 = tpu.memref_squeeze %dma_start3A_262 : memref<1x8x4096xf32, #tpu.memory_space<hbm>> -> memref<8x4096xf32, #tpu.memory_space<hbm>>
    %dma_start3A_264 = arith.constant 0 : i32
    %dma_start3A_265 = tpu.memref_slice %arg2[%dma_start3A_260, %add3A_259, %dma_start3A_264] : memref<4x4096x4096xf32, #tpu.memory_space<hbm>> -> memref<1x8x4096xf32, #tpu.memory_space<hbm>>
    %dma_start3A_266 = tpu.memref_squeeze %dma_start3A_265 : memref<1x8x4096xf32, #tpu.memory_space<hbm>> -> memref<8x4096xf32, #tpu.memory_space<hbm>>
    tpu.enqueue_dma source(%dma_start3A_266 : memref<8x4096xf32, #tpu.memory_space<hbm>>) target(%arg6 : memref<8x4096xf32, #tpu.memory_space<vmem>>) target_semaphore(%arg11 : memref<!tpu.dma_semaphore, #tpu.memory_space<semaphore_mem>>)
    %dma_wait3A_267 = arith.constant 0 : i32
    %dma_wait3A_268 = arith.constant 0 : i32
    %dma_wait3A_269 = tpu.memref_slice %arg2[%dma_wait3A_267, %add3A_240, %dma_wait3A_268] : memref<4x4096x4096xf32, #tpu.memory_space<hbm>> -> memref<1x8x4096xf32, #tpu.memory_space<hbm>>
    %dma_wait3A_270 = tpu.memref_squeeze %dma_wait3A_269 : memref<1x8x4096xf32, #tpu.memory_space<hbm>> -> memref<8x4096xf32, #tpu.memory_space<hbm>>
    %dma_wait3A_271 = arith.constant 0 : i32
    %dma_wait3A_272 = tpu.memref_slice %arg2[%dma_wait3A_267, %add3A_240, %dma_wait3A_271] : memref<4x4096x4096xf32, #tpu.memory_space<hbm>> -> memref<1x8x4096xf32, #tpu.memory_space<hbm>>
    %dma_wait3A_273 = tpu.memref_squeeze %dma_wait3A_272 : memref<1x8x4096xf32, #tpu.memory_space<hbm>> -> memref<8x4096xf32, #tpu.memory_space<hbm>>
    tpu.wait_dma2 semaphore(%arg10 : memref<!tpu.dma_semaphore, #tpu.memory_space<semaphore_mem>>) src(%dma_wait3A_273 : memref<8x4096xf32, #tpu.memory_space<hbm>>) dst(%arg5 : memref<8x4096xf32, #tpu.memory_space<vmem>>)
    %parallel_loop3A_274 = arith.constant 0 : i32
    %parallel_loop3A_275 = arith.constant 2048 : i32
    %parallel_loop3A_276 = arith.constant 1 : i32
    scf.for %parallel_loop3A_627 = %parallel_loop3A_274 to %parallel_loop3A_275 step %parallel_loop3A_276  : i32 {
      %parallel_loop3A_628 = arith.constant 8 : i32
      %parallel_loop3A_629 = arith.shrui %parallel_loop3A_627, %parallel_loop3A_628 : i32
      %parallel_loop3A_630 = arith.constant 255 : i32
      %parallel_loop3A_631 = arith.andi %parallel_loop3A_627, %parallel_loop3A_630 : i32
      %parallel_loop3A_632 = arith.constant 4 : i32
      %parallel_loop3A_633 = arith.shli %parallel_loop3A_631, %parallel_loop3A_632 : i32
      %parallel_loop3A_634 = arith.index_cast %parallel_loop3A_629 : i32 to index
      %parallel_loop3A_635 = arith.index_cast %parallel_loop3A_633 : i32 to index
      %parallel_loop3A_636 = tpu.vector_load %arg5[%parallel_loop3A_634, %parallel_loop3A_635] {strides = array<i32>} : memref<8x4096xf32, #tpu.memory_space<vmem>>, vector<16xf32>,
      %parallel_loop3A_637 = arith.mulf %parallel_loop3A_636, %div3A_14 : vector<16xf32>
      %parallel_loop3A_638 = arith.addf %parallel_loop3A_637, %add3A_20 : vector<16xf32>
      %parallel_loop3A_639 = vector.bitcast %parallel_loop3A_638 : vector<16xf32> to vector<16xi32>
      %parallel_loop3A_640 = arith.andi %parallel_loop3A_639, %broadcast_in_dim3A_24 : vector<16xi32>
      %parallel_loop3A_641 = arith.ori %parallel_loop3A_640, %iota3A : vector<16xi32>
      tpu.vector_store_idx %arg8[%parallel_loop3A_641], %broadcast_in_dim3A_22 {add = true} : memref<6528xf32, #tpu.memory_space<vmem>>[vector<16xi32>], vector<16xf32>,
    } {sc.loop_unroll_factor = 8 : i64, sc.parallel_access}
    %add3A_277 = arith.constant 112 : i32
    %add3A_278 = arith.addi %mul3A_2, %add3A_277 : i32
    %dma_start3A_279 = arith.constant 0 : i32
    %dma_start3A_280 = arith.constant 0 : i32
    %dma_start3A_281 = tpu.memref_slice %arg2[%dma_start3A_279, %add3A_278, %dma_start3A_280] : memref<4x4096x4096xf32, #tpu.memory_space<hbm>> -> memref<1x8x4096xf32, #tpu.memory_space<hbm>>
    %dma_start3A_282 = tpu.memref_squeeze %dma_start3A_281 : memref<1x8x4096xf32, #tpu.memory_space<hbm>> -> memref<8x4096xf32, #tpu.memory_space<hbm>>
    %dma_start3A_283 = arith.constant 0 : i32
    %dma_start3A_284 = tpu.memref_slice %arg2[%dma_start3A_279, %add3A_278, %dma_start3A_283] : memref<4x4096x4096xf32, #tpu.memory_space<hbm>> -> memref<1x8x4096xf32, #tpu.memory_space<hbm>>
    %dma_start3A_285 = tpu.memref_squeeze %dma_start3A_284 : memref<1x8x4096xf32, #tpu.memory_space<hbm>> -> memref<8x4096xf32, #tpu.memory_space<hbm>>
    tpu.enqueue_dma source(%dma_start3A_285 : memref<8x4096xf32, #tpu.memory_space<hbm>>) target(%arg5 : memref<8x4096xf32, #tpu.memory_space<vmem>>) target_semaphore(%arg10 : memref<!tpu.dma_semaphore, #tpu.memory_space<semaphore_mem>>)
    %dma_wait3A_286 = arith.constant 0 : i32
    %dma_wait3A_287 = arith.constant 0 : i32
    %dma_wait3A_288 = tpu.memref_slice %arg2[%dma_wait3A_286, %add3A_259, %dma_wait3A_287] : memref<4x4096x4096xf32, #tpu.memory_space<hbm>> -> memref<1x8x4096xf32, #tpu.memory_space<hbm>>
    %dma_wait3A_289 = tpu.memref_squeeze %dma_wait3A_288 : memref<1x8x4096xf32, #tpu.memory_space<hbm>> -> memref<8x4096xf32, #tpu.memory_space<hbm>>
    %dma_wait3A_290 = arith.constant 0 : i32
    %dma_wait3A_291 = tpu.memref_slice %arg2[%dma_wait3A_286, %add3A_259, %dma_wait3A_290] : memref<4x4096x4096xf32, #tpu.memory_space<hbm>> -> memref<1x8x4096xf32, #tpu.memory_space<hbm>>
    %dma_wait3A_292 = tpu.memref_squeeze %dma_wait3A_291 : memref<1x8x4096xf32, #tpu.memory_space<hbm>> -> memref<8x4096xf32, #tpu.memory_space<hbm>>
    tpu.wait_dma2 semaphore(%arg11 : memref<!tpu.dma_semaphore, #tpu.memory_space<semaphore_mem>>) src(%dma_wait3A_292 : memref<8x4096xf32, #tpu.memory_space<hbm>>) dst(%arg6 : memref<8x4096xf32, #tpu.memory_space<vmem>>)
    %parallel_loop3A_293 = arith.constant 0 : i32
    %parallel_loop3A_294 = arith.constant 2048 : i32
    %parallel_loop3A_295 = arith.constant 1 : i32
    scf.for %parallel_loop3A_627 = %parallel_loop3A_293 to %parallel_loop3A_294 step %parallel_loop3A_295  : i32 {
      %parallel_loop3A_628 = arith.constant 8 : i32
      %parallel_loop3A_629 = arith.shrui %parallel_loop3A_627, %parallel_loop3A_628 : i32
      %parallel_loop3A_630 = arith.constant 255 : i32
      %parallel_loop3A_631 = arith.andi %parallel_loop3A_627, %parallel_loop3A_630 : i32
      %parallel_loop3A_632 = arith.constant 4 : i32
      %parallel_loop3A_633 = arith.shli %parallel_loop3A_631, %parallel_loop3A_632 : i32
      %parallel_loop3A_634 = arith.index_cast %parallel_loop3A_629 : i32 to index
      %parallel_loop3A_635 = arith.index_cast %parallel_loop3A_633 : i32 to index
      %parallel_loop3A_636 = tpu.vector_load %arg6[%parallel_loop3A_634, %parallel_loop3A_635] {strides = array<i32>} : memref<8x4096xf32, #tpu.memory_space<vmem>>, vector<16xf32>,
      %parallel_loop3A_637 = arith.mulf %parallel_loop3A_636, %div3A_14 : vector<16xf32>
      %parallel_loop3A_638 = arith.addf %parallel_loop3A_637, %add3A_20 : vector<16xf32>
      %parallel_loop3A_639 = vector.bitcast %parallel_loop3A_638 : vector<16xf32> to vector<16xi32>
      %parallel_loop3A_640 = arith.andi %parallel_loop3A_639, %broadcast_in_dim3A_24 : vector<16xi32>
      %parallel_loop3A_641 = arith.ori %parallel_loop3A_640, %iota3A : vector<16xi32>
      tpu.vector_store_idx %arg8[%parallel_loop3A_641], %broadcast_in_dim3A_22 {add = true} : memref<6528xf32, #tpu.memory_space<vmem>>[vector<16xi32>], vector<16xf32>,
    } {sc.loop_unroll_factor = 8 : i64, sc.parallel_access}
    %add3A_296 = arith.constant 120 : i32
    %add3A_297 = arith.addi %mul3A_2, %add3A_296 : i32
    %dma_start3A_298 = arith.constant 0 : i32
    %dma_start3A_299 = arith.constant 0 : i32
    %dma_start3A_300 = tpu.memref_slice %arg2[%dma_start3A_298, %add3A_297, %dma_start3A_299] : memref<4x4096x4096xf32, #tpu.memory_space<hbm>> -> memref<1x8x4096xf32, #tpu.memory_space<hbm>>
    %dma_start3A_301 = tpu.memref_squeeze %dma_start3A_300 : memref<1x8x4096xf32, #tpu.memory_space<hbm>> -> memref<8x4096xf32, #tpu.memory_space<hbm>>
    %dma_start3A_302 = arith.constant 0 : i32
    %dma_start3A_303 = tpu.memref_slice %arg2[%dma_start3A_298, %add3A_297, %dma_start3A_302] : memref<4x4096x4096xf32, #tpu.memory_space<hbm>> -> memref<1x8x4096xf32, #tpu.memory_space<hbm>>
    %dma_start3A_304 = tpu.memref_squeeze %dma_start3A_303 : memref<1x8x4096xf32, #tpu.memory_space<hbm>> -> memref<8x4096xf32, #tpu.memory_space<hbm>>
    tpu.enqueue_dma source(%dma_start3A_304 : memref<8x4096xf32, #tpu.memory_space<hbm>>) target(%arg6 : memref<8x4096xf32, #tpu.memory_space<vmem>>) target_semaphore(%arg11 : memref<!tpu.dma_semaphore, #tpu.memory_space<semaphore_mem>>)
    %dma_wait3A_305 = arith.constant 0 : i32
    %dma_wait3A_306 = arith.constant 0 : i32
    %dma_wait3A_307 = tpu.memref_slice %arg2[%dma_wait3A_305, %add3A_278, %dma_wait3A_306] : memref<4x4096x4096xf32, #tpu.memory_space<hbm>> -> memref<1x8x4096xf32, #tpu.memory_space<hbm>>
    %dma_wait3A_308 = tpu.memref_squeeze %dma_wait3A_307 : memref<1x8x4096xf32, #tpu.memory_space<hbm>> -> memref<8x4096xf32, #tpu.memory_space<hbm>>
    %dma_wait3A_309 = arith.constant 0 : i32
    %dma_wait3A_310 = tpu.memref_slice %arg2[%dma_wait3A_305, %add3A_278, %dma_wait3A_309] : memref<4x4096x4096xf32, #tpu.memory_space<hbm>> -> memref<1x8x4096xf32, #tpu.memory_space<hbm>>
    %dma_wait3A_311 = tpu.memref_squeeze %dma_wait3A_310 : memref<1x8x4096xf32, #tpu.memory_space<hbm>> -> memref<8x4096xf32, #tpu.memory_space<hbm>>
    tpu.wait_dma2 semaphore(%arg10 : memref<!tpu.dma_semaphore, #tpu.memory_space<semaphore_mem>>) src(%dma_wait3A_311 : memref<8x4096xf32, #tpu.memory_space<hbm>>) dst(%arg5 : memref<8x4096xf32, #tpu.memory_space<vmem>>)
    %parallel_loop3A_312 = arith.constant 0 : i32
    %parallel_loop3A_313 = arith.constant 2048 : i32
    %parallel_loop3A_314 = arith.constant 1 : i32
    scf.for %parallel_loop3A_627 = %parallel_loop3A_312 to %parallel_loop3A_313 step %parallel_loop3A_314  : i32 {
      %parallel_loop3A_628 = arith.constant 8 : i32
      %parallel_loop3A_629 = arith.shrui %parallel_loop3A_627, %parallel_loop3A_628 : i32
      %parallel_loop3A_630 = arith.constant 255 : i32
      %parallel_loop3A_631 = arith.andi %parallel_loop3A_627, %parallel_loop3A_630 : i32
      %parallel_loop3A_632 = arith.constant 4 : i32
      %parallel_loop3A_633 = arith.shli %parallel_loop3A_631, %parallel_loop3A_632 : i32
      %parallel_loop3A_634 = arith.index_cast %parallel_loop3A_629 : i32 to index
      %parallel_loop3A_635 = arith.index_cast %parallel_loop3A_633 : i32 to index
      %parallel_loop3A_636 = tpu.vector_load %arg5[%parallel_loop3A_634, %parallel_loop3A_635] {strides = array<i32>} : memref<8x4096xf32, #tpu.memory_space<vmem>>, vector<16xf32>,
      %parallel_loop3A_637 = arith.mulf %parallel_loop3A_636, %div3A_14 : vector<16xf32>
      %parallel_loop3A_638 = arith.addf %parallel_loop3A_637, %add3A_20 : vector<16xf32>
      %parallel_loop3A_639 = vector.bitcast %parallel_loop3A_638 : vector<16xf32> to vector<16xi32>
      %parallel_loop3A_640 = arith.andi %parallel_loop3A_639, %broadcast_in_dim3A_24 : vector<16xi32>
      %parallel_loop3A_641 = arith.ori %parallel_loop3A_640, %iota3A : vector<16xi32>
      tpu.vector_store_idx %arg8[%parallel_loop3A_641], %broadcast_in_dim3A_22 {add = true} : memref<6528xf32, #tpu.memory_space<vmem>>[vector<16xi32>], vector<16xf32>,
    } {sc.loop_unroll_factor = 8 : i64, sc.parallel_access}
    %dma_wait3A_315 = arith.constant 0 : i32
    %dma_wait3A_316 = arith.constant 0 : i32
    %dma_wait3A_317 = tpu.memref_slice %arg2[%dma_wait3A_315, %add3A_297, %dma_wait3A_316] : memref<4x4096x4096xf32, #tpu.memory_space<hbm>> -> memref<1x8x4096xf32, #tpu.memory_space<hbm>>
    %dma_wait3A_318 = tpu.memref_squeeze %dma_wait3A_317 : memref<1x8x4096xf32, #tpu.memory_space<hbm>> -> memref<8x4096xf32, #tpu.memory_space<hbm>>
    %dma_wait3A_319 = arith.constant 0 : i32
    %dma_wait3A_320 = tpu.memref_slice %arg2[%dma_wait3A_315, %add3A_297, %dma_wait3A_319] : memref<4x4096x4096xf32, #tpu.memory_space<hbm>> -> memref<1x8x4096xf32, #tpu.memory_space<hbm>>
    %dma_wait3A_321 = tpu.memref_squeeze %dma_wait3A_320 : memref<1x8x4096xf32, #tpu.memory_space<hbm>> -> memref<8x4096xf32, #tpu.memory_space<hbm>>
    tpu.wait_dma2 semaphore(%arg11 : memref<!tpu.dma_semaphore, #tpu.memory_space<semaphore_mem>>) src(%dma_wait3A_321 : memref<8x4096xf32, #tpu.memory_space<hbm>>) dst(%arg6 : memref<8x4096xf32, #tpu.memory_space<vmem>>)
    %parallel_loop3A_322 = arith.constant 0 : i32
    %parallel_loop3A_323 = arith.constant 2048 : i32
    %parallel_loop3A_324 = arith.constant 1 : i32
    scf.for %parallel_loop3A_627 = %parallel_loop3A_322 to %parallel_loop3A_323 step %parallel_loop3A_324  : i32 {
      %parallel_loop3A_628 = arith.constant 8 : i32
      %parallel_loop3A_629 = arith.shrui %parallel_loop3A_627, %parallel_loop3A_628 : i32
      %parallel_loop3A_630 = arith.constant 255 : i32
      %parallel_loop3A_631 = arith.andi %parallel_loop3A_627, %parallel_loop3A_630 : i32
      %parallel_loop3A_632 = arith.constant 4 : i32
      %parallel_loop3A_633 = arith.shli %parallel_loop3A_631, %parallel_loop3A_632 : i32
      %parallel_loop3A_634 = arith.index_cast %parallel_loop3A_629 : i32 to index
      %parallel_loop3A_635 = arith.index_cast %parallel_loop3A_633 : i32 to index
      %parallel_loop3A_636 = tpu.vector_load %arg6[%parallel_loop3A_634, %parallel_loop3A_635] {strides = array<i32>} : memref<8x4096xf32, #tpu.memory_space<vmem>>, vector<16xf32>,
      %parallel_loop3A_637 = arith.mulf %parallel_loop3A_636, %div3A_14 : vector<16xf32>
      %parallel_loop3A_638 = arith.addf %parallel_loop3A_637, %add3A_20 : vector<16xf32>
      %parallel_loop3A_639 = vector.bitcast %parallel_loop3A_638 : vector<16xf32> to vector<16xi32>
      %parallel_loop3A_640 = arith.andi %parallel_loop3A_639, %broadcast_in_dim3A_24 : vector<16xi32>
      %parallel_loop3A_641 = arith.ori %parallel_loop3A_640, %iota3A : vector<16xi32>
      tpu.vector_store_idx %arg8[%parallel_loop3A_641], %broadcast_in_dim3A_22 {add = true} : memref<6528xf32, #tpu.memory_space<vmem>>[vector<16xi32>], vector<16xf32>,
    } {sc.loop_unroll_factor = 8 : i64, sc.parallel_access}
    %get3A_325 = arith.constant 0 : index
    %get3A_326 = tpu.vector_load %arg8[%get3A_325] {strides = array<i32>} : memref<6528xf32, #tpu.memory_space<vmem>>, vector<16xf32>,
    %swap3A = arith.constant 0 : i32
    %swap3A_327 = arith.index_cast %swap3A : i32 to index
    %swap3A_328 = arith.constant 0 : index
    %swap3A_329 = tpu.vector_load %arg9[%swap3A_327, %swap3A_328] {strides = array<i32>} : memref<50x16xf32, #tpu.memory_space<vmem>>, vector<16xf32>,
    tpu.vector_store %arg9[%swap3A_327, %swap3A_328], %get3A_326 {strides = array<i32>} : memref<50x16xf32, #tpu.memory_space<vmem>>, vector<16xf32>,
    %get3A_330 = arith.constant 128 : index
    %get3A_331 = tpu.vector_load %arg8[%get3A_330] {strides = array<i32>} : memref<6528xf32, #tpu.memory_space<vmem>>, vector<16xf32>,
    %swap3A_332 = arith.constant 1 : i32
    %swap3A_333 = arith.index_cast %swap3A_332 : i32 to index
    %swap3A_334 = arith.constant 0 : index
    %swap3A_335 = tpu.vector_load %arg9[%swap3A_333, %swap3A_334] {strides = array<i32>} : memref<50x16xf32, #tpu.memory_space<vmem>>, vector<16xf32>,
    tpu.vector_store %arg9[%swap3A_333, %swap3A_334], %get3A_331 {strides = array<i32>} : memref<50x16xf32, #tpu.memory_space<vmem>>, vector<16xf32>,
    %get3A_336 = arith.constant 256 : index
    %get3A_337 = tpu.vector_load %arg8[%get3A_336] {strides = array<i32>} : memref<6528xf32, #tpu.memory_space<vmem>>, vector<16xf32>,
    %swap3A_338 = arith.constant 2 : i32
    %swap3A_339 = arith.index_cast %swap3A_338 : i32 to index
    %swap3A_340 = arith.constant 0 : index
    %swap3A_341 = tpu.vector_load %arg9[%swap3A_339, %swap3A_340] {strides = array<i32>} : memref<50x16xf32, #tpu.memory_space<vmem>>, vector<16xf32>,
    tpu.vector_store %arg9[%swap3A_339, %swap3A_340], %get3A_337 {strides = array<i32>} : memref<50x16xf32, #tpu.memory_space<vmem>>, vector<16xf32>,
    %get3A_342 = arith.constant 384 : index
    %get3A_343 = tpu.vector_load %arg8[%get3A_342] {strides = array<i32>} : memref<6528xf32, #tpu.memory_space<vmem>>, vector<16xf32>,
    %swap3A_344 = arith.constant 3 : i32
    %swap3A_345 = arith.index_cast %swap3A_344 : i32 to index
    %swap3A_346 = arith.constant 0 : index
    %swap3A_347 = tpu.vector_load %arg9[%swap3A_345, %swap3A_346] {strides = array<i32>} : memref<50x16xf32, #tpu.memory_space<vmem>>, vector<16xf32>,
    tpu.vector_store %arg9[%swap3A_345, %swap3A_346], %get3A_343 {strides = array<i32>} : memref<50x16xf32, #tpu.memory_space<vmem>>, vector<16xf32>,
    %get3A_348 = arith.constant 512 : index
    %get3A_349 = tpu.vector_load %arg8[%get3A_348] {strides = array<i32>} : memref<6528xf32, #tpu.memory_space<vmem>>, vector<16xf32>,
    %swap3A_350 = arith.constant 4 : i32
    %swap3A_351 = arith.index_cast %swap3A_350 : i32 to index
    %swap3A_352 = arith.constant 0 : index
    %swap3A_353 = tpu.vector_load %arg9[%swap3A_351, %swap3A_352] {strides = array<i32>} : memref<50x16xf32, #tpu.memory_space<vmem>>, vector<16xf32>,
    tpu.vector_store %arg9[%swap3A_351, %swap3A_352], %get3A_349 {strides = array<i32>} : memref<50x16xf32, #tpu.memory_space<vmem>>, vector<16xf32>,
    %get3A_354 = arith.constant 640 : index
    %get3A_355 = tpu.vector_load %arg8[%get3A_354] {strides = array<i32>} : memref<6528xf32, #tpu.memory_space<vmem>>, vector<16xf32>,
    %swap3A_356 = arith.constant 5 : i32
    %swap3A_357 = arith.index_cast %swap3A_356 : i32 to index
    %swap3A_358 = arith.constant 0 : index
    %swap3A_359 = tpu.vector_load %arg9[%swap3A_357, %swap3A_358] {strides = array<i32>} : memref<50x16xf32, #tpu.memory_space<vmem>>, vector<16xf32>,
    tpu.vector_store %arg9[%swap3A_357, %swap3A_358], %get3A_355 {strides = array<i32>} : memref<50x16xf32, #tpu.memory_space<vmem>>, vector<16xf32>,
    %get3A_360 = arith.constant 768 : index
    %get3A_361 = tpu.vector_load %arg8[%get3A_360] {strides = array<i32>} : memref<6528xf32, #tpu.memory_space<vmem>>, vector<16xf32>,
    %swap3A_362 = arith.constant 6 : i32
    %swap3A_363 = arith.index_cast %swap3A_362 : i32 to index
    %swap3A_364 = arith.constant 0 : index
    %swap3A_365 = tpu.vector_load %arg9[%swap3A_363, %swap3A_364] {strides = array<i32>} : memref<50x16xf32, #tpu.memory_space<vmem>>, vector<16xf32>,
    tpu.vector_store %arg9[%swap3A_363, %swap3A_364], %get3A_361 {strides = array<i32>} : memref<50x16xf32, #tpu.memory_space<vmem>>, vector<16xf32>,
    %get3A_366 = arith.constant 896 : index
    %get3A_367 = tpu.vector_load %arg8[%get3A_366] {strides = array<i32>} : memref<6528xf32, #tpu.memory_space<vmem>>, vector<16xf32>,
    %swap3A_368 = arith.constant 7 : i32
    %swap3A_369 = arith.index_cast %swap3A_368 : i32 to index
    %swap3A_370 = arith.constant 0 : index
    %swap3A_371 = tpu.vector_load %arg9[%swap3A_369, %swap3A_370] {strides = array<i32>} : memref<50x16xf32, #tpu.memory_space<vmem>>, vector<16xf32>,
    tpu.vector_store %arg9[%swap3A_369, %swap3A_370], %get3A_367 {strides = array<i32>} : memref<50x16xf32, #tpu.memory_space<vmem>>, vector<16xf32>,
    %get3A_372 = arith.constant 1024 : index
    %get3A_373 = tpu.vector_load %arg8[%get3A_372] {strides = array<i32>} : memref<6528xf32, #tpu.memory_space<vmem>>, vector<16xf32>,
    %swap3A_374 = arith.constant 8 : i32
    %swap3A_375 = arith.index_cast %swap3A_374 : i32 to index
    %swap3A_376 = arith.constant 0 : index
    %swap3A_377 = tpu.vector_load %arg9[%swap3A_375, %swap3A_376] {strides = array<i32>} : memref<50x16xf32, #tpu.memory_space<vmem>>, vector<16xf32>,
    tpu.vector_store %arg9[%swap3A_375, %swap3A_376], %get3A_373 {strides = array<i32>} : memref<50x16xf32, #tpu.memory_space<vmem>>, vector<16xf32>,
    %get3A_378 = arith.constant 1152 : index
    %get3A_379 = tpu.vector_load %arg8[%get3A_378] {strides = array<i32>} : memref<6528xf32, #tpu.memory_space<vmem>>, vector<16xf32>,
    %swap3A_380 = arith.constant 9 : i32
    %swap3A_381 = arith.index_cast %swap3A_380 : i32 to index
    %swap3A_382 = arith.constant 0 : index
    %swap3A_383 = tpu.vector_load %arg9[%swap3A_381, %swap3A_382] {strides = array<i32>} : memref<50x16xf32, #tpu.memory_space<vmem>>, vector<16xf32>,
    tpu.vector_store %arg9[%swap3A_381, %swap3A_382], %get3A_379 {strides = array<i32>} : memref<50x16xf32, #tpu.memory_space<vmem>>, vector<16xf32>,
    %get3A_384 = arith.constant 1280 : index
    %get3A_385 = tpu.vector_load %arg8[%get3A_384] {strides = array<i32>} : memref<6528xf32, #tpu.memory_space<vmem>>, vector<16xf32>,
    %swap3A_386 = arith.constant 10 : i32
    %swap3A_387 = arith.index_cast %swap3A_386 : i32 to index
    %swap3A_388 = arith.constant 0 : index
    %swap3A_389 = tpu.vector_load %arg9[%swap3A_387, %swap3A_388] {strides = array<i32>} : memref<50x16xf32, #tpu.memory_space<vmem>>, vector<16xf32>,
    tpu.vector_store %arg9[%swap3A_387, %swap3A_388], %get3A_385 {strides = array<i32>} : memref<50x16xf32, #tpu.memory_space<vmem>>, vector<16xf32>,
    %get3A_390 = arith.constant 1408 : index
    %get3A_391 = tpu.vector_load %arg8[%get3A_390] {strides = array<i32>} : memref<6528xf32, #tpu.memory_space<vmem>>, vector<16xf32>,
    %swap3A_392 = arith.constant 11 : i32
    %swap3A_393 = arith.index_cast %swap3A_392 : i32 to index
    %swap3A_394 = arith.constant 0 : index
    %swap3A_395 = tpu.vector_load %arg9[%swap3A_393, %swap3A_394] {strides = array<i32>} : memref<50x16xf32, #tpu.memory_space<vmem>>, vector<16xf32>,
    tpu.vector_store %arg9[%swap3A_393, %swap3A_394], %get3A_391 {strides = array<i32>} : memref<50x16xf32, #tpu.memory_space<vmem>>, vector<16xf32>,
    %get3A_396 = arith.constant 1536 : index
    %get3A_397 = tpu.vector_load %arg8[%get3A_396] {strides = array<i32>} : memref<6528xf32, #tpu.memory_space<vmem>>, vector<16xf32>,
    %swap3A_398 = arith.constant 12 : i32
    %swap3A_399 = arith.index_cast %swap3A_398 : i32 to index
    %swap3A_400 = arith.constant 0 : index
    %swap3A_401 = tpu.vector_load %arg9[%swap3A_399, %swap3A_400] {strides = array<i32>} : memref<50x16xf32, #tpu.memory_space<vmem>>, vector<16xf32>,
    tpu.vector_store %arg9[%swap3A_399, %swap3A_400], %get3A_397 {strides = array<i32>} : memref<50x16xf32, #tpu.memory_space<vmem>>, vector<16xf32>,
    %get3A_402 = arith.constant 1664 : index
    %get3A_403 = tpu.vector_load %arg8[%get3A_402] {strides = array<i32>} : memref<6528xf32, #tpu.memory_space<vmem>>, vector<16xf32>,
    %swap3A_404 = arith.constant 13 : i32
    %swap3A_405 = arith.index_cast %swap3A_404 : i32 to index
    %swap3A_406 = arith.constant 0 : index
    %swap3A_407 = tpu.vector_load %arg9[%swap3A_405, %swap3A_406] {strides = array<i32>} : memref<50x16xf32, #tpu.memory_space<vmem>>, vector<16xf32>,
    tpu.vector_store %arg9[%swap3A_405, %swap3A_406], %get3A_403 {strides = array<i32>} : memref<50x16xf32, #tpu.memory_space<vmem>>, vector<16xf32>,
    %get3A_408 = arith.constant 1792 : index
    %get3A_409 = tpu.vector_load %arg8[%get3A_408] {strides = array<i32>} : memref<6528xf32, #tpu.memory_space<vmem>>, vector<16xf32>,
    %swap3A_410 = arith.constant 14 : i32
    %swap3A_411 = arith.index_cast %swap3A_410 : i32 to index
    %swap3A_412 = arith.constant 0 : index
    %swap3A_413 = tpu.vector_load %arg9[%swap3A_411, %swap3A_412] {strides = array<i32>} : memref<50x16xf32, #tpu.memory_space<vmem>>, vector<16xf32>,
    tpu.vector_store %arg9[%swap3A_411, %swap3A_412], %get3A_409 {strides = array<i32>} : memref<50x16xf32, #tpu.memory_space<vmem>>, vector<16xf32>,
    %get3A_414 = arith.constant 1920 : index
    %get3A_415 = tpu.vector_load %arg8[%get3A_414] {strides = array<i32>} : memref<6528xf32, #tpu.memory_space<vmem>>, vector<16xf32>,
    %swap3A_416 = arith.constant 15 : i32
    %swap3A_417 = arith.index_cast %swap3A_416 : i32 to index
    %swap3A_418 = arith.constant 0 : index
    %swap3A_419 = tpu.vector_load %arg9[%swap3A_417, %swap3A_418] {strides = array<i32>} : memref<50x16xf32, #tpu.memory_space<vmem>>, vector<16xf32>,
    tpu.vector_store %arg9[%swap3A_417, %swap3A_418], %get3A_415 {strides = array<i32>} : memref<50x16xf32, #tpu.memory_space<vmem>>, vector<16xf32>,
    %get3A_420 = arith.constant 2048 : index
    %get3A_421 = tpu.vector_load %arg8[%get3A_420] {strides = array<i32>} : memref<6528xf32, #tpu.memory_space<vmem>>, vector<16xf32>,
    %swap3A_422 = arith.constant 16 : i32
    %swap3A_423 = arith.index_cast %swap3A_422 : i32 to index
    %swap3A_424 = arith.constant 0 : index
    %swap3A_425 = tpu.vector_load %arg9[%swap3A_423, %swap3A_424] {strides = array<i32>} : memref<50x16xf32, #tpu.memory_space<vmem>>, vector<16xf32>,
    tpu.vector_store %arg9[%swap3A_423, %swap3A_424], %get3A_421 {strides = array<i32>} : memref<50x16xf32, #tpu.memory_space<vmem>>, vector<16xf32>,
    %get3A_426 = arith.constant 2176 : index
    %get3A_427 = tpu.vector_load %arg8[%get3A_426] {strides = array<i32>} : memref<6528xf32, #tpu.memory_space<vmem>>, vector<16xf32>,
    %swap3A_428 = arith.constant 17 : i32
    %swap3A_429 = arith.index_cast %swap3A_428 : i32 to index
    %swap3A_430 = arith.constant 0 : index
    %swap3A_431 = tpu.vector_load %arg9[%swap3A_429, %swap3A_430] {strides = array<i32>} : memref<50x16xf32, #tpu.memory_space<vmem>>, vector<16xf32>,
    tpu.vector_store %arg9[%swap3A_429, %swap3A_430], %get3A_427 {strides = array<i32>} : memref<50x16xf32, #tpu.memory_space<vmem>>, vector<16xf32>,
    %get3A_432 = arith.constant 2304 : index
    %get3A_433 = tpu.vector_load %arg8[%get3A_432] {strides = array<i32>} : memref<6528xf32, #tpu.memory_space<vmem>>, vector<16xf32>,
    %swap3A_434 = arith.constant 18 : i32
    %swap3A_435 = arith.index_cast %swap3A_434 : i32 to index
    %swap3A_436 = arith.constant 0 : index
    %swap3A_437 = tpu.vector_load %arg9[%swap3A_435, %swap3A_436] {strides = array<i32>} : memref<50x16xf32, #tpu.memory_space<vmem>>, vector<16xf32>,
    tpu.vector_store %arg9[%swap3A_435, %swap3A_436], %get3A_433 {strides = array<i32>} : memref<50x16xf32, #tpu.memory_space<vmem>>, vector<16xf32>,
    %get3A_438 = arith.constant 2432 : index
    %get3A_439 = tpu.vector_load %arg8[%get3A_438] {strides = array<i32>} : memref<6528xf32, #tpu.memory_space<vmem>>, vector<16xf32>,
    %swap3A_440 = arith.constant 19 : i32
    %swap3A_441 = arith.index_cast %swap3A_440 : i32 to index
    %swap3A_442 = arith.constant 0 : index
    %swap3A_443 = tpu.vector_load %arg9[%swap3A_441, %swap3A_442] {strides = array<i32>} : memref<50x16xf32, #tpu.memory_space<vmem>>, vector<16xf32>,
    tpu.vector_store %arg9[%swap3A_441, %swap3A_442], %get3A_439 {strides = array<i32>} : memref<50x16xf32, #tpu.memory_space<vmem>>, vector<16xf32>,
    %get3A_444 = arith.constant 2560 : index
    %get3A_445 = tpu.vector_load %arg8[%get3A_444] {strides = array<i32>} : memref<6528xf32, #tpu.memory_space<vmem>>, vector<16xf32>,
    %swap3A_446 = arith.constant 20 : i32
    %swap3A_447 = arith.index_cast %swap3A_446 : i32 to index
    %swap3A_448 = arith.constant 0 : index
    %swap3A_449 = tpu.vector_load %arg9[%swap3A_447, %swap3A_448] {strides = array<i32>} : memref<50x16xf32, #tpu.memory_space<vmem>>, vector<16xf32>,
    tpu.vector_store %arg9[%swap3A_447, %swap3A_448], %get3A_445 {strides = array<i32>} : memref<50x16xf32, #tpu.memory_space<vmem>>, vector<16xf32>,
    %get3A_450 = arith.constant 2688 : index
    %get3A_451 = tpu.vector_load %arg8[%get3A_450] {strides = array<i32>} : memref<6528xf32, #tpu.memory_space<vmem>>, vector<16xf32>,
    %swap3A_452 = arith.constant 21 : i32
    %swap3A_453 = arith.index_cast %swap3A_452 : i32 to index
    %swap3A_454 = arith.constant 0 : index
    %swap3A_455 = tpu.vector_load %arg9[%swap3A_453, %swap3A_454] {strides = array<i32>} : memref<50x16xf32, #tpu.memory_space<vmem>>, vector<16xf32>,
    tpu.vector_store %arg9[%swap3A_453, %swap3A_454], %get3A_451 {strides = array<i32>} : memref<50x16xf32, #tpu.memory_space<vmem>>, vector<16xf32>,
    %get3A_456 = arith.constant 2816 : index
    %get3A_457 = tpu.vector_load %arg8[%get3A_456] {strides = array<i32>} : memref<6528xf32, #tpu.memory_space<vmem>>, vector<16xf32>,
    %swap3A_458 = arith.constant 22 : i32
    %swap3A_459 = arith.index_cast %swap3A_458 : i32 to index
    %swap3A_460 = arith.constant 0 : index
    %swap3A_461 = tpu.vector_load %arg9[%swap3A_459, %swap3A_460] {strides = array<i32>} : memref<50x16xf32, #tpu.memory_space<vmem>>, vector<16xf32>,
    tpu.vector_store %arg9[%swap3A_459, %swap3A_460], %get3A_457 {strides = array<i32>} : memref<50x16xf32, #tpu.memory_space<vmem>>, vector<16xf32>,
    %get3A_462 = arith.constant 2944 : index
    %get3A_463 = tpu.vector_load %arg8[%get3A_462] {strides = array<i32>} : memref<6528xf32, #tpu.memory_space<vmem>>, vector<16xf32>,
    %swap3A_464 = arith.constant 23 : i32
    %swap3A_465 = arith.index_cast %swap3A_464 : i32 to index
    %swap3A_466 = arith.constant 0 : index
    %swap3A_467 = tpu.vector_load %arg9[%swap3A_465, %swap3A_466] {strides = array<i32>} : memref<50x16xf32, #tpu.memory_space<vmem>>, vector<16xf32>,
    tpu.vector_store %arg9[%swap3A_465, %swap3A_466], %get3A_463 {strides = array<i32>} : memref<50x16xf32, #tpu.memory_space<vmem>>, vector<16xf32>,
    %get3A_468 = arith.constant 3072 : index
    %get3A_469 = tpu.vector_load %arg8[%get3A_468] {strides = array<i32>} : memref<6528xf32, #tpu.memory_space<vmem>>, vector<16xf32>,
    %swap3A_470 = arith.constant 24 : i32
    %swap3A_471 = arith.index_cast %swap3A_470 : i32 to index
    %swap3A_472 = arith.constant 0 : index
    %swap3A_473 = tpu.vector_load %arg9[%swap3A_471, %swap3A_472] {strides = array<i32>} : memref<50x16xf32, #tpu.memory_space<vmem>>, vector<16xf32>,
    tpu.vector_store %arg9[%swap3A_471, %swap3A_472], %get3A_469 {strides = array<i32>} : memref<50x16xf32, #tpu.memory_space<vmem>>, vector<16xf32>,
    %get3A_474 = arith.constant 3200 : index
    %get3A_475 = tpu.vector_load %arg8[%get3A_474] {strides = array<i32>} : memref<6528xf32, #tpu.memory_space<vmem>>, vector<16xf32>,
    %swap3A_476 = arith.constant 25 : i32
    %swap3A_477 = arith.index_cast %swap3A_476 : i32 to index
    %swap3A_478 = arith.constant 0 : index
    %swap3A_479 = tpu.vector_load %arg9[%swap3A_477, %swap3A_478] {strides = array<i32>} : memref<50x16xf32, #tpu.memory_space<vmem>>, vector<16xf32>,
    tpu.vector_store %arg9[%swap3A_477, %swap3A_478], %get3A_475 {strides = array<i32>} : memref<50x16xf32, #tpu.memory_space<vmem>>, vector<16xf32>,
    %get3A_480 = arith.constant 3328 : index
    %get3A_481 = tpu.vector_load %arg8[%get3A_480] {strides = array<i32>} : memref<6528xf32, #tpu.memory_space<vmem>>, vector<16xf32>,
    %swap3A_482 = arith.constant 26 : i32
    %swap3A_483 = arith.index_cast %swap3A_482 : i32 to index
    %swap3A_484 = arith.constant 0 : index
    %swap3A_485 = tpu.vector_load %arg9[%swap3A_483, %swap3A_484] {strides = array<i32>} : memref<50x16xf32, #tpu.memory_space<vmem>>, vector<16xf32>,
    tpu.vector_store %arg9[%swap3A_483, %swap3A_484], %get3A_481 {strides = array<i32>} : memref<50x16xf32, #tpu.memory_space<vmem>>, vector<16xf32>,
    %get3A_486 = arith.constant 3456 : index
    %get3A_487 = tpu.vector_load %arg8[%get3A_486] {strides = array<i32>} : memref<6528xf32, #tpu.memory_space<vmem>>, vector<16xf32>,
    %swap3A_488 = arith.constant 27 : i32
    %swap3A_489 = arith.index_cast %swap3A_488 : i32 to index
    %swap3A_490 = arith.constant 0 : index
    %swap3A_491 = tpu.vector_load %arg9[%swap3A_489, %swap3A_490] {strides = array<i32>} : memref<50x16xf32, #tpu.memory_space<vmem>>, vector<16xf32>,
    tpu.vector_store %arg9[%swap3A_489, %swap3A_490], %get3A_487 {strides = array<i32>} : memref<50x16xf32, #tpu.memory_space<vmem>>, vector<16xf32>,
    %get3A_492 = arith.constant 3584 : index
    %get3A_493 = tpu.vector_load %arg8[%get3A_492] {strides = array<i32>} : memref<6528xf32, #tpu.memory_space<vmem>>, vector<16xf32>,
    %swap3A_494 = arith.constant 28 : i32
    %swap3A_495 = arith.index_cast %swap3A_494 : i32 to index
    %swap3A_496 = arith.constant 0 : index
    %swap3A_497 = tpu.vector_load %arg9[%swap3A_495, %swap3A_496] {strides = array<i32>} : memref<50x16xf32, #tpu.memory_space<vmem>>, vector<16xf32>,
    tpu.vector_store %arg9[%swap3A_495, %swap3A_496], %get3A_493 {strides = array<i32>} : memref<50x16xf32, #tpu.memory_space<vmem>>, vector<16xf32>,
    %get3A_498 = arith.constant 3712 : index
    %get3A_499 = tpu.vector_load %arg8[%get3A_498] {strides = array<i32>} : memref<6528xf32, #tpu.memory_space<vmem>>, vector<16xf32>,
    %swap3A_500 = arith.constant 29 : i32
    %swap3A_501 = arith.index_cast %swap3A_500 : i32 to index
    %swap3A_502 = arith.constant 0 : index
    %swap3A_503 = tpu.vector_load %arg9[%swap3A_501, %swap3A_502] {strides = array<i32>} : memref<50x16xf32, #tpu.memory_space<vmem>>, vector<16xf32>,
    tpu.vector_store %arg9[%swap3A_501, %swap3A_502], %get3A_499 {strides = array<i32>} : memref<50x16xf32, #tpu.memory_space<vmem>>, vector<16xf32>,
    %get3A_504 = arith.constant 3840 : index
    %get3A_505 = tpu.vector_load %arg8[%get3A_504] {strides = array<i32>} : memref<6528xf32, #tpu.memory_space<vmem>>, vector<16xf32>,
    %swap3A_506 = arith.constant 30 : i32
    %swap3A_507 = arith.index_cast %swap3A_506 : i32 to index
    %swap3A_508 = arith.constant 0 : index
    %swap3A_509 = tpu.vector_load %arg9[%swap3A_507, %swap3A_508] {strides = array<i32>} : memref<50x16xf32, #tpu.memory_space<vmem>>, vector<16xf32>,
    tpu.vector_store %arg9[%swap3A_507, %swap3A_508], %get3A_505 {strides = array<i32>} : memref<50x16xf32, #tpu.memory_space<vmem>>, vector<16xf32>,
    %get3A_510 = arith.constant 3968 : index
    %get3A_511 = tpu.vector_load %arg8[%get3A_510] {strides = array<i32>} : memref<6528xf32, #tpu.memory_space<vmem>>, vector<16xf32>,
    %swap3A_512 = arith.constant 31 : i32
    %swap3A_513 = arith.index_cast %swap3A_512 : i32 to index
    %swap3A_514 = arith.constant 0 : index
    %swap3A_515 = tpu.vector_load %arg9[%swap3A_513, %swap3A_514] {strides = array<i32>} : memref<50x16xf32, #tpu.memory_space<vmem>>, vector<16xf32>,
    tpu.vector_store %arg9[%swap3A_513, %swap3A_514], %get3A_511 {strides = array<i32>} : memref<50x16xf32, #tpu.memory_space<vmem>>, vector<16xf32>,
    %get3A_516 = arith.constant 4096 : index
    %get3A_517 = tpu.vector_load %arg8[%get3A_516] {strides = array<i32>} : memref<6528xf32, #tpu.memory_space<vmem>>, vector<16xf32>,
    %swap3A_518 = arith.constant 32 : i32
    %swap3A_519 = arith.index_cast %swap3A_518 : i32 to index
    %swap3A_520 = arith.constant 0 : index
    %swap3A_521 = tpu.vector_load %arg9[%swap3A_519, %swap3A_520] {strides = array<i32>} : memref<50x16xf32, #tpu.memory_space<vmem>>, vector<16xf32>,
    tpu.vector_store %arg9[%swap3A_519, %swap3A_520], %get3A_517 {strides = array<i32>} : memref<50x16xf32, #tpu.memory_space<vmem>>, vector<16xf32>,
    %get3A_522 = arith.constant 4224 : index
    %get3A_523 = tpu.vector_load %arg8[%get3A_522] {strides = array<i32>} : memref<6528xf32, #tpu.memory_space<vmem>>, vector<16xf32>,
    %swap3A_524 = arith.constant 33 : i32
    %swap3A_525 = arith.index_cast %swap3A_524 : i32 to index
    %swap3A_526 = arith.constant 0 : index
    %swap3A_527 = tpu.vector_load %arg9[%swap3A_525, %swap3A_526] {strides = array<i32>} : memref<50x16xf32, #tpu.memory_space<vmem>>, vector<16xf32>,
    tpu.vector_store %arg9[%swap3A_525, %swap3A_526], %get3A_523 {strides = array<i32>} : memref<50x16xf32, #tpu.memory_space<vmem>>, vector<16xf32>,
    %get3A_528 = arith.constant 4352 : index
    %get3A_529 = tpu.vector_load %arg8[%get3A_528] {strides = array<i32>} : memref<6528xf32, #tpu.memory_space<vmem>>, vector<16xf32>,
    %swap3A_530 = arith.constant 34 : i32
    %swap3A_531 = arith.index_cast %swap3A_530 : i32 to index
    %swap3A_532 = arith.constant 0 : index
    %swap3A_533 = tpu.vector_load %arg9[%swap3A_531, %swap3A_532] {strides = array<i32>} : memref<50x16xf32, #tpu.memory_space<vmem>>, vector<16xf32>,
    tpu.vector_store %arg9[%swap3A_531, %swap3A_532], %get3A_529 {strides = array<i32>} : memref<50x16xf32, #tpu.memory_space<vmem>>, vector<16xf32>,
    %get3A_534 = arith.constant 4480 : index
    %get3A_535 = tpu.vector_load %arg8[%get3A_534] {strides = array<i32>} : memref<6528xf32, #tpu.memory_space<vmem>>, vector<16xf32>,
    %swap3A_536 = arith.constant 35 : i32
    %swap3A_537 = arith.index_cast %swap3A_536 : i32 to index
    %swap3A_538 = arith.constant 0 : index
    %swap3A_539 = tpu.vector_load %arg9[%swap3A_537, %swap3A_538] {strides = array<i32>} : memref<50x16xf32, #tpu.memory_space<vmem>>, vector<16xf32>,
    tpu.vector_store %arg9[%swap3A_537, %swap3A_538], %get3A_535 {strides = array<i32>} : memref<50x16xf32, #tpu.memory_space<vmem>>, vector<16xf32>,
    %get3A_540 = arith.constant 4608 : index
    %get3A_541 = tpu.vector_load %arg8[%get3A_540] {strides = array<i32>} : memref<6528xf32, #tpu.memory_space<vmem>>, vector<16xf32>,
    %swap3A_542 = arith.constant 36 : i32
    %swap3A_543 = arith.index_cast %swap3A_542 : i32 to index
    %swap3A_544 = arith.constant 0 : index
    %swap3A_545 = tpu.vector_load %arg9[%swap3A_543, %swap3A_544] {strides = array<i32>} : memref<50x16xf32, #tpu.memory_space<vmem>>, vector<16xf32>,
    tpu.vector_store %arg9[%swap3A_543, %swap3A_544], %get3A_541 {strides = array<i32>} : memref<50x16xf32, #tpu.memory_space<vmem>>, vector<16xf32>,
    %get3A_546 = arith.constant 4736 : index
    %get3A_547 = tpu.vector_load %arg8[%get3A_546] {strides = array<i32>} : memref<6528xf32, #tpu.memory_space<vmem>>, vector<16xf32>,
    %swap3A_548 = arith.constant 37 : i32
    %swap3A_549 = arith.index_cast %swap3A_548 : i32 to index
    %swap3A_550 = arith.constant 0 : index
    %swap3A_551 = tpu.vector_load %arg9[%swap3A_549, %swap3A_550] {strides = array<i32>} : memref<50x16xf32, #tpu.memory_space<vmem>>, vector<16xf32>,
    tpu.vector_store %arg9[%swap3A_549, %swap3A_550], %get3A_547 {strides = array<i32>} : memref<50x16xf32, #tpu.memory_space<vmem>>, vector<16xf32>,
    %get3A_552 = arith.constant 4864 : index
    %get3A_553 = tpu.vector_load %arg8[%get3A_552] {strides = array<i32>} : memref<6528xf32, #tpu.memory_space<vmem>>, vector<16xf32>,
    %swap3A_554 = arith.constant 38 : i32
    %swap3A_555 = arith.index_cast %swap3A_554 : i32 to index
    %swap3A_556 = arith.constant 0 : index
    %swap3A_557 = tpu.vector_load %arg9[%swap3A_555, %swap3A_556] {strides = array<i32>} : memref<50x16xf32, #tpu.memory_space<vmem>>, vector<16xf32>,
    tpu.vector_store %arg9[%swap3A_555, %swap3A_556], %get3A_553 {strides = array<i32>} : memref<50x16xf32, #tpu.memory_space<vmem>>, vector<16xf32>,
    %get3A_558 = arith.constant 4992 : index
    %get3A_559 = tpu.vector_load %arg8[%get3A_558] {strides = array<i32>} : memref<6528xf32, #tpu.memory_space<vmem>>, vector<16xf32>,
    %swap3A_560 = arith.constant 39 : i32
    %swap3A_561 = arith.index_cast %swap3A_560 : i32 to index
    %swap3A_562 = arith.constant 0 : index
    %swap3A_563 = tpu.vector_load %arg9[%swap3A_561, %swap3A_562] {strides = array<i32>} : memref<50x16xf32, #tpu.memory_space<vmem>>, vector<16xf32>,
    tpu.vector_store %arg9[%swap3A_561, %swap3A_562], %get3A_559 {strides = array<i32>} : memref<50x16xf32, #tpu.memory_space<vmem>>, vector<16xf32>,
    %get3A_564 = arith.constant 5120 : index
    %get3A_565 = tpu.vector_load %arg8[%get3A_564] {strides = array<i32>} : memref<6528xf32, #tpu.memory_space<vmem>>, vector<16xf32>,
    %swap3A_566 = arith.constant 40 : i32
    %swap3A_567 = arith.index_cast %swap3A_566 : i32 to index
    %swap3A_568 = arith.constant 0 : index
    %swap3A_569 = tpu.vector_load %arg9[%swap3A_567, %swap3A_568] {strides = array<i32>} : memref<50x16xf32, #tpu.memory_space<vmem>>, vector<16xf32>,
    tpu.vector_store %arg9[%swap3A_567, %swap3A_568], %get3A_565 {strides = array<i32>} : memref<50x16xf32, #tpu.memory_space<vmem>>, vector<16xf32>,
    %get3A_570 = arith.constant 5248 : index
    %get3A_571 = tpu.vector_load %arg8[%get3A_570] {strides = array<i32>} : memref<6528xf32, #tpu.memory_space<vmem>>, vector<16xf32>,
    %swap3A_572 = arith.constant 41 : i32
    %swap3A_573 = arith.index_cast %swap3A_572 : i32 to index
    %swap3A_574 = arith.constant 0 : index
    %swap3A_575 = tpu.vector_load %arg9[%swap3A_573, %swap3A_574] {strides = array<i32>} : memref<50x16xf32, #tpu.memory_space<vmem>>, vector<16xf32>,
    tpu.vector_store %arg9[%swap3A_573, %swap3A_574], %get3A_571 {strides = array<i32>} : memref<50x16xf32, #tpu.memory_space<vmem>>, vector<16xf32>,
    %get3A_576 = arith.constant 5376 : index
    %get3A_577 = tpu.vector_load %arg8[%get3A_576] {strides = array<i32>} : memref<6528xf32, #tpu.memory_space<vmem>>, vector<16xf32>,
    %swap3A_578 = arith.constant 42 : i32
    %swap3A_579 = arith.index_cast %swap3A_578 : i32 to index
    %swap3A_580 = arith.constant 0 : index
    %swap3A_581 = tpu.vector_load %arg9[%swap3A_579, %swap3A_580] {strides = array<i32>} : memref<50x16xf32, #tpu.memory_space<vmem>>, vector<16xf32>,
    tpu.vector_store %arg9[%swap3A_579, %swap3A_580], %get3A_577 {strides = array<i32>} : memref<50x16xf32, #tpu.memory_space<vmem>>, vector<16xf32>,
    %get3A_582 = arith.constant 5504 : index
    %get3A_583 = tpu.vector_load %arg8[%get3A_582] {strides = array<i32>} : memref<6528xf32, #tpu.memory_space<vmem>>, vector<16xf32>,
    %swap3A_584 = arith.constant 43 : i32
    %swap3A_585 = arith.index_cast %swap3A_584 : i32 to index
    %swap3A_586 = arith.constant 0 : index
    %swap3A_587 = tpu.vector_load %arg9[%swap3A_585, %swap3A_586] {strides = array<i32>} : memref<50x16xf32, #tpu.memory_space<vmem>>, vector<16xf32>,
    tpu.vector_store %arg9[%swap3A_585, %swap3A_586], %get3A_583 {strides = array<i32>} : memref<50x16xf32, #tpu.memory_space<vmem>>, vector<16xf32>,
    %get3A_588 = arith.constant 5632 : index
    %get3A_589 = tpu.vector_load %arg8[%get3A_588] {strides = array<i32>} : memref<6528xf32, #tpu.memory_space<vmem>>, vector<16xf32>,
    %swap3A_590 = arith.constant 44 : i32
    %swap3A_591 = arith.index_cast %swap3A_590 : i32 to index
    %swap3A_592 = arith.constant 0 : index
    %swap3A_593 = tpu.vector_load %arg9[%swap3A_591, %swap3A_592] {strides = array<i32>} : memref<50x16xf32, #tpu.memory_space<vmem>>, vector<16xf32>,
    tpu.vector_store %arg9[%swap3A_591, %swap3A_592], %get3A_589 {strides = array<i32>} : memref<50x16xf32, #tpu.memory_space<vmem>>, vector<16xf32>,
    %get3A_594 = arith.constant 5760 : index
    %get3A_595 = tpu.vector_load %arg8[%get3A_594] {strides = array<i32>} : memref<6528xf32, #tpu.memory_space<vmem>>, vector<16xf32>,
    %swap3A_596 = arith.constant 45 : i32
    %swap3A_597 = arith.index_cast %swap3A_596 : i32 to index
    %swap3A_598 = arith.constant 0 : index
    %swap3A_599 = tpu.vector_load %arg9[%swap3A_597, %swap3A_598] {strides = array<i32>} : memref<50x16xf32, #tpu.memory_space<vmem>>, vector<16xf32>,
    tpu.vector_store %arg9[%swap3A_597, %swap3A_598], %get3A_595 {strides = array<i32>} : memref<50x16xf32, #tpu.memory_space<vmem>>, vector<16xf32>,
    %get3A_600 = arith.constant 5888 : index
    %get3A_601 = tpu.vector_load %arg8[%get3A_600] {strides = array<i32>} : memref<6528xf32, #tpu.memory_space<vmem>>, vector<16xf32>,
    %swap3A_602 = arith.constant 46 : i32
    %swap3A_603 = arith.index_cast %swap3A_602 : i32 to index
    %swap3A_604 = arith.constant 0 : index
    %swap3A_605 = tpu.vector_load %arg9[%swap3A_603, %swap3A_604] {strides = array<i32>} : memref<50x16xf32, #tpu.memory_space<vmem>>, vector<16xf32>,
    tpu.vector_store %arg9[%swap3A_603, %swap3A_604], %get3A_601 {strides = array<i32>} : memref<50x16xf32, #tpu.memory_space<vmem>>, vector<16xf32>,
    %get3A_606 = arith.constant 6016 : index
    %get3A_607 = tpu.vector_load %arg8[%get3A_606] {strides = array<i32>} : memref<6528xf32, #tpu.memory_space<vmem>>, vector<16xf32>,
    %swap3A_608 = arith.constant 47 : i32
    %swap3A_609 = arith.index_cast %swap3A_608 : i32 to index
    %swap3A_610 = arith.constant 0 : index
    %swap3A_611 = tpu.vector_load %arg9[%swap3A_609, %swap3A_610] {strides = array<i32>} : memref<50x16xf32, #tpu.memory_space<vmem>>, vector<16xf32>,
    tpu.vector_store %arg9[%swap3A_609, %swap3A_610], %get3A_607 {strides = array<i32>} : memref<50x16xf32, #tpu.memory_space<vmem>>, vector<16xf32>,
    %get3A_612 = arith.constant 6144 : index
    %get3A_613 = tpu.vector_load %arg8[%get3A_612] {strides = array<i32>} : memref<6528xf32, #tpu.memory_space<vmem>>, vector<16xf32>,
    %swap3A_614 = arith.constant 48 : i32
    %swap3A_615 = arith.index_cast %swap3A_614 : i32 to index
    %swap3A_616 = arith.constant 0 : index
    %swap3A_617 = tpu.vector_load %arg9[%swap3A_615, %swap3A_616] {strides = array<i32>} : memref<50x16xf32, #tpu.memory_space<vmem>>, vector<16xf32>,
    tpu.vector_store %arg9[%swap3A_615, %swap3A_616], %get3A_613 {strides = array<i32>} : memref<50x16xf32, #tpu.memory_space<vmem>>, vector<16xf32>,
    %get3A_618 = arith.constant 6272 : index
    %get3A_619 = tpu.vector_load %arg8[%get3A_618] {strides = array<i32>} : memref<6528xf32, #tpu.memory_space<vmem>>, vector<16xf32>,
    %get3A_620 = arith.constant 6400 : index
    %get3A_621 = tpu.vector_load %arg8[%get3A_620] {strides = array<i32>} : memref<6528xf32, #tpu.memory_space<vmem>>, vector<16xf32>,
    %add3A_622 = arith.addf %get3A_619, %get3A_621 : vector<16xf32>
    %swap3A_623 = arith.constant 49 : i32
    %swap3A_624 = arith.index_cast %swap3A_623 : i32 to index
    %swap3A_625 = arith.constant 0 : index
    %swap3A_626 = tpu.vector_load %arg9[%swap3A_624, %swap3A_625] {strides = array<i32>} : memref<50x16xf32, #tpu.memory_space<vmem>>, vector<16xf32>,
    tpu.vector_store %arg9[%swap3A_624, %swap3A_625], %add3A_622 {strides = array<i32>} : memref<50x16xf32, #tpu.memory_space<vmem>>, vector<16xf32>,
    "tpu.region"() ({
      %run_scoped3A = tpu.sem_alloc : memref<!tpu.dma_semaphore, #tpu.memory_space<semaphore_mem>>
      %dma_start3A_627 = arith.constant 0 : i32
      %dma_start3A_628 = arith.constant 0 : i32
      %dma_start3A_629 = tpu.memref_slice %arg4[%add3A, %dma_start3A_627, %dma_start3A_628] : memref<32x50x16xf32, #tpu.memory_space<hbm>> -> memref<1x50x16xf32, #tpu.memory_space<hbm>>
      %dma_start3A_630 = tpu.memref_squeeze %dma_start3A_629 : memref<1x50x16xf32, #tpu.memory_space<hbm>> -> memref<50x16xf32, #tpu.memory_space<hbm>>
      %dma_start3A_631 = arith.constant 0 : i32
      %dma_start3A_632 = arith.constant 0 : i32
      %dma_start3A_633 = tpu.memref_slice %arg4[%add3A, %dma_start3A_631, %dma_start3A_632] : memref<32x50x16xf32, #tpu.memory_space<hbm>> -> memref<1x50x16xf32, #tpu.memory_space<hbm>>
      %dma_start3A_634 = tpu.memref_squeeze %dma_start3A_633 : memref<1x50x16xf32, #tpu.memory_space<hbm>> -> memref<50x16xf32, #tpu.memory_space<hbm>>
      tpu.enqueue_dma source(%arg9 : memref<50x16xf32, #tpu.memory_space<vmem>>) target(%dma_start3A_634 : memref<50x16xf32, #tpu.memory_space<hbm>>) target_semaphore(%run_scoped3A : memref<!tpu.dma_semaphore, #tpu.memory_space<semaphore_mem>>)
      %dma_wait3A_635 = arith.constant 0 : i32
      %dma_wait3A_636 = arith.constant 0 : i32
      %dma_wait3A_637 = tpu.memref_slice %arg4[%add3A, %dma_wait3A_635, %dma_wait3A_636] : memref<32x50x16xf32, #tpu.memory_space<hbm>> -> memref<1x50x16xf32, #tpu.memory_space<hbm>>
      %dma_wait3A_638 = tpu.memref_squeeze %dma_wait3A_637 : memref<1x50x16xf32, #tpu.memory_space<hbm>> -> memref<50x16xf32, #tpu.memory_space<hbm>>
      %dma_wait3A_639 = arith.constant 0 : i32
      %dma_wait3A_640 = arith.constant 0 : i32
      %dma_wait3A_641 = tpu.memref_slice %arg4[%add3A, %dma_wait3A_639, %dma_wait3A_640] : memref<32x50x16xf32, #tpu.memory_space<hbm>> -> memref<1x50x16xf32, #tpu.memory_space<hbm>>
      %dma_wait3A_642 = tpu.memref_squeeze %dma_wait3A_641 : memref<1x50x16xf32, #tpu.memory_space<hbm>> -> memref<50x16xf32, #tpu.memory_space<hbm>>
      tpu.wait_dma2 semaphore(%run_scoped3A : memref<!tpu.dma_semaphore, #tpu.memory_space<semaphore_mem>>) src(%arg9 : memref<50x16xf32, #tpu.memory_space<vmem>>) dst(%dma_wait3A_642 : memref<50x16xf32, #tpu.memory_space<hbm>>)
      tpu.yield
    }) : () -> ()
    return
  }
}

module attributes {stable_mosaic.version = 14 : i64} {
  func.func @_minmax_body(%arg0: i32, %arg1: memref<1x1024x4096xf32, #tpu.memory_space<vmem>>, %arg2: memref<2x16xf32, #tpu.memory_space<vmem>>, %arg3: memref<1x2xf32, #tpu.memory_space<smem>>) attributes {dimension_semantics = [#tpu.dimension_semantics<arbitrary>], iteration_bounds = array<i64: 4>, scalar_prefetch = 0 : i64, scratch_operands = 1 : i64, tpu.core_type = #tpu.core_type<tc>, window_params = [{transform_indices = @transform_0, window_bounds = array<i64: 1, 1024, 4096>}, {pipeline_mode = #tpu.pipeline_mode<synchronous>, transform_indices = @transform_1, window_bounds = array<i64: 2, 16>}]} {
    %get3A = arith.constant 0 : index
    %get3A_0 = arith.constant 0 : index
    %get3A_1 = arith.constant 0 : index
    %get3A_2 = vector.load %arg1[%get3A, %get3A_0, %get3A_1] : memref<1x1024x4096xf32, #tpu.memory_space<vmem>>, vector<1x1024x4096xf32>
    %get3A_3 = vector.shape_cast %get3A_2 : vector<1x1024x4096xf32> to vector<1024x4096xf32>
    %reduce_min3A = vector.shape_cast %get3A_3 : vector<1024x4096xf32> to vector<1x1024x4096xf32>
    %reduce_min3A_4 = arith.constant dense<0x7F800000> : vector<1xf32>
    %reduce_min3A_5 = vector.multi_reduction <minimumf>, %reduce_min3A, %reduce_min3A_4 [1, 2] : vector<1x1024x4096xf32> to vector<1xf32>
    %reduce_min3A_6 = vector.shape_cast %reduce_min3A_5 : vector<1xf32> to vector<1x1x1xf32>
    %reduce_min3A_7 = vector.extract %reduce_min3A_6[0, 0, 0] : f32 from vector<1x1x1xf32>
    %reduce_max3A = vector.shape_cast %get3A_3 : vector<1024x4096xf32> to vector<1x1024x4096xf32>
    %reduce_max3A_8 = arith.constant dense<0xFF800000> : vector<1xf32>
    %reduce_max3A_9 = vector.multi_reduction <maximumf>, %reduce_max3A, %reduce_max3A_8 [1, 2] : vector<1x1024x4096xf32> to vector<1xf32>
    %reduce_max3A_10 = vector.shape_cast %reduce_max3A_9 : vector<1xf32> to vector<1x1x1xf32>
    %reduce_max3A_11 = vector.extract %reduce_max3A_10[0, 0, 0] : f32 from vector<1x1x1xf32>
    %eq3A = arith.constant 0 : i32
    %eq3A_12 = arith.cmpi eq, %arg0, %eq3A : i32
    %convert_element_type3A = arith.extui %eq3A_12 : i1 to i32
    %cond3A = arith.constant 0 : i32
    %cond3A_13 = arith.cmpi ne, %convert_element_type3A, %cond3A : i32
    scf.if %cond3A_13 {
      %swap3A = arith.constant 0 : index
      %swap3A_23 = arith.constant 0 : index
      %swap3A_24 = memref.load %arg3[%swap3A, %swap3A_23] : memref<1x2xf32, #tpu.memory_space<smem>>
      memref.store %reduce_min3A_7, %arg3[%swap3A, %swap3A_23] : memref<1x2xf32, #tpu.memory_space<smem>>
      %swap3A_25 = arith.constant 0 : index
      %swap3A_26 = arith.constant 1 : index
      %swap3A_27 = memref.load %arg3[%swap3A_25, %swap3A_26] : memref<1x2xf32, #tpu.memory_space<smem>>
      memref.store %reduce_max3A_11, %arg3[%swap3A_25, %swap3A_26] : memref<1x2xf32, #tpu.memory_space<smem>>
    } else {
    }
    %gt3A = arith.constant 0 : i32
    %gt3A_14 = arith.cmpi sgt, %arg0, %gt3A : i32
    %convert_element_type3A_15 = arith.extui %gt3A_14 : i1 to i32
    %cond3A_16 = arith.constant 0 : i32
    %cond3A_17 = arith.cmpi ne, %convert_element_type3A_15, %cond3A_16 : i32
    scf.if %cond3A_17 {
      %get3A_23 = arith.constant 0 : index
      %get3A_24 = arith.constant 0 : index
      %get3A_25 = memref.load %arg3[%get3A_23, %get3A_24] : memref<1x2xf32, #tpu.memory_space<smem>>
      %min3A = arith.minimumf %get3A_25, %reduce_min3A_7 : f32
      %swap3A = arith.constant 0 : index
      %swap3A_26 = arith.constant 0 : index
      %swap3A_27 = memref.load %arg3[%swap3A, %swap3A_26] : memref<1x2xf32, #tpu.memory_space<smem>>
      memref.store %min3A, %arg3[%swap3A, %swap3A_26] : memref<1x2xf32, #tpu.memory_space<smem>>
      %get3A_28 = arith.constant 0 : index
      %get3A_29 = arith.constant 1 : index
      %get3A_30 = memref.load %arg3[%get3A_28, %get3A_29] : memref<1x2xf32, #tpu.memory_space<smem>>
      %max3A = arith.maximumf %get3A_30, %reduce_max3A_11 : f32
      %swap3A_31 = arith.constant 0 : index
      %swap3A_32 = arith.constant 1 : index
      %swap3A_33 = memref.load %arg3[%swap3A_31, %swap3A_32] : memref<1x2xf32, #tpu.memory_space<smem>>
      memref.store %max3A, %arg3[%swap3A_31, %swap3A_32] : memref<1x2xf32, #tpu.memory_space<smem>>
    } else {
    }
    %eq3A_18 = arith.constant 3 : i32
    %eq3A_19 = arith.cmpi eq, %arg0, %eq3A_18 : i32
    %convert_element_type3A_20 = arith.extui %eq3A_19 : i1 to i32
    %cond3A_21 = arith.constant 0 : i32
    %cond3A_22 = arith.cmpi ne, %convert_element_type3A_20, %cond3A_21 : i32
    scf.if %cond3A_22 {
      %get3A_23 = arith.constant 0 : index
      %get3A_24 = arith.constant 0 : index
      %get3A_25 = memref.load %arg3[%get3A_23, %get3A_24] : memref<1x2xf32, #tpu.memory_space<smem>>
      %broadcast_in_dim3A = vector.broadcast %get3A_25 : f32 to vector<1x16xf32>
      %swap3A = arith.constant 0 : index
      %swap3A_26 = arith.constant 0 : index
      %swap3A_27 = vector.load %arg2[%swap3A, %swap3A_26] : memref<2x16xf32, #tpu.memory_space<vmem>>, vector<1x16xf32>
      tpu.vector_store %arg2[%swap3A, %swap3A_26], %broadcast_in_dim3A {strides = array<i32>} : memref<2x16xf32, #tpu.memory_space<vmem>>, vector<1x16xf32>,
      %get3A_28 = arith.constant 0 : index
      %get3A_29 = arith.constant 1 : index
      %get3A_30 = memref.load %arg3[%get3A_28, %get3A_29] : memref<1x2xf32, #tpu.memory_space<smem>>
      %broadcast_in_dim3A_31 = vector.broadcast %get3A_30 : f32 to vector<1x16xf32>
      %swap3A_32 = arith.constant 1 : index
      %swap3A_33 = arith.constant 0 : index
      %swap3A_34 = vector.load %arg2[%swap3A_32, %swap3A_33] : memref<2x16xf32, #tpu.memory_space<vmem>>, vector<1x16xf32>
      tpu.vector_store %arg2[%swap3A_32, %swap3A_33], %broadcast_in_dim3A_31 {strides = array<i32>} : memref<2x16xf32, #tpu.memory_space<vmem>>, vector<1x16xf32>,
    } else {
    }
    return
  }
  func.func @transform_0(%arg0: i32) -> (i32, i32, i32) {
    %c0_i32 = arith.constant 0 : i32
    %c0_i32_0 = arith.constant 0 : i32
    %c0_i32_1 = arith.constant 0 : i32
    return %c0_i32, %arg0, %c0_i32_0 : i32, i32, i32
  }
  func.func @transform_1(%arg0: i32) -> (i32, i32) {
    %c0_i32 = arith.constant 0 : i32
    %c0_i32_0 = arith.constant 0 : i32
    %c0_i32_1 = arith.constant 0 : i32
    return %c0_i32, %c0_i32_0 : i32, i32
  }
}

module attributes {stable_mosaic.version = 14 : i64} {
  func.func @_entropy_body(%arg0: memref<32x50x16xf32, #tpu.memory_space<vmem>>, %arg1: memref<1x1xf32, #tpu.memory_space<vmem>>) attributes {dimension_semantics = [], scalar_prefetch = 0 : i64, scratch_operands = 0 : i64, tpu.core_type = #tpu.core_type<tc>} {
    %get3A = arith.constant 0 : index
    %get3A_0 = arith.constant 0 : index
    %get3A_1 = arith.constant 0 : index
    %get3A_2 = vector.load %arg0[%get3A, %get3A_0, %get3A_1] : memref<32x50x16xf32, #tpu.memory_space<vmem>>, vector<1x50x16xf32>
    %get3A_3 = vector.shape_cast %get3A_2 : vector<1x50x16xf32> to vector<50x16xf32>
    %get3A_4 = arith.constant 1 : index
    %get3A_5 = arith.constant 0 : index
    %get3A_6 = arith.constant 0 : index
    %get3A_7 = vector.load %arg0[%get3A_4, %get3A_5, %get3A_6] : memref<32x50x16xf32, #tpu.memory_space<vmem>>, vector<1x50x16xf32>
    %get3A_8 = vector.shape_cast %get3A_7 : vector<1x50x16xf32> to vector<50x16xf32>
    %add3A = arith.addf %get3A_3, %get3A_8 : vector<50x16xf32>
    %get3A_9 = arith.constant 2 : index
    %get3A_10 = arith.constant 0 : index
    %get3A_11 = arith.constant 0 : index
    %get3A_12 = vector.load %arg0[%get3A_9, %get3A_10, %get3A_11] : memref<32x50x16xf32, #tpu.memory_space<vmem>>, vector<1x50x16xf32>
    %get3A_13 = vector.shape_cast %get3A_12 : vector<1x50x16xf32> to vector<50x16xf32>
    %add3A_14 = arith.addf %add3A, %get3A_13 : vector<50x16xf32>
    %get3A_15 = arith.constant 3 : index
    %get3A_16 = arith.constant 0 : index
    %get3A_17 = arith.constant 0 : index
    %get3A_18 = vector.load %arg0[%get3A_15, %get3A_16, %get3A_17] : memref<32x50x16xf32, #tpu.memory_space<vmem>>, vector<1x50x16xf32>
    %get3A_19 = vector.shape_cast %get3A_18 : vector<1x50x16xf32> to vector<50x16xf32>
    %add3A_20 = arith.addf %add3A_14, %get3A_19 : vector<50x16xf32>
    %get3A_21 = arith.constant 4 : index
    %get3A_22 = arith.constant 0 : index
    %get3A_23 = arith.constant 0 : index
    %get3A_24 = vector.load %arg0[%get3A_21, %get3A_22, %get3A_23] : memref<32x50x16xf32, #tpu.memory_space<vmem>>, vector<1x50x16xf32>
    %get3A_25 = vector.shape_cast %get3A_24 : vector<1x50x16xf32> to vector<50x16xf32>
    %add3A_26 = arith.addf %add3A_20, %get3A_25 : vector<50x16xf32>
    %get3A_27 = arith.constant 5 : index
    %get3A_28 = arith.constant 0 : index
    %get3A_29 = arith.constant 0 : index
    %get3A_30 = vector.load %arg0[%get3A_27, %get3A_28, %get3A_29] : memref<32x50x16xf32, #tpu.memory_space<vmem>>, vector<1x50x16xf32>
    %get3A_31 = vector.shape_cast %get3A_30 : vector<1x50x16xf32> to vector<50x16xf32>
    %add3A_32 = arith.addf %add3A_26, %get3A_31 : vector<50x16xf32>
    %get3A_33 = arith.constant 6 : index
    %get3A_34 = arith.constant 0 : index
    %get3A_35 = arith.constant 0 : index
    %get3A_36 = vector.load %arg0[%get3A_33, %get3A_34, %get3A_35] : memref<32x50x16xf32, #tpu.memory_space<vmem>>, vector<1x50x16xf32>
    %get3A_37 = vector.shape_cast %get3A_36 : vector<1x50x16xf32> to vector<50x16xf32>
    %add3A_38 = arith.addf %add3A_32, %get3A_37 : vector<50x16xf32>
    %get3A_39 = arith.constant 7 : index
    %get3A_40 = arith.constant 0 : index
    %get3A_41 = arith.constant 0 : index
    %get3A_42 = vector.load %arg0[%get3A_39, %get3A_40, %get3A_41] : memref<32x50x16xf32, #tpu.memory_space<vmem>>, vector<1x50x16xf32>
    %get3A_43 = vector.shape_cast %get3A_42 : vector<1x50x16xf32> to vector<50x16xf32>
    %add3A_44 = arith.addf %add3A_38, %get3A_43 : vector<50x16xf32>
    %get3A_45 = arith.constant 8 : index
    %get3A_46 = arith.constant 0 : index
    %get3A_47 = arith.constant 0 : index
    %get3A_48 = vector.load %arg0[%get3A_45, %get3A_46, %get3A_47] : memref<32x50x16xf32, #tpu.memory_space<vmem>>, vector<1x50x16xf32>
    %get3A_49 = vector.shape_cast %get3A_48 : vector<1x50x16xf32> to vector<50x16xf32>
    %add3A_50 = arith.addf %add3A_44, %get3A_49 : vector<50x16xf32>
    %get3A_51 = arith.constant 9 : index
    %get3A_52 = arith.constant 0 : index
    %get3A_53 = arith.constant 0 : index
    %get3A_54 = vector.load %arg0[%get3A_51, %get3A_52, %get3A_53] : memref<32x50x16xf32, #tpu.memory_space<vmem>>, vector<1x50x16xf32>
    %get3A_55 = vector.shape_cast %get3A_54 : vector<1x50x16xf32> to vector<50x16xf32>
    %add3A_56 = arith.addf %add3A_50, %get3A_55 : vector<50x16xf32>
    %get3A_57 = arith.constant 10 : index
    %get3A_58 = arith.constant 0 : index
    %get3A_59 = arith.constant 0 : index
    %get3A_60 = vector.load %arg0[%get3A_57, %get3A_58, %get3A_59] : memref<32x50x16xf32, #tpu.memory_space<vmem>>, vector<1x50x16xf32>
    %get3A_61 = vector.shape_cast %get3A_60 : vector<1x50x16xf32> to vector<50x16xf32>
    %add3A_62 = arith.addf %add3A_56, %get3A_61 : vector<50x16xf32>
    %get3A_63 = arith.constant 11 : index
    %get3A_64 = arith.constant 0 : index
    %get3A_65 = arith.constant 0 : index
    %get3A_66 = vector.load %arg0[%get3A_63, %get3A_64, %get3A_65] : memref<32x50x16xf32, #tpu.memory_space<vmem>>, vector<1x50x16xf32>
    %get3A_67 = vector.shape_cast %get3A_66 : vector<1x50x16xf32> to vector<50x16xf32>
    %add3A_68 = arith.addf %add3A_62, %get3A_67 : vector<50x16xf32>
    %get3A_69 = arith.constant 12 : index
    %get3A_70 = arith.constant 0 : index
    %get3A_71 = arith.constant 0 : index
    %get3A_72 = vector.load %arg0[%get3A_69, %get3A_70, %get3A_71] : memref<32x50x16xf32, #tpu.memory_space<vmem>>, vector<1x50x16xf32>
    %get3A_73 = vector.shape_cast %get3A_72 : vector<1x50x16xf32> to vector<50x16xf32>
    %add3A_74 = arith.addf %add3A_68, %get3A_73 : vector<50x16xf32>
    %get3A_75 = arith.constant 13 : index
    %get3A_76 = arith.constant 0 : index
    %get3A_77 = arith.constant 0 : index
    %get3A_78 = vector.load %arg0[%get3A_75, %get3A_76, %get3A_77] : memref<32x50x16xf32, #tpu.memory_space<vmem>>, vector<1x50x16xf32>
    %get3A_79 = vector.shape_cast %get3A_78 : vector<1x50x16xf32> to vector<50x16xf32>
    %add3A_80 = arith.addf %add3A_74, %get3A_79 : vector<50x16xf32>
    %get3A_81 = arith.constant 14 : index
    %get3A_82 = arith.constant 0 : index
    %get3A_83 = arith.constant 0 : index
    %get3A_84 = vector.load %arg0[%get3A_81, %get3A_82, %get3A_83] : memref<32x50x16xf32, #tpu.memory_space<vmem>>, vector<1x50x16xf32>
    %get3A_85 = vector.shape_cast %get3A_84 : vector<1x50x16xf32> to vector<50x16xf32>
    %add3A_86 = arith.addf %add3A_80, %get3A_85 : vector<50x16xf32>
    %get3A_87 = arith.constant 15 : index
    %get3A_88 = arith.constant 0 : index
    %get3A_89 = arith.constant 0 : index
    %get3A_90 = vector.load %arg0[%get3A_87, %get3A_88, %get3A_89] : memref<32x50x16xf32, #tpu.memory_space<vmem>>, vector<1x50x16xf32>
    %get3A_91 = vector.shape_cast %get3A_90 : vector<1x50x16xf32> to vector<50x16xf32>
    %add3A_92 = arith.addf %add3A_86, %get3A_91 : vector<50x16xf32>
    %get3A_93 = arith.constant 16 : index
    %get3A_94 = arith.constant 0 : index
    %get3A_95 = arith.constant 0 : index
    %get3A_96 = vector.load %arg0[%get3A_93, %get3A_94, %get3A_95] : memref<32x50x16xf32, #tpu.memory_space<vmem>>, vector<1x50x16xf32>
    %get3A_97 = vector.shape_cast %get3A_96 : vector<1x50x16xf32> to vector<50x16xf32>
    %add3A_98 = arith.addf %add3A_92, %get3A_97 : vector<50x16xf32>
    %get3A_99 = arith.constant 17 : index
    %get3A_100 = arith.constant 0 : index
    %get3A_101 = arith.constant 0 : index
    %get3A_102 = vector.load %arg0[%get3A_99, %get3A_100, %get3A_101] : memref<32x50x16xf32, #tpu.memory_space<vmem>>, vector<1x50x16xf32>
    %get3A_103 = vector.shape_cast %get3A_102 : vector<1x50x16xf32> to vector<50x16xf32>
    %add3A_104 = arith.addf %add3A_98, %get3A_103 : vector<50x16xf32>
    %get3A_105 = arith.constant 18 : index
    %get3A_106 = arith.constant 0 : index
    %get3A_107 = arith.constant 0 : index
    %get3A_108 = vector.load %arg0[%get3A_105, %get3A_106, %get3A_107] : memref<32x50x16xf32, #tpu.memory_space<vmem>>, vector<1x50x16xf32>
    %get3A_109 = vector.shape_cast %get3A_108 : vector<1x50x16xf32> to vector<50x16xf32>
    %add3A_110 = arith.addf %add3A_104, %get3A_109 : vector<50x16xf32>
    %get3A_111 = arith.constant 19 : index
    %get3A_112 = arith.constant 0 : index
    %get3A_113 = arith.constant 0 : index
    %get3A_114 = vector.load %arg0[%get3A_111, %get3A_112, %get3A_113] : memref<32x50x16xf32, #tpu.memory_space<vmem>>, vector<1x50x16xf32>
    %get3A_115 = vector.shape_cast %get3A_114 : vector<1x50x16xf32> to vector<50x16xf32>
    %add3A_116 = arith.addf %add3A_110, %get3A_115 : vector<50x16xf32>
    %get3A_117 = arith.constant 20 : index
    %get3A_118 = arith.constant 0 : index
    %get3A_119 = arith.constant 0 : index
    %get3A_120 = vector.load %arg0[%get3A_117, %get3A_118, %get3A_119] : memref<32x50x16xf32, #tpu.memory_space<vmem>>, vector<1x50x16xf32>
    %get3A_121 = vector.shape_cast %get3A_120 : vector<1x50x16xf32> to vector<50x16xf32>
    %add3A_122 = arith.addf %add3A_116, %get3A_121 : vector<50x16xf32>
    %get3A_123 = arith.constant 21 : index
    %get3A_124 = arith.constant 0 : index
    %get3A_125 = arith.constant 0 : index
    %get3A_126 = vector.load %arg0[%get3A_123, %get3A_124, %get3A_125] : memref<32x50x16xf32, #tpu.memory_space<vmem>>, vector<1x50x16xf32>
    %get3A_127 = vector.shape_cast %get3A_126 : vector<1x50x16xf32> to vector<50x16xf32>
    %add3A_128 = arith.addf %add3A_122, %get3A_127 : vector<50x16xf32>
    %get3A_129 = arith.constant 22 : index
    %get3A_130 = arith.constant 0 : index
    %get3A_131 = arith.constant 0 : index
    %get3A_132 = vector.load %arg0[%get3A_129, %get3A_130, %get3A_131] : memref<32x50x16xf32, #tpu.memory_space<vmem>>, vector<1x50x16xf32>
    %get3A_133 = vector.shape_cast %get3A_132 : vector<1x50x16xf32> to vector<50x16xf32>
    %add3A_134 = arith.addf %add3A_128, %get3A_133 : vector<50x16xf32>
    %get3A_135 = arith.constant 23 : index
    %get3A_136 = arith.constant 0 : index
    %get3A_137 = arith.constant 0 : index
    %get3A_138 = vector.load %arg0[%get3A_135, %get3A_136, %get3A_137] : memref<32x50x16xf32, #tpu.memory_space<vmem>>, vector<1x50x16xf32>
    %get3A_139 = vector.shape_cast %get3A_138 : vector<1x50x16xf32> to vector<50x16xf32>
    %add3A_140 = arith.addf %add3A_134, %get3A_139 : vector<50x16xf32>
    %get3A_141 = arith.constant 24 : index
    %get3A_142 = arith.constant 0 : index
    %get3A_143 = arith.constant 0 : index
    %get3A_144 = vector.load %arg0[%get3A_141, %get3A_142, %get3A_143] : memref<32x50x16xf32, #tpu.memory_space<vmem>>, vector<1x50x16xf32>
    %get3A_145 = vector.shape_cast %get3A_144 : vector<1x50x16xf32> to vector<50x16xf32>
    %add3A_146 = arith.addf %add3A_140, %get3A_145 : vector<50x16xf32>
    %get3A_147 = arith.constant 25 : index
    %get3A_148 = arith.constant 0 : index
    %get3A_149 = arith.constant 0 : index
    %get3A_150 = vector.load %arg0[%get3A_147, %get3A_148, %get3A_149] : memref<32x50x16xf32, #tpu.memory_space<vmem>>, vector<1x50x16xf32>
    %get3A_151 = vector.shape_cast %get3A_150 : vector<1x50x16xf32> to vector<50x16xf32>
    %add3A_152 = arith.addf %add3A_146, %get3A_151 : vector<50x16xf32>
    %get3A_153 = arith.constant 26 : index
    %get3A_154 = arith.constant 0 : index
    %get3A_155 = arith.constant 0 : index
    %get3A_156 = vector.load %arg0[%get3A_153, %get3A_154, %get3A_155] : memref<32x50x16xf32, #tpu.memory_space<vmem>>, vector<1x50x16xf32>
    %get3A_157 = vector.shape_cast %get3A_156 : vector<1x50x16xf32> to vector<50x16xf32>
    %add3A_158 = arith.addf %add3A_152, %get3A_157 : vector<50x16xf32>
    %get3A_159 = arith.constant 27 : index
    %get3A_160 = arith.constant 0 : index
    %get3A_161 = arith.constant 0 : index
    %get3A_162 = vector.load %arg0[%get3A_159, %get3A_160, %get3A_161] : memref<32x50x16xf32, #tpu.memory_space<vmem>>, vector<1x50x16xf32>
    %get3A_163 = vector.shape_cast %get3A_162 : vector<1x50x16xf32> to vector<50x16xf32>
    %add3A_164 = arith.addf %add3A_158, %get3A_163 : vector<50x16xf32>
    %get3A_165 = arith.constant 28 : index
    %get3A_166 = arith.constant 0 : index
    %get3A_167 = arith.constant 0 : index
    %get3A_168 = vector.load %arg0[%get3A_165, %get3A_166, %get3A_167] : memref<32x50x16xf32, #tpu.memory_space<vmem>>, vector<1x50x16xf32>
    %get3A_169 = vector.shape_cast %get3A_168 : vector<1x50x16xf32> to vector<50x16xf32>
    %add3A_170 = arith.addf %add3A_164, %get3A_169 : vector<50x16xf32>
    %get3A_171 = arith.constant 29 : index
    %get3A_172 = arith.constant 0 : index
    %get3A_173 = arith.constant 0 : index
    %get3A_174 = vector.load %arg0[%get3A_171, %get3A_172, %get3A_173] : memref<32x50x16xf32, #tpu.memory_space<vmem>>, vector<1x50x16xf32>
    %get3A_175 = vector.shape_cast %get3A_174 : vector<1x50x16xf32> to vector<50x16xf32>
    %add3A_176 = arith.addf %add3A_170, %get3A_175 : vector<50x16xf32>
    %get3A_177 = arith.constant 30 : index
    %get3A_178 = arith.constant 0 : index
    %get3A_179 = arith.constant 0 : index
    %get3A_180 = vector.load %arg0[%get3A_177, %get3A_178, %get3A_179] : memref<32x50x16xf32, #tpu.memory_space<vmem>>, vector<1x50x16xf32>
    %get3A_181 = vector.shape_cast %get3A_180 : vector<1x50x16xf32> to vector<50x16xf32>
    %add3A_182 = arith.addf %add3A_176, %get3A_181 : vector<50x16xf32>
    %get3A_183 = arith.constant 31 : index
    %get3A_184 = arith.constant 0 : index
    %get3A_185 = arith.constant 0 : index
    %get3A_186 = vector.load %arg0[%get3A_183, %get3A_184, %get3A_185] : memref<32x50x16xf32, #tpu.memory_space<vmem>>, vector<1x50x16xf32>
    %get3A_187 = vector.shape_cast %get3A_186 : vector<1x50x16xf32> to vector<50x16xf32>
    %add3A_188 = arith.addf %add3A_182, %get3A_187 : vector<50x16xf32>
    %reduce_sum3A = arith.constant dense<0.000000e+00> : vector<50xf32>
    %reduce_sum3A_189 = vector.multi_reduction <add>, %add3A_188, %reduce_sum3A [1] : vector<50x16xf32> to vector<50xf32>
    %reduce_sum3A_190 = vector.shape_cast %reduce_sum3A_189 : vector<50xf32> to vector<1x50xf32>
    %reduce_sum3A_191 = arith.constant dense<0.000000e+00> : vector<1xf32>
    %reduce_sum3A_192 = vector.multi_reduction <add>, %reduce_sum3A_190, %reduce_sum3A_191 [1] : vector<1x50xf32> to vector<1xf32>
    %reduce_sum3A_193 = vector.shape_cast %reduce_sum3A_192 : vector<1xf32> to vector<1x1xf32>
    %reduce_sum3A_194 = vector.extract %reduce_sum3A_193[0, 0] : f32 from vector<1x1xf32>
    %div3A = vector.broadcast %reduce_sum3A_194 : f32 to vector<50xf32>
    %div3A_195 = arith.divf %reduce_sum3A_189, %div3A : vector<50xf32>
    %mul3A = arith.mulf %div3A_195, %div3A_195 : vector<50xf32>
    %reduce_sum3A_196 = vector.shape_cast %mul3A : vector<50xf32> to vector<1x50xf32>
    %reduce_sum3A_197 = arith.constant dense<0.000000e+00> : vector<1xf32>
    %reduce_sum3A_198 = vector.multi_reduction <add>, %reduce_sum3A_196, %reduce_sum3A_197 [1] : vector<1x50xf32> to vector<1xf32>
    %reduce_sum3A_199 = vector.shape_cast %reduce_sum3A_198 : vector<1xf32> to vector<1x1xf32>
    %reduce_sum3A_200 = vector.extract %reduce_sum3A_199[0, 0] : f32 from vector<1x1xf32>
    %log3A = math.log %reduce_sum3A_200 : f32
    %log3A_201 = arith.constant 2.000000e+00 : f32
    %log3A_202 = math.log %log3A_201 : f32
    %div3A_203 = arith.divf %log3A, %log3A_202 : f32
    %neg3A = arith.constant 0.000000e+00 : f32
    %neg3A_204 = arith.subf %neg3A, %div3A_203 : f32
    %broadcast_in_dim3A = vector.broadcast %neg3A_204 : f32 to vector<1x1xf32>
    %swap3A = arith.constant 0 : index
    %swap3A_205 = arith.constant 0 : index
    %swap3A_206 = vector.load %arg1[%swap3A, %swap3A_205] : memref<1x1xf32, #tpu.memory_space<vmem>>, vector<1x1xf32>
    tpu.vector_store %arg1[%swap3A, %swap3A_205], %broadcast_in_dim3A {strides = array<i32>} : memref<1x1xf32, #tpu.memory_space<vmem>>, vector<1x1xf32>,
    return
  }
}

</mosaic_0001>

<sc_bundles>
// kernel: kernel.5.cloned.1.call-start
scs
__scs_entry_jumppad:
0x0: {  	(pc) =	sbr.rel $0x88, $3  }
0x1: {  	(tag) =	ssettag $0x0;
	lr =	simm.s32 $0x1  }
0x2: {  	[smem:$0x3FA0] =	sst lr;
	_ =	strace $0xD0000000  }
0x3: {  	_ = 	snop  }
0x4: {  	_ = 	snop  }
0x5: {  	_ = 	snop  }
0x6: {  	_ = 	snop  }
0x7: {  	_ = 	snop  }
__scs_overlays_trampoline_lowered:
0x8: {  	[smem:$0x3FAF] =	sst s0  }
0x9: {  	[smem:$0x3FB0] =	sst s1  }
0xa: {  	[smem:$0x3FB1] =	sst s2  }
0xb: {  	[smem:$0x3FB2] =	sst s3  }
0xc: {  	[smem:$0x3FB3] =	sst s4  }
0xd: {  	[smem:$0x3FB4] =	sst s5  }
0xe: {  	[smem:$0x3FB5] =	sst s6  }
0xf: {  	[smem:$0x3FB6] =	sst s7  }
0x10: {  	[smem:$0x3FB7] =	sst s8  }
0x11: {  	[smem:$0x3FB8] =	sst s9;
	s0 =	simm.s32 @!p0 $0x0  }
0x12: {  	s1 =	sld [smem:$0x3F9E];
	s0 =	simm.s32 @p0 $0x1  }
0x13: {  	[smem:$0x3FB9] =	sst s0;
	s0 =	simm.s32 @!p1 $0x0  }
0x14: {  	s2 =	sld [smem:$0x3F9D];
	s0 =	simm.s32 @p1 $0x1  }
0x15: {  	[smem:$0x3FBA] =	sst s0;
	s0 =	simm.s32 @!p2 $0x0  }
0x16: {  	s3 =	sld [smem:$0x3FDB];
	s0 =	simm.s32 @p2 $0x1  }
0x17: {  	s4 =	simm.s32 $0x1BF5;
	[smem:$0x3FBC] =	sst s0  }
0x18: {  	s0 =	sld [smem:$0x3F9F];
	_ =	swait.ge [sflag:s4], $0x0  }
0x19: {  	s7 =	sld [smem:$0x3FA0]  }
0x1a: {  	s8 =	sadd.s32 $0xFFFFE003, lr  }
0x1b: {  	s9 =	sadd.s32 $0xFFFFFEF7, lr;
	s5 =	simm.s32 $0xFFFFFFFF;
	p2 =	slt.u32 s8, $0xFFFFF086  }
0x1c: {  	p1 =	slt.u32 s9, $0xF7A;
	s5 =	simm.s32 @!p2 $0x0  }
0x1d: {  	s5 =	simm.s32 @p1 $0x1;
	p0 =	seq.s32 s7, s2  }
0x1e: {  	s7 =	smul.u32 @!p0 $0xF7A, s2;
	p2 =	seq.s32 @!p0 s5, $0x0  }
0x1f: {  	s9 =	smul.u32 $0xF7A, s1;
	s8 =	simm.s32 @!p0 $0x1BF5;
	p2 =	por !p2, p0  }
0x20: {  	[sflag:s8] =	ssyncset.s32 @!p0 $0xFFFFF086;
	s6 =	sadd.s32 @!p0 s3, s7;
	s7 =	simm.s32 @!p0 $0x108  }
0x21: {  	s3 =	sadd.s32 s3, s9;
	s6 =	sadd.s32 @!p0 $0x88, s6;
	s7 =	simm.s32 @p2 $0x1082  }
0x22: {  	[simem:s7], [sflag:s8] =	dma.local @!p0 [hbm:s6], $0xF7A  }
0x23: {  	s9 =	sor.u32 $0xD0000000, s2;
	s6 =	simm.s32 $0x108;
	_ =	swait.ge @!p0 [sflag:s8], $0x0  }
0x24: {  	s3 =	sadd.s32 $0x88, s3;
	s6 =	simm.s32 @!p1 $0x1082;
	[sflag:s4] =	ssyncset.s32 $0xFFFFF086  }
0x25: {  	[simem:s6], [sflag:s4] =	dma.local [hbm:s3], $0xF7A  }
0x26: {  	[smem:$0x3FA0] =	sst s1;
	(tag) =	ssettag s2;
	_ =	strace s9  }
0x27: {  	s1 =	sld [smem:$0x3FB0]  }
0x28: {  	s2 =	sld [smem:$0x3FB1]  }
0x29: {  	s4 =	sld [smem:$0x3FB3]  }
0x2a: {  	p0 =	seq.s32 s5, $0x0;
	s5 =	sld [smem:$0x3FB4]  }
0x2b: {  	s6 =	sld [smem:$0x3FB5]  }
0x2c: {  	s7 =	sld [smem:$0x3FB6]  }
0x2d: {  	s3 =	simm.s32 $0x108;
	s8 =	sld [smem:$0x3FB7]  }
0x2e: {  	s3 =	simm.s32 @!p0 $0x1082;
	s9 =	sld [smem:$0x3FB8]  }
0x2f: {  	lr =	sadd.s32 s0, s3;
	s0 =	sld [smem:$0x3FAF]  }
0x30: {  	s3 =	sld [smem:$0x3FB2]  }
0x31: {  	[smem:$0x3FBB] =	sst s10  }
0x32: {  	s10 =	sld [smem:$0x3FB9];
	_ =	sdelay $0x3  }
0x33: {  	p0 =	seq.s32 s10, $0x1;
	s10 =	sld [smem:$0x3FBB];
	_ =	sdelay $0x3  }
0x34: {  	[smem:$0x3FBB] =	sst s10  }
0x35: {  	s10 =	sld [smem:$0x3FBA];
	_ =	sdelay $0x3  }
0x36: {  	p1 =	seq.s32 s10, $0x1;
	s10 =	sld [smem:$0x3FBB];
	_ =	sdelay $0x3  }
0x37: {  	[smem:$0x3FBB] =	sst s10  }
0x38: {  	s10 =	sld [smem:$0x3FBC]  }
0x39: {  	_ = 	snop;
	(pc) =	sbr.ind lr, $3  }
0x3a: {  	_ = 	snop  }
0x3b: {  	_ = 	snop  }
0x3c: {  	p2 =	seq.s32 s10, $0x1;
	s10 =	sld [smem:$0x3FBB]  }
0x3d: {  	_ =	shalt  }
0x3e: {  	_ =	shalt  }
0x3f: {  	_ =	shalt  }
0x40: {  	_ =	shalt  }
0x41: {  	_ =	shalt  }
0x42: {  	_ =	shalt  }
0x43: {  	_ =	shalt  }
0x44: {  	_ =	shalt  }
0x45: {  	_ =	shalt  }
0x46: {  	_ =	shalt  }
0x47: {  	_ =	shalt  }
0x48: {  	_ =	shalt  }
0x49: {  	_ =	shalt  }
0x4a: {  	_ =	shalt  }
0x4b: {  	_ =	shalt  }
0x4c: {  	_ =	shalt  }
0x4d: {  	_ =	shalt  }
0x4e: {  	_ =	shalt  }
0x4f: {  	_ =	shalt  }
0x50: {  	_ =	shalt  }
0x51: {  	_ =	shalt  }
0x52: {  	_ =	shalt  }
0x53: {  	_ =	shalt  }
0x54: {  	_ =	shalt  }
0x55: {  	_ =	shalt  }
0x56: {  	_ =	shalt  }
0x57: {  	_ =	shalt  }
0x58: {  	_ =	shalt  }
0x59: {  	_ =	shalt  }
0x5a: {  	_ =	shalt  }
0x5b: {  	_ =	shalt  }
0x5c: {  	_ =	shalt  }
0x5d: {  	_ =	shalt  }
0x5e: {  	_ =	shalt  }
0x5f: {  	_ =	shalt  }
0x60: {  	_ =	shalt  }
0x61: {  	_ =	shalt  }
0x62: {  	_ =	shalt  }
0x63: {  	_ =	shalt  }
0x64: {  	_ =	shalt  }
0x65: {  	_ =	shalt  }
0x66: {  	_ =	shalt  }
0x67: {  	_ =	shalt  }
0x68: {  	_ =	shalt  }
0x69: {  	_ =	shalt  }
0x6a: {  	_ =	shalt  }
0x6b: {  	_ =	shalt  }
0x6c: {  	_ =	shalt  }
0x6d: {  	_ =	shalt  }
0x6e: {  	_ =	shalt  }
0x6f: {  	_ =	shalt  }
0x70: {  	_ =	shalt  }
0x71: {  	_ =	shalt  }
0x72: {  	_ =	shalt  }
0x73: {  	_ =	shalt  }
0x74: {  	_ =	shalt  }
0x75: {  	_ =	shalt  }
0x76: {  	_ =	shalt  }
0x77: {  	_ =	shalt  }
0x78: {  	_ =	shalt  }
0x79: {  	_ =	shalt  }
0x7a: {  	_ =	shalt  }
0x7b: {  	_ =	shalt  }
0x7c: {  	_ =	shalt  }
0x7d: {  	_ =	shalt  }
0x7e: {  	_ =	shalt  }
0x7f: {  	_ =	shalt  }
0x80: {  	_ =	shalt  }
0x81: {  	_ =	shalt  }
0x82: {  	_ =	shalt  }
0x83: {  	_ =	shalt  }
0x84: {  	_ =	shalt  }
0x85: {  	_ =	shalt  }
0x86: {  	_ =	shalt  }
0x87: {  	_ =	shalt  }
.Lfunc_end0:
.L_simem_size_0:
called_computation_lowered:
.L_overlay_start_0:
0x88: {  	s2 =	sld [smem:$0x3FD9]  }
0x89: {  	s3 =	sld [smem:$0x3FFE];
	_ =	sdelay $0x1  }
0x8a: {  	s1 =	srdreg.scid  }
0x8b: {  	s0 =	sand.u32 $0x1, s1  }
0x8c: {  	s17 =	sshll.u32 s0, $0xA;
	s2 =	sadd.s32 s3, s2  }
0x8d: {  	s2 =	sadd.s32 s2, s17  }
0x8e: {  	[smem:$0x3FC7] =	sst s2  }
0x8f: {  	_ = 	snop  }
0x90: {  	s2 =	sld [smem:$0x3FC9];
	(tm) =	ssettm $0x1  }
0x91: {  	s18 =	sld [smem:$0x3FFB];
	_ =	sdelay $0x3  }
0x92: {  	_ =	strace s18  }
0x93: {  	s3 =	sld [smem:$0x3FFC];
	_ =	sdelay $0x3  }
0x94: {  	_ =	strace s3  }
0x95: {  	s3 =	sld [smem:$0x3FFD];
	_ =	sdelay $0x3  }
0x96: {  	_ =	strace s3  }
0x97: {  	_ =	strace $0x8FFFFFFF  }
0x98: {  	s19 =	sld [smem:$0x3FDB];
	_ =	sdelay $0x1  }
0x99: {  	s4 =	simm.s32 $_scs_section_size  }
0x9a: {  	s5 =	simm.s32 $_size__tile_overlayer_lowered;
	s6 =	simm.s32 $_tile_overlayer_lowered  }
0x9b: {  	s22 =	simm.s32 $0x1BFF;
	s21 =	sshll.u32 s6, $0x1;
	s3 =	sadd.s32 s4, s19  }
0x9c: {  	s7 =	simm.s32 $0x0;
	s20 =	sshll.u32 s5, $0x1;
	s5 =	sadd.s32 s21, s3  }
0x9d: {  	[timem:s7], [sflag:s22] =	dma.local [hbm:s5], s20  }
0x9e: {  	_ =	swait.ge [sflag:s22], s20  }
0x9f: {  	s4 =	ssub.s32 $0x0, s20;
	[sflag:s22] =	ssyncset.done $0x0  }
0xa0: {  	[sflag:s22] =	ssyncadd.s32 s4;
	_ =	sdelay $0x1  }
0xa1: {  	s23 =	simm.s32 $0x1B8B  }
0xa2: {  	_ =	swait.ge [sflag:s23], $0x1  }
0xa3: {  	[sflag:s23] =	ssyncset.done $0x0  }
0xa4: {  	s25 =	simm.s32 $0x1B8E;
	s24 =	sld [smem:$0x3FFE];
	[sflag:s23] =	ssyncadd.s32 $0xFFFFFFFF  }
0xa5: {  	s26 =	simm.s32 $execute0_lowered;
	[smem:$0x3FD2] =	sst s25  }
0xa6: {  	s5 =	sshll.u32 s26, $0x1;
	_ =	strace $0x80000046;
	[dreg:$0x1] =	wrdreg $0xFFFFFFFF  }
0xa7: {  	s28 =	simm.s32 $_size_execute0_lowered;
	s3 =	sadd.s32 s3, s5;
	[dreg:$0x0] =	wrdreg $0x0  }
0xa8: {  	s5 =	sshll.u32 s28, $0x1;
	[dreg:$0x2] =	wrdreg s3  }
0xa9: {  	[dreg:$0x3] =	wrdreg s5  }
0xaa: {  	[dreg:$0x4] =	wrdreg $0xC0  }
0xab: {  	_ =	task [dreg:s7], $0x5FFFF  }
0xac: {  	[dreg:$0x1] =	wrdreg $0xFFFFFFFF  }
0xad: {  	[dreg:$0x0] =	wrdreg $0x60  }
0xae: {  	[dreg:$0x2] =	wrdreg s2  }
0xaf: {  	[dreg:$0x3] =	wrdreg s24  }
0xb0: {  	[dreg:$0x4] =	wrdreg $0x9  }
0xb1: {  	_ =	task.clear_ibuf [dreg:s7], $0x5FFFF;
	_ =	strace $0x90000046  }
0xb2: {  	s29 =	simm.s32 $0x9;
	_ =	strace $0x80000048  }
0xb3: {  	_ =	swait.ge [sflag:s29], $0x1  }
0xb4: {  	[sflag:s29] =	ssyncadd.s32 $0xFFFFFFFF  }
0xb5: {  	_ =	strace $0x90000048  }
0xb6: {  	_ =	sfence  }
0xb7: {  	s30 =	sld [smem:$0x0];
	_ =	sdelay $0x2  }
0xb8: {  	s31 =	sshll.u32 s1, $0xD;
	s1 =	sshrl.u32 s1, $0x2  }
0xb9: {  	s3 =	sand.u32 $0x4000, s31;
	s1 =	sadd.s32 s1, s30  }
0xba: {  	s0 =	sor.u32 s3, s0;
	s1 =	sshll.u32 s1, $0x11  }
0xbb: {  	s0 =	sor.u32 s1, s0  }
0xbc: {  	s0 =	sadd.s32 $0x8F2B, s0  }
0xbd: {  	[sflag:s0] =	ssyncadd.remote.s32 $0x1  }
0xbe: {  	_ =	sfence.sel $0xFFFF  }
0xbf: {  	[dreg:$0x0] =	wrdreg $0xFFFFFFFF;
	(pc) =	sbr.abs _section_cstart, $3  }
0xc0: {  	[dreg:$0x1] =	wrdreg $0xFFFFFFFF  }
0xc1: {  	_ =	task.clear_ibuf [dreg:s7], $0x2FFFF;
	_ =	strace $0x9FFFFFFF  }
0xc2: {  	(tm) =	ssettm $0x7FFFFFFF  }
0xc3: {  	_ =	shalt  }
tec
execute0_lowered:
.L_overlay_start_1:
0x0: {  	(tag) =	ssettag $0x1  }
0x1: {  	s0 =	rddreg [dreg:$0x0]  }
0x2: {  	s1 =	rddreg [dreg:$0x1]  }
0x3: {  	s2 =	simm.s32 $0x0;
	s3 =	srdreg.scid;
	s4 =	stileid.u32  }
0x4: {  	s23 =	simm.s32 $0x3;
	s24 =	simm.s32 $0x8000;
	s25 =	simm.s32 $0x1  }
0x5: {  	s26 =	simm.s32 $0x10100;
	s28 =	simm.s32 $0x2;
	s30 =	simm.s32 $0x0  }
0x6: {  	[smem:$0x7FF] =	sst s2;
	s3 =	sand.u32 $0x1, s3;
	s4 =	sshll.u32 s4, $0x1  }
0x7: {  	_ =	strace $0x80000047;
	s4 =	sor.u32 s3, s4;
	s6 =	ssub.s32 $0x2, s3  }
0x8: {  	s5 =	smul.u32 $0x380, s4;
	s4 =	sshll.u32 s4, $0x10;
	s7 =	sshrl.u32 s6, $0x1  }
0x9: {  	s3 =	sadd.s32 $0x800, s1;
	s4 =	sadd.s32 s0, s4;
	s31 =	ssub.s32 s6, s7  }
0xa: {  	s29 =	sadd.s32 s5, s1;
	s5 =	sadd.s32 $0x1000, s4;
	s6 =	sadd.s32 $0x2000, s4  }
0xb: {  	s7 =	sadd.s32 $0x3000, s4;
	s8 =	sadd.s32 $0x4000, s4;
	s9 =	sadd.s32 $0x5000, s4  }
0xc: {  	s10 =	sadd.s32 $0x6000, s4;
	s11 =	sadd.s32 $0x7000, s4;
	s12 =	sadd.s32 $0x8000, s4  }
0xd: {  	s13 =	sadd.s32 $0x9000, s4;
	s14 =	sadd.s32 $0xA000, s4;
	s15 =	sadd.s32 $0xB000, s4  }
0xe: {  	s16 =	sadd.s32 $0xC000, s4;
	s17 =	sadd.s32 $0xD000, s4;
	s18 =	sadd.s32 $0xE000, s4  }
0xf: {  	v0 =	vimm.f32 $0.0e+00;
	v1 =	vlaneseq.u32;
	v2 =	vimm.f32 $1.000000000e+00;
	s19 =	sadd.s32 $0xF000, s4;
	s21 =	smax.u32 s31, $0x1;
	s20 =	sadd.s32 $0xA00, s29  }
.LBB2_1:
0x10: {  	s0 =	simm.s32 $0x10140  }
0x11: {  	[tilespmem:s0+$0xFFFFFFC0] =	vst v0  }
0x12: {  	[tilespmem:s0+$0x30] =	vst v0  }
0x13: {  	[tilespmem:s0+$0x20] =	vst v0  }
0x14: {  	[tilespmem:s0+$0x10] =	vst v0  }
0x15: {  	[tilespmem:s0+$0x0] =	vst v0  }
0x16: {  	[tilespmem:s0+$0xFFFFFFF0] =	vst v0  }
0x17: {  	s1 =	simm.s32 $0x0;
	[tilespmem:s0+$0xFFFFFFE0] =	vst v0  }
.LBB2_2:
0x18: {  	s1 =	sadd.s32 $0x8, s1;
	[tilespmem:s0+$0xFFFFFFD0] =	vst v0;
	s0 =	sadd.s32 $0x80, s0  }
0x19: {  	[tilespmem:s0+$0xFFFFFFC0] =	vst v0;
	p0 =	slt.u32 s1, $0x190  }
0x1a: {  	[tilespmem:s0+$0x30] =	vst v0  }
.Ltmp0:
0x1b: {  	[tilespmem:s0+$0x20] =	vst v0;
	(pc) =	sbr.rel @p0 .LBB2_2-.Ltmp0, $4  }
0x1c: {  	[tilespmem:s0+$0x10] =	vst v0  }
0x1d: {  	[tilespmem:s0+$0x0] =	vst v0  }
0x1e: {  	[tilespmem:s0+$0xFFFFFFF0] =	vst v0  }
0x1f: {  	[tilespmem:s0+$0xFFFFFFE0] =	vst v0  }
0x20: {  	[tilespmem:s0+$0xFFFFFFD0] =	vst v0;
	s22 =	simm.s32 $0x0;
	s1 =	simm.s32 $0x10000  }
0x21: {  	[tilespmem:s1], [sflag:$0x3] =	stream.linear.gather [hbm4b:s3+s22], $0x100, $0x38;
	[tilespmem:$0x13680] =	vst v63  }
0x22: {  	_ =	swait.ge [sflag:s23], $0x100  }
0x23: {  	[sflag:s23] =	ssyncset.done $0x0  }
0x24: {  	[sflag:s23] =	ssyncadd.s32 $0xFFFFFF00  }
0x25: {  	v3 =	vld [tilespmem:$0x10000]  }
0x26: {  	v4 =	vld [tilespmem:$0x10080];
	_ =	sdelay $0x4  }
0x27: {  	v4 =	vsub.f32 v4, v3;
	_ =	sdelay $0x1  }
0x28: {  	(erf) = vrcp.f32 v4;
	_ =	sdelay $0x6  }
0x29: {  	[tilespmem:s22], [sflag:$0x1] =	stream.linear.gather [hbm4b:s4+s22], $0x8000, $0x38;
	[tilespmem:$0x13680] =	vst v63  }
0x2a: {  	_ = 	snop  }
0x2b: {  	[tilespmem:s24], [sflag:$0x2] =	stream.linear.gather [hbm4b:s5+s22], $0x8000, $0x38;
	v4 =	vpop (erf);
	[tilespmem:$0x13680] =	vst v63  }
0x2c: {  	_ =	swait.ge [sflag:s25], $0x8000  }
0x2d: {  	s29 =	sand.u32 $0x7C00, s22;
	s0 =	sand.u32 $0x380, s22;
	[sflag:s25] =	ssyncset.done $0x0  }
0x2e: {  	s0 =	sor.u32 s0, s29;
	[sflag:s25] =	ssyncadd.s32 $0xFFFF8000  }
0x2f: {  	v5 =	vld [tilespmem:s0+$0x0]  }
0x30: {  	v3 =	vsub.f32 $0.0e+00, v3;
	v4 =	vmul.f32 $5.000000000e+01, v4;
	_ =	sdelay $0x1  }
0x31: {  	v3 =	vmul.f32 v4, v3;
	_ =	sdelay $0x1  }
0x32: {  	v3 =	vadd.f32 $6.553600000e+04, v3;
	v5 =	vmul.f32 v5, v4  }
0x33: {  	v6 =	vld [tilespmem:s0+$0x30]  }
0x34: {  	v5 =	vadd.f32 v5, v3  }
0x35: {  	v8 =	vld [tilespmem:s0+$0x50]  }
0x36: {  	v7 =	vld [tilespmem:s0+$0x40];
	v5 =	vand.u32 $0x7FFF80, v5  }
0x37: {  	v9 =	vld [tilespmem:s0+$0x20];
	v5 =	vor.u32 v1, v5  }
0x38: {  	v10 =	vld [tilespmem:s0+$0x10];
	v6 =	vmul.f32 v6, v4  }
0x39: {  	v11 =	vld [tilespmem:s0+$0x60]  }
0x3a: {  	s31 =	simm.s32 $0x400;
	s22 =	simm.s32 $0x4;
	v8 =	vmul.f32 v8, v4;
	v6 =	vadd.f32 v6, v3  }
0x3b: {  	s29 =	sand.u32 $0x7C00, s31;
	s1 =	sand.u32 $0x380, s22;
	v12 =	vld [tilespmem:s0+$0x70];
	v7 =	vmul.f32 v7, v4  }
0x3c: {  	s0 =	sor.u32 s1, s29;
	v9 =	vmul.f32 v9, v4;
	v8 =	vadd.f32 v8, v3;
	v6 =	vand.u32 $0x7FFF80, v6;
	[tilespmem:v5+s26+$0x0] =	vst.idx.add.f32.msk $0xffff, v2  }
0x3d: {  	v10 =	vmul.f32 v10, v4;
	v6 =	vor.u32 v1, v6;
	v5 =	vadd.f32 v7, v3;
	v7 =	vld [tilespmem:s0+$0x0]  }
0x3e: {  	v13 =	vld [tilespmem:s0+$0x10];
	v11 =	vmul.f32 v11, v4;
	v9 =	vadd.f32 v9, v3;
	v8 =	vand.u32 $0x7FFF80, v8  }
0x3f: {  	v14 =	vld [tilespmem:s0+$0x20];
	v10 =	vadd.f32 v10, v3;
	v8 =	vor.u32 v1, v8;
	v5 =	vand.u32 $0x7FFF80, v5  }
0x40: {  	v15 =	vld [tilespmem:s0+$0x30];
	v12 =	vmul.f32 v12, v4;
	v9 =	vand.u32 $0x7FFF80, v9;
	v5 =	vor.u32 v1, v5  }
0x41: {  	v16 =	vld [tilespmem:s0+$0x40];
	v11 =	vadd.f32 v11, v3;
	v10 =	vand.u32 $0x7FFF80, v10;
	v9 =	vor.u32 v1, v9  }
0x42: {  	v17 =	vor.u32 v1, v10;
	[tilespmem:v6+s26+$0x0] =	vst.idx.add.f32.msk $0xffff, v2;
	v7 =	vmul.f32 v7, v4  }
0x43: {  	v6 =	vadd.f32 v12, v3;
	v12 =	vld [tilespmem:s0+$0x50]  }
0x44: {  	v13 =	vmul.f32 v13, v4;
	v11 =	vand.u32 $0x7FFF80, v11;
	[tilespmem:v8+s26+$0x0] =	vst.idx.add.f32.msk $0xffff, v2;
	v7 =	vadd.f32 v7, v3  }
0x45: {  	v14 =	vmul.f32 v14, v4;
	v8 =	vand.u32 $0x7FFF80, v6;
	[tilespmem:v5+s26+$0x0] =	vst.idx.add.f32.msk $0xffff, v2;
	v5 =	vor.u32 v1, v11  }
0x46: {  	[tilespmem:v9+s26+$0x0] =	vst.idx.add.f32.msk $0xffff, v2;
	v9 =	vor.u32 v1, v8;
	v11 =	vmul.f32 v15, v4;
	v7 =	vand.u32 $0x7FFF80, v7  }
0x47: {  	v63 =	vadd.f32 v13, v3;
	[tilespmem:v17+s26+$0x0] =	vst.idx.add.f32.msk $0xffff, v2;
	v8 =	vor.u32 v1, v7  }
0x48: {  	v14 =	vadd.f32 v14, v3;
	v15 =	vadd.f32 v11, v3;
	v11 =	vld [tilespmem:s0+$0x70]  }
0x49: {  	v10 =	vmul.f32 v16, v4;
	v6 =	vld [tilespmem:s0+$0x60];
	v12 =	vmul.f32 v12, v4  }
0x4a: {  	s31 =	simm.s32 $0x8;
	s1 =	simm.s32 $0x800;
	v7 =	vand.u32 $0x7FFF80, v14;
	s0 =	simm.s32 $0x8;
	v13 =	vand.u32 $0x7FFF80, v15;
	[tilespmem:v5+s26+$0x0] =	vst.idx.add.f32.msk $0xffff, v2;
	v5 =	vand.u32 $0x7FFF80, v63  }
.LBB2_4:
0x4b: {  	s22 =	sand.u32 $0x7C00, s1;
	s29 =	sand.u32 $0x380, s0;
	s31 =	sadd.s32 $0x8, s31;
	[tilespmem:v9+s26+$0x0] =	vst.idx.add.f32.msk $0xffff, v2  }
0x4c: {  	s22 =	sor.u32 s29, s22;
	p0 =	slt.u32 s31, $0x7F8;
	[tilespmem:v8+s26+$0x0] =	vst.idx.add.f32.msk $0xffff, v2;
	v8 =	vadd.f32 v10, v3  }
0x4d: {  	v12 =	vadd.f32 v12, v3;
	v10 =	vor.u32 v1, v13;
	v9 =	vld [tilespmem:s22+$0x0];
	v11 =	vmul.f32 v11, v4  }
0x4e: {  	v13 =	vld [tilespmem:s22+$0x10];
	v8 =	vand.u32 $0x7FFF80, v8  }
0x4f: {  	v6 =	vmul.f32 v6, v4;
	v12 =	vand.u32 $0x7FFF80, v12;
	v14 =	vld [tilespmem:s22+$0x20];
	v8 =	vor.u32 v1, v8  }
0x50: {  	v12 =	vor.u32 v1, v12;
	v11 =	vadd.f32 v11, v3;
	v15 =	vld [tilespmem:s22+$0x30]  }
0x51: {  	v6 =	vadd.f32 v6, v3;
	v16 =	vld [tilespmem:s22+$0x40]  }
0x52: {  	v7 =	vor.u32 v1, v7;
	v11 =	vand.u32 $0x7FFF80, v11;
	v9 =	vmul.f32 v9, v4;
	[tilespmem:v10+s26+$0x0] =	vst.idx.add.f32.msk $0xffff, v2  }
0x53: {  	v18 =	vor.u32 v1, v5;
	v5 =	vand.u32 $0x7FFF80, v6;
	v13 =	vmul.f32 v13, v4;
	v17 =	vld [tilespmem:s22+$0x50]  }
0x54: {  	v5 =	vor.u32 v1, v5;
	v6 =	vadd.f32 v9, v3;
	[tilespmem:v8+s26+$0x0] =	vst.idx.add.f32.msk $0xffff, v2  }
0x55: {  	v14 =	vmul.f32 v14, v4;
	v15 =	vmul.f32 v15, v4;
	[tilespmem:v12+s26+$0x0] =	vst.idx.add.f32.msk $0xffff, v2  }
.Ltmp1:
0x56: {  	v9 =	vor.u32 v1, v11;
	v8 =	vand.u32 $0x7FFF80, v6;
	v10 =	vmul.f32 v16, v4;
	v6 =	vld [tilespmem:s22+$0x60];
	(pc) =	sbr.rel @p0 .LBB2_4-.Ltmp1, $4  }
0x57: {  	v8 =	vor.u32 v1, v8;
	v15 =	vadd.f32 v15, v3;
	[tilespmem:v7+s26+$0x0] =	vst.idx.add.f32.msk $0xffff, v2  }
0x58: {  	v14 =	vadd.f32 v14, v3;
	v7 =	vadd.f32 v13, v3;
	v12 =	vmul.f32 v17, v4;
	v11 =	vld [tilespmem:s22+$0x70]  }
0x59: {  	v13 =	vand.u32 $0x7FFF80, v15;
	[tilespmem:v5+s26+$0x0] =	vst.idx.add.f32.msk $0xffff, v2  }
0x5a: {  	s0 =	sadd.s32 $0x4, s0;
	s1 =	sadd.s32 $0x400, s1;
	v5 =	vand.u32 $0x7FFF80, v7;
	v7 =	vand.u32 $0x7FFF80, v14;
	[tilespmem:v18+s26+$0x0] =	vst.idx.add.f32.msk $0xffff, v2  }
0x5b: {  	_ = 	snop  }
0x5c: {  	v10 =	vadd.f32 v10, v3;
	v6 =	vmul.f32 v6, v4;
	v13 =	vor.u32 v1, v13  }
0x5d: {  	v12 =	vadd.f32 v12, v3;
	v7 =	vor.u32 v1, v7;
	v11 =	vmul.f32 v11, v4  }
0x5e: {  	v5 =	vor.u32 v1, v5;
	v10 =	vand.u32 $0x7FFF80, v10;
	v6 =	vadd.f32 v6, v3  }
0x5f: {  	[tilespmem:v9+s26+$0x0] =	vst.idx.add.f32.msk $0xffff, v2;
	v12 =	vand.u32 $0x7FFF80, v12;
	v10 =	vor.u32 v1, v10;
	v9 =	vadd.f32 v11, v3  }
0x60: {  	[tilespmem:v8+s26+$0x0] =	vst.idx.add.f32.msk $0xffff, v2;
	v12 =	vor.u32 v1, v12;
	v6 =	vand.u32 $0x7FFF80, v6  }
0x61: {  	v6 =	vor.u32 v1, v6;
	[tilespmem:v13+s26+$0x0] =	vst.idx.add.f32.msk $0xffff, v2;
	v8 =	vand.u32 $0x7FFF80, v9  }
0x62: {  	[tilespmem:v7+s26+$0x0] =	vst.idx.add.f32.msk $0xffff, v2;
	v8 =	vor.u32 v1, v8  }
0x63: {  	[tilespmem:v5+s26+$0x0] =	vst.idx.add.f32.msk $0xffff, v2  }
0x64: {  	[tilespmem:v10+s26+$0x0] =	vst.idx.add.f32.msk $0xffff, v2  }
0x65: {  	[tilespmem:v12+s26+$0x0] =	vst.idx.add.f32.msk $0xffff, v2  }
0x66: {  	[tilespmem:v6+s26+$0x0] =	vst.idx.add.f32.msk $0xffff, v2  }
0x67: {  	s0 =	simm.s32 $0x0;
	[tilespmem:v8+s26+$0x0] =	vst.idx.add.f32.msk $0xffff, v2  }
0x68: {  	[tilespmem:s0], [sflag:$0x1] =	stream.linear.gather [hbm4b:s6+s0], $0x8000, $0x38;
	[tilespmem:$0x13680] =	vst v63  }
0x69: {  	_ =	swait.ge [sflag:s28], $0x8000  }
0x6a: {  	s1 =	sand.u32 $0x7C00, s0;
	s0 =	sand.u32 $0x380, s0;
	[sflag:s28] =	ssyncset.done $0x0  }
0x6b: {  	s0 =	sor.u32 s0, s1;
	[sflag:s28] =	ssyncadd.s32 $0xFFFF8000  }
0x6c: {  	v5 =	vld [tilespmem:s0+$0x8000];
	_ =	sdelay $0x4  }
0x6d: {  	v5 =	vmul.f32 v5, v4  }
0x6e: {  	v6 =	vld [tilespmem:s0+$0x8030]  }
0x6f: {  	v5 =	vadd.f32 v5, v3  }
0x70: {  	v8 =	vld [tilespmem:s0+$0x8050]  }
0x71: {  	v7 =	vld [tilespmem:s0+$0x8040];
	v5 =	vand.u32 $0x7FFF80, v5  }
0x72: {  	v9 =	vld [tilespmem:s0+$0x8020];
	v5 =	vor.u32 v1, v5  }
0x73: {  	v10 =	vld [tilespmem:s0+$0x8010];
	v6 =	vmul.f32 v6, v4  }
0x74: {  	v11 =	vld [tilespmem:s0+$0x8060]  }
0x75: {  	s22 =	simm.s32 $0x400;
	s1 =	simm.s32 $0x4;
	v8 =	vmul.f32 v8, v4;
	v6 =	vadd.f32 v6, v3  }
0x76: {  	s29 =	sand.u32 $0x7C00, s22;
	s1 =	sand.u32 $0x380, s1;
	v12 =	vld [tilespmem:s0+$0x8070];
	v7 =	vmul.f32 v7, v4  }
0x77: {  	s0 =	sor.u32 s1, s29;
	v9 =	vmul.f32 v9, v4;
	v8 =	vadd.f32 v8, v3;
	v6 =	vand.u32 $0x7FFF80, v6;
	[tilespmem:v5+s26+$0x0] =	vst.idx.add.f32.msk $0xffff, v2  }
0x78: {  	v10 =	vmul.f32 v10, v4;
	v6 =	vor.u32 v1, v6;
	v5 =	vadd.f32 v7, v3;
	v7 =	vld [tilespmem:s0+$0x8000]  }
0x79: {  	v13 =	vld [tilespmem:s0+$0x8010];
	v11 =	vmul.f32 v11, v4;
	v9 =	vadd.f32 v9, v3;
	v8 =	vand.u32 $0x7FFF80, v8  }
0x7a: {  	v14 =	vld [tilespmem:s0+$0x8020];
	v10 =	vadd.f32 v10, v3;
	v8 =	vor.u32 v1, v8;
	v5 =	vand.u32 $0x7FFF80, v5  }
0x7b: {  	v15 =	vld [tilespmem:s0+$0x8030];
	v12 =	vmul.f32 v12, v4;
	v9 =	vand.u32 $0x7FFF80, v9;
	v5 =	vor.u32 v1, v5  }
0x7c: {  	v16 =	vld [tilespmem:s0+$0x8040];
	v11 =	vadd.f32 v11, v3;
	v10 =	vand.u32 $0x7FFF80, v10;
	v9 =	vor.u32 v1, v9  }
0x7d: {  	v17 =	vor.u32 v1, v10;
	[tilespmem:v6+s26+$0x0] =	vst.idx.add.f32.msk $0xffff, v2;
	v7 =	vmul.f32 v7, v4  }
0x7e: {  	v6 =	vadd.f32 v12, v3;
	v12 =	vld [tilespmem:s0+$0x8050]  }
0x7f: {  	v13 =	vmul.f32 v13, v4;
	v11 =	vand.u32 $0x7FFF80, v11;
	[tilespmem:v8+s26+$0x0] =	vst.idx.add.f32.msk $0xffff, v2;
	v7 =	vadd.f32 v7, v3  }
0x80: {  	v14 =	vmul.f32 v14, v4;
	v8 =	vand.u32 $0x7FFF80, v6;
	[tilespmem:v5+s26+$0x0] =	vst.idx.add.f32.msk $0xffff, v2;
	v5 =	vor.u32 v1, v11  }
0x81: {  	[tilespmem:v9+s26+$0x0] =	vst.idx.add.f32.msk $0xffff, v2;
	v9 =	vor.u32 v1, v8;
	v11 =	vmul.f32 v15, v4;
	v7 =	vand.u32 $0x7FFF80, v7  }
0x82: {  	v63 =	vadd.f32 v13, v3;
	[tilespmem:v17+s26+$0x0] =	vst.idx.add.f32.msk $0xffff, v2;
	v8 =	vor.u32 v1, v7  }
0x83: {  	v14 =	vadd.f32 v14, v3;
	v15 =	vadd.f32 v11, v3;
	v11 =	vld [tilespmem:s0+$0x8070]  }
0x84: {  	v10 =	vmul.f32 v16, v4;
	v6 =	vld [tilespmem:s0+$0x8060];
	v12 =	vmul.f32 v12, v4  }
0x85: {  	s31 =	simm.s32 $0x8;
	s1 =	simm.s32 $0x800;
	v7 =	vand.u32 $0x7FFF80, v14;
	s0 =	simm.s32 $0x8;
	v13 =	vand.u32 $0x7FFF80, v15;
	[tilespmem:v5+s26+$0x0] =	vst.idx.add.f32.msk $0xffff, v2;
	v5 =	vand.u32 $0x7FFF80, v63  }
.LBB2_6:
0x86: {  	s22 =	sand.u32 $0x7C00, s1;
	s29 =	sand.u32 $0x380, s0;
	s31 =	sadd.s32 $0x8, s31;
	[tilespmem:v9+s26+$0x0] =	vst.idx.add.f32.msk $0xffff, v2  }
0x87: {  	s22 =	sor.u32 s29, s22;
	p0 =	slt.u32 s31, $0x7F8;
	[tilespmem:v8+s26+$0x0] =	vst.idx.add.f32.msk $0xffff, v2;
	v8 =	vadd.f32 v10, v3  }
0x88: {  	v12 =	vadd.f32 v12, v3;
	v10 =	vor.u32 v1, v13;
	v9 =	vld [tilespmem:s22+$0x8000];
	v11 =	vmul.f32 v11, v4  }
0x89: {  	v13 =	vld [tilespmem:s22+$0x8010];
	v8 =	vand.u32 $0x7FFF80, v8  }
0x8a: {  	v6 =	vmul.f32 v6, v4;
	v12 =	vand.u32 $0x7FFF80, v12;
	v14 =	vld [tilespmem:s22+$0x8020];
	v8 =	vor.u32 v1, v8  }
0x8b: {  	v12 =	vor.u32 v1, v12;
	v11 =	vadd.f32 v11, v3;
	v15 =	vld [tilespmem:s22+$0x8030]  }
0x8c: {  	v6 =	vadd.f32 v6, v3;
	v16 =	vld [tilespmem:s22+$0x8040]  }
0x8d: {  	v7 =	vor.u32 v1, v7;
	v11 =	vand.u32 $0x7FFF80, v11;
	v9 =	vmul.f32 v9, v4;
	[tilespmem:v10+s26+$0x0] =	vst.idx.add.f32.msk $0xffff, v2  }
0x8e: {  	v18 =	vor.u32 v1, v5;
	v5 =	vand.u32 $0x7FFF80, v6;
	v13 =	vmul.f32 v13, v4;
	v17 =	vld [tilespmem:s22+$0x8050]  }
0x8f: {  	v5 =	vor.u32 v1, v5;
	v6 =	vadd.f32 v9, v3;
	[tilespmem:v8+s26+$0x0] =	vst.idx.add.f32.msk $0xffff, v2  }
0x90: {  	v14 =	vmul.f32 v14, v4;
	v15 =	vmul.f32 v15, v4;
	[tilespmem:v12+s26+$0x0] =	vst.idx.add.f32.msk $0xffff, v2  }
.Ltmp2:
0x91: {  	v9 =	vor.u32 v1, v11;
	v8 =	vand.u32 $0x7FFF80, v6;
	v10 =	vmul.f32 v16, v4;
	v6 =	vld [tilespmem:s22+$0x8060];
	(pc) =	sbr.rel @p0 .LBB2_6-.Ltmp2, $4  }
0x92: {  	v8 =	vor.u32 v1, v8;
	v15 =	vadd.f32 v15, v3;
	[tilespmem:v7+s26+$0x0] =	vst.idx.add.f32.msk $0xffff, v2  }
0x93: {  	v14 =	vadd.f32 v14, v3;
	v7 =	vadd.f32 v13, v3;
	v12 =	vmul.f32 v17, v4;
	v11 =	vld [tilespmem:s22+$0x8070]  }
0x94: {  	v13 =	vand.u32 $0x7FFF80, v15;
	[tilespmem:v5+s26+$0x0] =	vst.idx.add.f32.msk $0xffff, v2  }
0x95: {  	s0 =	sadd.s32 $0x4, s0;
	s1 =	sadd.s32 $0x400, s1;
	v5 =	vand.u32 $0x7FFF80, v7;
	v7 =	vand.u32 $0x7FFF80, v14;
	[tilespmem:v18+s26+$0x0] =	vst.idx.add.f32.msk $0xffff, v2  }
0x96: {  	_ = 	snop  }
0x97: {  	v10 =	vadd.f32 v10, v3;
	v6 =	vmul.f32 v6, v4;
	v13 =	vor.u32 v1, v13  }
0x98: {  	v12 =	vadd.f32 v12, v3;
	v7 =	vor.u32 v1, v7;
	v11 =	vmul.f32 v11, v4  }
0x99: {  	v5 =	vor.u32 v1, v5;
	v10 =	vand.u32 $0x7FFF80, v10;
	v6 =	vadd.f32 v6, v3  }
0x9a: {  	[tilespmem:v9+s26+$0x0] =	vst.idx.add.f32.msk $0xffff, v2;
	v12 =	vand.u32 $0x7FFF80, v12;
	v10 =	vor.u32 v1, v10;
	v9 =	vadd.f32 v11, v3  }
0x9b: {  	[tilespmem:v8+s26+$0x0] =	vst.idx.add.f32.msk $0xffff, v2;
	v12 =	vor.u32 v1, v12;
	v6 =	vand.u32 $0x7FFF80, v6  }
0x9c: {  	v6 =	vor.u32 v1, v6;
	[tilespmem:v13+s26+$0x0] =	vst.idx.add.f32.msk $0xffff, v2;
	v8 =	vand.u32 $0x7FFF80, v9  }
0x9d: {  	[tilespmem:v7+s26+$0x0] =	vst.idx.add.f32.msk $0xffff, v2;
	v8 =	vor.u32 v1, v8  }
0x9e: {  	[tilespmem:v5+s26+$0x0] =	vst.idx.add.f32.msk $0xffff, v2  }
0x9f: {  	[tilespmem:v10+s26+$0x0] =	vst.idx.add.f32.msk $0xffff, v2  }
0xa0: {  	[tilespmem:v12+s26+$0x0] =	vst.idx.add.f32.msk $0xffff, v2  }
0xa1: {  	[tilespmem:v6+s26+$0x0] =	vst.idx.add.f32.msk $0xffff, v2  }
0xa2: {  	s0 =	simm.s32 $0x0;
	[tilespmem:v8+s26+$0x0] =	vst.idx.add.f32.msk $0xffff, v2  }
0xa3: {  	[tilespmem:s24], [sflag:$0x2] =	stream.linear.gather [hbm4b:s7+s0], $0x8000, $0x38;
	[tilespmem:$0x13680] =	vst v63  }
0xa4: {  	_ =	swait.ge [sflag:s25], $0x8000  }
0xa5: {  	s1 =	sand.u32 $0x7C00, s0;
	s0 =	sand.u32 $0x380, s0;
	[sflag:s25] =	ssyncset.done $0x0  }
0xa6: {  	s0 =	sor.u32 s0, s1;
	[sflag:s25] =	ssyncadd.s32 $0xFFFF8000  }
0xa7: {  	v5 =	vld [tilespmem:s0+$0x0];
	_ =	sdelay $0x4  }
0xa8: {  	v5 =	vmul.f32 v5, v4  }
0xa9: {  	v6 =	vld [tilespmem:s0+$0x30]  }
0xaa: {  	v5 =	vadd.f32 v5, v3  }
0xab: {  	v8 =	vld [tilespmem:s0+$0x50]  }
0xac: {  	v7 =	vld [tilespmem:s0+$0x40];
	v5 =	vand.u32 $0x7FFF80, v5  }
0xad: {  	v9 =	vld [tilespmem:s0+$0x20];
	v5 =	vor.u32 v1, v5  }
0xae: {  	v10 =	vld [tilespmem:s0+$0x10];
	v6 =	vmul.f32 v6, v4  }
0xaf: {  	v11 =	vld [tilespmem:s0+$0x60]  }
0xb0: {  	s22 =	simm.s32 $0x400;
	s1 =	simm.s32 $0x4;
	v8 =	vmul.f32 v8, v4;
	v6 =	vadd.f32 v6, v3  }
0xb1: {  	s29 =	sand.u32 $0x7C00, s22;
	s1 =	sand.u32 $0x380, s1;
	v12 =	vld [tilespmem:s0+$0x70];
	v7 =	vmul.f32 v7, v4  }
0xb2: {  	s0 =	sor.u32 s1, s29;
	v9 =	vmul.f32 v9, v4;
	v8 =	vadd.f32 v8, v3;
	v6 =	vand.u32 $0x7FFF80, v6;
	[tilespmem:v5+s26+$0x0] =	vst.idx.add.f32.msk $0xffff, v2  }
0xb3: {  	v10 =	vmul.f32 v10, v4;
	v6 =	vor.u32 v1, v6;
	v5 =	vadd.f32 v7, v3;
	v7 =	vld [tilespmem:s0+$0x0]  }
0xb4: {  	v13 =	vld [tilespmem:s0+$0x10];
	v11 =	vmul.f32 v11, v4;
	v9 =	vadd.f32 v9, v3;
	v8 =	vand.u32 $0x7FFF80, v8  }
0xb5: {  	v14 =	vld [tilespmem:s0+$0x20];
	v10 =	vadd.f32 v10, v3;
	v8 =	vor.u32 v1, v8;
	v5 =	vand.u32 $0x7FFF80, v5  }
0xb6: {  	v15 =	vld [tilespmem:s0+$0x30];
	v12 =	vmul.f32 v12, v4;
	v9 =	vand.u32 $0x7FFF80, v9;
	v5 =	vor.u32 v1, v5  }
0xb7: {  	v16 =	vld [tilespmem:s0+$0x40];
	v11 =	vadd.f32 v11, v3;
	v10 =	vand.u32 $0x7FFF80, v10;
	v9 =	vor.u32 v1, v9  }
0xb8: {  	v17 =	vor.u32 v1, v10;
	[tilespmem:v6+s26+$0x0] =	vst.idx.add.f32.msk $0xffff, v2;
	v7 =	vmul.f32 v7, v4  }
0xb9: {  	v6 =	vadd.f32 v12, v3;
	v12 =	vld [tilespmem:s0+$0x50]  }
0xba: {  	v13 =	vmul.f32 v13, v4;
	v11 =	vand.u32 $0x7FFF80, v11;
	[tilespmem:v8+s26+$0x0] =	vst.idx.add.f32.msk $0xffff, v2;
	v7 =	vadd.f32 v7, v3  }
0xbb: {  	v14 =	vmul.f32 v14, v4;
	v8 =	vand.u32 $0x7FFF80, v6;
	[tilespmem:v5+s26+$0x0] =	vst.idx.add.f32.msk $0xffff, v2;
	v5 =	vor.u32 v1, v11  }
0xbc: {  	[tilespmem:v9+s26+$0x0] =	vst.idx.add.f32.msk $0xffff, v2;
	v9 =	vor.u32 v1, v8;
	v11 =	vmul.f32 v15, v4;
	v7 =	vand.u32 $0x7FFF80, v7  }
0xbd: {  	v63 =	vadd.f32 v13, v3;
	[tilespmem:v17+s26+$0x0] =	vst.idx.add.f32.msk $0xffff, v2;
	v8 =	vor.u32 v1, v7  }
0xbe: {  	v14 =	vadd.f32 v14, v3;
	v15 =	vadd.f32 v11, v3;
	v11 =	vld [tilespmem:s0+$0x70]  }
0xbf: {  	v10 =	vmul.f32 v16, v4;
	v6 =	vld [tilespmem:s0+$0x60];
	v12 =	vmul.f32 v12, v4  }
0xc0: {  	s31 =	simm.s32 $0x8;
	s1 =	simm.s32 $0x800;
	v7 =	vand.u32 $0x7FFF80, v14;
	s0 =	simm.s32 $0x8;
	v13 =	vand.u32 $0x7FFF80, v15;
	[tilespmem:v5+s26+$0x0] =	vst.idx.add.f32.msk $0xffff, v2;
	v5 =	vand.u32 $0x7FFF80, v63  }
.LBB2_8:
0xc1: {  	s22 =	sand.u32 $0x7C00, s1;
	s29 =	sand.u32 $0x380, s0;
	s31 =	sadd.s32 $0x8, s31;
	[tilespmem:v9+s26+$0x0] =	vst.idx.add.f32.msk $0xffff, v2  }
0xc2: {  	s22 =	sor.u32 s29, s22;
	p0 =	slt.u32 s31, $0x7F8;
	[tilespmem:v8+s26+$0x0] =	vst.idx.add.f32.msk $0xffff, v2;
	v8 =	vadd.f32 v10, v3  }
0xc3: {  	v12 =	vadd.f32 v12, v3;
	v10 =	vor.u32 v1, v13;
	v9 =	vld [tilespmem:s22+$0x0];
	v11 =	vmul.f32 v11, v4  }
0xc4: {  	v13 =	vld [tilespmem:s22+$0x10];
	v8 =	vand.u32 $0x7FFF80, v8  }
0xc5: {  	v6 =	vmul.f32 v6, v4;
	v12 =	vand.u32 $0x7FFF80, v12;
	v14 =	vld [tilespmem:s22+$0x20];
	v8 =	vor.u32 v1, v8  }
0xc6: {  	v12 =	vor.u32 v1, v12;
	v11 =	vadd.f32 v11, v3;
	v15 =	vld [tilespmem:s22+$0x30]  }
0xc7: {  	v6 =	vadd.f32 v6, v3;
	v16 =	vld [tilespmem:s22+$0x40]  }
0xc8: {  	v7 =	vor.u32 v1, v7;
	v11 =	vand.u32 $0x7FFF80, v11;
	v9 =	vmul.f32 v9, v4;
	[tilespmem:v10+s26+$0x0] =	vst.idx.add.f32.msk $0xffff, v2  }
0xc9: {  	v18 =	vor.u32 v1, v5;
	v5 =	vand.u32 $0x7FFF80, v6;
	v13 =	vmul.f32 v13, v4;
	v17 =	vld [tilespmem:s22+$0x50]  }
0xca: {  	v5 =	vor.u32 v1, v5;
	v6 =	vadd.f32 v9, v3;
	[tilespmem:v8+s26+$0x0] =	vst.idx.add.f32.msk $0xffff, v2  }
0xcb: {  	v14 =	vmul.f32 v14, v4;
	v15 =	vmul.f32 v15, v4;
	[tilespmem:v12+s26+$0x0] =	vst.idx.add.f32.msk $0xffff, v2  }
.Ltmp3:
0xcc: {  	v9 =	vor.u32 v1, v11;
	v8 =	vand.u32 $0x7FFF80, v6;
	v10 =	vmul.f32 v16, v4;
	v6 =	vld [tilespmem:s22+$0x60];
	(pc) =	sbr.rel @p0 .LBB2_8-.Ltmp3, $4  }
0xcd: {  	v8 =	vor.u32 v1, v8;
	v15 =	vadd.f32 v15, v3;
	[tilespmem:v7+s26+$0x0] =	vst.idx.add.f32.msk $0xffff, v2  }
0xce: {  	v14 =	vadd.f32 v14, v3;
	v7 =	vadd.f32 v13, v3;
	v12 =	vmul.f32 v17, v4;
	v11 =	vld [tilespmem:s22+$0x70]  }
0xcf: {  	v13 =	vand.u32 $0x7FFF80, v15;
	[tilespmem:v5+s26+$0x0] =	vst.idx.add.f32.msk $0xffff, v2  }
0xd0: {  	s0 =	sadd.s32 $0x4, s0;
	s1 =	sadd.s32 $0x400, s1;
	v5 =	vand.u32 $0x7FFF80, v7;
	v7 =	vand.u32 $0x7FFF80, v14;
	[tilespmem:v18+s26+$0x0] =	vst.idx.add.f32.msk $0xffff, v2  }
0xd1: {  	_ = 	snop  }
0xd2: {  	v10 =	vadd.f32 v10, v3;
	v6 =	vmul.f32 v6, v4;
	v13 =	vor.u32 v1, v13  }
0xd3: {  	v12 =	vadd.f32 v12, v3;
	v7 =	vor.u32 v1, v7;
	v11 =	vmul.f32 v11, v4  }
0xd4: {  	v5 =	vor.u32 v1, v5;
	v10 =	vand.u32 $0x7FFF80, v10;
	v6 =	vadd.f32 v6, v3  }
0xd5: {  	[tilespmem:v9+s26+$0x0] =	vst.idx.add.f32.msk $0xffff, v2;
	v12 =	vand.u32 $0x7FFF80, v12;
	v10 =	vor.u32 v1, v10;
	v9 =	vadd.f32 v11, v3  }
0xd6: {  	[tilespmem:v8+s26+$0x0] =	vst.idx.add.f32.msk $0xffff, v2;
	v12 =	vor.u32 v1, v12;
	v6 =	vand.u32 $0x7FFF80, v6  }
0xd7: {  	v6 =	vor.u32 v1, v6;
	[tilespmem:v13+s26+$0x0] =	vst.idx.add.f32.msk $0xffff, v2;
	v8 =	vand.u32 $0x7FFF80, v9  }
0xd8: {  	[tilespmem:v7+s26+$0x0] =	vst.idx.add.f32.msk $0xffff, v2;
	v8 =	vor.u32 v1, v8  }
0xd9: {  	[tilespmem:v5+s26+$0x0] =	vst.idx.add.f32.msk $0xffff, v2  }
0xda: {  	[tilespmem:v10+s26+$0x0] =	vst.idx.add.f32.msk $0xffff, v2  }
0xdb: {  	[tilespmem:v12+s26+$0x0] =	vst.idx.add.f32.msk $0xffff, v2  }
0xdc: {  	[tilespmem:v6+s26+$0x0] =	vst.idx.add.f32.msk $0xffff, v2  }
0xdd: {  	s0 =	simm.s32 $0x0;
	[tilespmem:v8+s26+$0x0] =	vst.idx.add.f32.msk $0xffff, v2  }
0xde: {  	[tilespmem:s0], [sflag:$0x1] =	stream.linear.gather [hbm4b:s8+s0], $0x8000, $0x38;
	[tilespmem:$0x13680] =	vst v63  }
0xdf: {  	_ =	swait.ge [sflag:s28], $0x8000  }
0xe0: {  	s1 =	sand.u32 $0x7C00, s0;
	s0 =	sand.u32 $0x380, s0;
	[sflag:s28] =	ssyncset.done $0x0  }
0xe1: {  	s0 =	sor.u32 s0, s1;
	[sflag:s28] =	ssyncadd.s32 $0xFFFF8000  }
0xe2: {  	v5 =	vld [tilespmem:s0+$0x8000];
	_ =	sdelay $0x4  }
0xe3: {  	v5 =	vmul.f32 v5, v4  }
0xe4: {  	v6 =	vld [tilespmem:s0+$0x8030]  }
0xe5: {  	v5 =	vadd.f32 v5, v3  }
0xe6: {  	v8 =	vld [tilespmem:s0+$0x8050]  }
0xe7: {  	v7 =	vld [tilespmem:s0+$0x8040];
	v5 =	vand.u32 $0x7FFF80, v5  }
0xe8: {  	v9 =	vld [tilespmem:s0+$0x8020];
	v5 =	vor.u32 v1, v5  }
0xe9: {  	v10 =	vld [tilespmem:s0+$0x8010];
	v6 =	vmul.f32 v6, v4  }
0xea: {  	v11 =	vld [tilespmem:s0+$0x8060]  }
0xeb: {  	s22 =	simm.s32 $0x400;
	s1 =	simm.s32 $0x4;
	v8 =	vmul.f32 v8, v4;
	v6 =	vadd.f32 v6, v3  }
0xec: {  	s29 =	sand.u32 $0x7C00, s22;
	s1 =	sand.u32 $0x380, s1;
	v12 =	vld [tilespmem:s0+$0x8070];
	v7 =	vmul.f32 v7, v4  }
0xed: {  	s0 =	sor.u32 s1, s29;
	v9 =	vmul.f32 v9, v4;
	v8 =	vadd.f32 v8, v3;
	v6 =	vand.u32 $0x7FFF80, v6;
	[tilespmem:v5+s26+$0x0] =	vst.idx.add.f32.msk $0xffff, v2  }
0xee: {  	v10 =	vmul.f32 v10, v4;
	v6 =	vor.u32 v1, v6;
	v5 =	vadd.f32 v7, v3;
	v7 =	vld [tilespmem:s0+$0x8000]  }
0xef: {  	v13 =	vld [tilespmem:s0+$0x8010];
	v11 =	vmul.f32 v11, v4;
	v9 =	vadd.f32 v9, v3;
	v8 =	vand.u32 $0x7FFF80, v8  }
0xf0: {  	v14 =	vld [tilespmem:s0+$0x8020];
	v10 =	vadd.f32 v10, v3;
	v8 =	vor.u32 v1, v8;
	v5 =	vand.u32 $0x7FFF80, v5  }
0xf1: {  	v15 =	vld [tilespmem:s0+$0x8030];
	v12 =	vmul.f32 v12, v4;
	v9 =	vand.u32 $0x7FFF80, v9;
	v5 =	vor.u32 v1, v5  }
0xf2: {  	v16 =	vld [tilespmem:s0+$0x8040];
	v11 =	vadd.f32 v11, v3;
	v10 =	vand.u32 $0x7FFF80, v10;
	v9 =	vor.u32 v1, v9  }
0xf3: {  	v17 =	vor.u32 v1, v10;
	[tilespmem:v6+s26+$0x0] =	vst.idx.add.f32.msk $0xffff, v2;
	v7 =	vmul.f32 v7, v4  }
0xf4: {  	v6 =	vadd.f32 v12, v3;
	v12 =	vld [tilespmem:s0+$0x8050]  }
0xf5: {  	v13 =	vmul.f32 v13, v4;
	v11 =	vand.u32 $0x7FFF80, v11;
	[tilespmem:v8+s26+$0x0] =	vst.idx.add.f32.msk $0xffff, v2;
	v7 =	vadd.f32 v7, v3  }
0xf6: {  	v14 =	vmul.f32 v14, v4;
	v8 =	vand.u32 $0x7FFF80, v6;
	[tilespmem:v5+s26+$0x0] =	vst.idx.add.f32.msk $0xffff, v2;
	v5 =	vor.u32 v1, v11  }
0xf7: {  	[tilespmem:v9+s26+$0x0] =	vst.idx.add.f32.msk $0xffff, v2;
	v9 =	vor.u32 v1, v8;
	v11 =	vmul.f32 v15, v4;
	v7 =	vand.u32 $0x7FFF80, v7  }
0xf8: {  	v63 =	vadd.f32 v13, v3;
	[tilespmem:v17+s26+$0x0] =	vst.idx.add.f32.msk $0xffff, v2;
	v8 =	vor.u32 v1, v7  }
0xf9: {  	v14 =	vadd.f32 v14, v3;
	v15 =	vadd.f32 v11, v3;
	v11 =	vld [tilespmem:s0+$0x8070]  }
0xfa: {  	v10 =	vmul.f32 v16, v4;
	v6 =	vld [tilespmem:s0+$0x8060];
	v12 =	vmul.f32 v12, v4  }
0xfb: {  	s31 =	simm.s32 $0x8;
	s1 =	simm.s32 $0x800;
	v7 =	vand.u32 $0x7FFF80, v14;
	s0 =	simm.s32 $0x8;
	v13 =	vand.u32 $0x7FFF80, v15;
	[tilespmem:v5+s26+$0x0] =	vst.idx.add.f32.msk $0xffff, v2;
	v5 =	vand.u32 $0x7FFF80, v63  }
.LBB2_10:
0xfc: {  	s22 =	sand.u32 $0x7C00, s1;
	s29 =	sand.u32 $0x380, s0;
	s31 =	sadd.s32 $0x8, s31;
	[tilespmem:v9+s26+$0x0] =	vst.idx.add.f32.msk $0xffff, v2  }
0xfd: {  	s22 =	sor.u32 s29, s22;
	p0 =	slt.u32 s31, $0x7F8;
	[tilespmem:v8+s26+$0x0] =	vst.idx.add.f32.msk $0xffff, v2;
	v8 =	vadd.f32 v10, v3  }
0xfe: {  	v12 =	vadd.f32 v12, v3;
	v10 =	vor.u32 v1, v13;
	v9 =	vld [tilespmem:s22+$0x8000];
	v11 =	vmul.f32 v11, v4  }
0xff: {  	v13 =	vld [tilespmem:s22+$0x8010];
	v8 =	vand.u32 $0x7FFF80, v8  }
0x100: {  	v6 =	vmul.f32 v6, v4;
	v12 =	vand.u32 $0x7FFF80, v12;
	v14 =	vld [tilespmem:s22+$0x8020];
	v8 =	vor.u32 v1, v8  }
0x101: {  	v12 =	vor.u32 v1, v12;
	v11 =	vadd.f32 v11, v3;
	v15 =	vld [tilespmem:s22+$0x8030]  }
0x102: {  	v6 =	vadd.f32 v6, v3;
	v16 =	vld [tilespmem:s22+$0x8040]  }
0x103: {  	v7 =	vor.u32 v1, v7;
	v11 =	vand.u32 $0x7FFF80, v11;
	v9 =	vmul.f32 v9, v4;
	[tilespmem:v10+s26+$0x0] =	vst.idx.add.f32.msk $0xffff, v2  }
0x104: {  	v18 =	vor.u32 v1, v5;
	v5 =	vand.u32 $0x7FFF80, v6;
	v13 =	vmul.f32 v13, v4;
	v17 =	vld [tilespmem:s22+$0x8050]  }
0x105: {  	v5 =	vor.u32 v1, v5;
	v6 =	vadd.f32 v9, v3;
	[tilespmem:v8+s26+$0x0] =	vst.idx.add.f32.msk $0xffff, v2  }
0x106: {  	v14 =	vmul.f32 v14, v4;
	v15 =	vmul.f32 v15, v4;
	[tilespmem:v12+s26+$0x0] =	vst.idx.add.f32.msk $0xffff, v2  }
.Ltmp4:
0x107: {  	v9 =	vor.u32 v1, v11;
	v8 =	vand.u32 $0x7FFF80, v6;
	v10 =	vmul.f32 v16, v4;
	v6 =	vld [tilespmem:s22+$0x8060];
	(pc) =	sbr.rel @p0 .LBB2_10-.Ltmp4, $4  }
0x108: {  	v8 =	vor.u32 v1, v8;
	v15 =	vadd.f32 v15, v3;
	[tilespmem:v7+s26+$0x0] =	vst.idx.add.f32.msk $0xffff, v2  }
0x109: {  	v14 =	vadd.f32 v14, v3;
	v7 =	vadd.f32 v13, v3;
	v12 =	vmul.f32 v17, v4;
	v11 =	vld [tilespmem:s22+$0x8070]  }
0x10a: {  	v13 =	vand.u32 $0x7FFF80, v15;
	[tilespmem:v5+s26+$0x0] =	vst.idx.add.f32.msk $0xffff, v2  }
0x10b: {  	s0 =	sadd.s32 $0x4, s0;
	s1 =	sadd.s32 $0x400, s1;
	v5 =	vand.u32 $0x7FFF80, v7;
	v7 =	vand.u32 $0x7FFF80, v14;
	[tilespmem:v18+s26+$0x0] =	vst.idx.add.f32.msk $0xffff, v2  }
0x10c: {  	_ = 	snop  }
0x10d: {  	v10 =	vadd.f32 v10, v3;
	v6 =	vmul.f32 v6, v4;
	v13 =	vor.u32 v1, v13  }
0x10e: {  	v12 =	vadd.f32 v12, v3;
	v7 =	vor.u32 v1, v7;
	v11 =	vmul.f32 v11, v4  }
0x10f: {  	v5 =	vor.u32 v1, v5;
	v10 =	vand.u32 $0x7FFF80, v10;
	v6 =	vadd.f32 v6, v3  }
0x110: {  	[tilespmem:v9+s26+$0x0] =	vst.idx.add.f32.msk $0xffff, v2;
	v12 =	vand.u32 $0x7FFF80, v12;
	v10 =	vor.u32 v1, v10;
	v9 =	vadd.f32 v11, v3  }
0x111: {  	[tilespmem:v8+s26+$0x0] =	vst.idx.add.f32.msk $0xffff, v2;
	v12 =	vor.u32 v1, v12;
	v6 =	vand.u32 $0x7FFF80, v6  }
0x112: {  	v6 =	vor.u32 v1, v6;
	[tilespmem:v13+s26+$0x0] =	vst.idx.add.f32.msk $0xffff, v2;
	v8 =	vand.u32 $0x7FFF80, v9  }
0x113: {  	[tilespmem:v7+s26+$0x0] =	vst.idx.add.f32.msk $0xffff, v2;
	v8 =	vor.u32 v1, v8  }
0x114: {  	[tilespmem:v5+s26+$0x0] =	vst.idx.add.f32.msk $0xffff, v2  }
0x115: {  	[tilespmem:v10+s26+$0x0] =	vst.idx.add.f32.msk $0xffff, v2  }
0x116: {  	[tilespmem:v12+s26+$0x0] =	vst.idx.add.f32.msk $0xffff, v2  }
0x117: {  	[tilespmem:v6+s26+$0x0] =	vst.idx.add.f32.msk $0xffff, v2  }
0x118: {  	s0 =	simm.s32 $0x0;
	[tilespmem:v8+s26+$0x0] =	vst.idx.add.f32.msk $0xffff, v2  }
0x119: {  	[tilespmem:s24], [sflag:$0x2] =	stream.linear.gather [hbm4b:s9+s0], $0x8000, $0x38;
	[tilespmem:$0x13680] =	vst v63  }
0x11a: {  	_ =	swait.ge [sflag:s25], $0x8000  }
0x11b: {  	s1 =	sand.u32 $0x7C00, s0;
	s0 =	sand.u32 $0x380, s0;
	[sflag:s25] =	ssyncset.done $0x0  }
0x11c: {  	s0 =	sor.u32 s0, s1;
	[sflag:s25] =	ssyncadd.s32 $0xFFFF8000  }
0x11d: {  	v5 =	vld [tilespmem:s0+$0x0];
	_ =	sdelay $0x4  }
0x11e: {  	v5 =	vmul.f32 v5, v4  }
0x11f: {  	v6 =	vld [tilespmem:s0+$0x30]  }
0x120: {  	v5 =	vadd.f32 v5, v3  }
0x121: {  	v8 =	vld [tilespmem:s0+$0x50]  }
0x122: {  	v7 =	vld [tilespmem:s0+$0x40];
	v5 =	vand.u32 $0x7FFF80, v5  }
0x123: {  	v9 =	vld [tilespmem:s0+$0x20];
	v5 =	vor.u32 v1, v5  }
0x124: {  	v10 =	vld [tilespmem:s0+$0x10];
	v6 =	vmul.f32 v6, v4  }
0x125: {  	v11 =	vld [tilespmem:s0+$0x60]  }
0x126: {  	s22 =	simm.s32 $0x400;
	s1 =	simm.s32 $0x4;
	v8 =	vmul.f32 v8, v4;
	v6 =	vadd.f32 v6, v3  }
0x127: {  	s29 =	sand.u32 $0x7C00, s22;
	s1 =	sand.u32 $0x380, s1;
	v12 =	vld [tilespmem:s0+$0x70];
	v7 =	vmul.f32 v7, v4  }
0x128: {  	s0 =	sor.u32 s1, s29;
	v9 =	vmul.f32 v9, v4;
	v8 =	vadd.f32 v8, v3;
	v6 =	vand.u32 $0x7FFF80, v6;
	[tilespmem:v5+s26+$0x0] =	vst.idx.add.f32.msk $0xffff, v2  }
0x129: {  	v10 =	vmul.f32 v10, v4;
	v6 =	vor.u32 v1, v6;
	v5 =	vadd.f32 v7, v3;
	v7 =	vld [tilespmem:s0+$0x0]  }
0x12a: {  	v13 =	vld [tilespmem:s0+$0x10];
	v11 =	vmul.f32 v11, v4;
	v9 =	vadd.f32 v9, v3;
	v8 =	vand.u32 $0x7FFF80, v8  }
0x12b: {  	v14 =	vld [tilespmem:s0+$0x20];
	v10 =	vadd.f32 v10, v3;
	v8 =	vor.u32 v1, v8;
	v5 =	vand.u32 $0x7FFF80, v5  }
0x12c: {  	v15 =	vld [tilespmem:s0+$0x30];
	v12 =	vmul.f32 v12, v4;
	v9 =	vand.u32 $0x7FFF80, v9;
	v5 =	vor.u32 v1, v5  }
0x12d: {  	v16 =	vld [tilespmem:s0+$0x40];
	v11 =	vadd.f32 v11, v3;
	v10 =	vand.u32 $0x7FFF80, v10;
	v9 =	vor.u32 v1, v9  }
0x12e: {  	v17 =	vor.u32 v1, v10;
	[tilespmem:v6+s26+$0x0] =	vst.idx.add.f32.msk $0xffff, v2;
	v7 =	vmul.f32 v7, v4  }
0x12f: {  	v6 =	vadd.f32 v12, v3;
	v12 =	vld [tilespmem:s0+$0x50]  }
0x130: {  	v13 =	vmul.f32 v13, v4;
	v11 =	vand.u32 $0x7FFF80, v11;
	[tilespmem:v8+s26+$0x0] =	vst.idx.add.f32.msk $0xffff, v2;
	v7 =	vadd.f32 v7, v3  }
0x131: {  	v14 =	vmul.f32 v14, v4;
	v8 =	vand.u32 $0x7FFF80, v6;
	[tilespmem:v5+s26+$0x0] =	vst.idx.add.f32.msk $0xffff, v2;
	v5 =	vor.u32 v1, v11  }
0x132: {  	[tilespmem:v9+s26+$0x0] =	vst.idx.add.f32.msk $0xffff, v2;
	v9 =	vor.u32 v1, v8;
	v11 =	vmul.f32 v15, v4;
	v7 =	vand.u32 $0x7FFF80, v7  }
0x133: {  	v63 =	vadd.f32 v13, v3;
	[tilespmem:v17+s26+$0x0] =	vst.idx.add.f32.msk $0xffff, v2;
	v8 =	vor.u32 v1, v7  }
0x134: {  	v14 =	vadd.f32 v14, v3;
	v15 =	vadd.f32 v11, v3;
	v11 =	vld [tilespmem:s0+$0x70]  }
0x135: {  	v10 =	vmul.f32 v16, v4;
	v6 =	vld [tilespmem:s0+$0x60];
	v12 =	vmul.f32 v12, v4  }
0x136: {  	s31 =	simm.s32 $0x8;
	s1 =	simm.s32 $0x800;
	v7 =	vand.u32 $0x7FFF80, v14;
	s0 =	simm.s32 $0x8;
	v13 =	vand.u32 $0x7FFF80, v15;
	[tilespmem:v5+s26+$0x0] =	vst.idx.add.f32.msk $0xffff, v2;
	v5 =	vand.u32 $0x7FFF80, v63  }
.LBB2_12:
0x137: {  	s22 =	sand.u32 $0x7C00, s1;
	s29 =	sand.u32 $0x380, s0;
	s31 =	sadd.s32 $0x8, s31;
	[tilespmem:v9+s26+$0x0] =	vst.idx.add.f32.msk $0xffff, v2  }
0x138: {  	s22 =	sor.u32 s29, s22;
	p0 =	slt.u32 s31, $0x7F8;
	[tilespmem:v8+s26+$0x0] =	vst.idx.add.f32.msk $0xffff, v2;
	v8 =	vadd.f32 v10, v3  }
0x139: {  	v12 =	vadd.f32 v12, v3;
	v10 =	vor.u32 v1, v13;
	v9 =	vld [tilespmem:s22+$0x0];
	v11 =	vmul.f32 v11, v4  }
0x13a: {  	v13 =	vld [tilespmem:s22+$0x10];
	v8 =	vand.u32 $0x7FFF80, v8  }
0x13b: {  	v6 =	vmul.f32 v6, v4;
	v12 =	vand.u32 $0x7FFF80, v12;
	v14 =	vld [tilespmem:s22+$0x20];
	v8 =	vor.u32 v1, v8  }
0x13c: {  	v12 =	vor.u32 v1, v12;
	v11 =	vadd.f32 v11, v3;
	v15 =	vld [tilespmem:s22+$0x30]  }
0x13d: {  	v6 =	vadd.f32 v6, v3;
	v16 =	vld [tilespmem:s22+$0x40]  }
0x13e: {  	v7 =	vor.u32 v1, v7;
	v11 =	vand.u32 $0x7FFF80, v11;
	v9 =	vmul.f32 v9, v4;
	[tilespmem:v10+s26+$0x0] =	vst.idx.add.f32.msk $0xffff, v2  }
0x13f: {  	v18 =	vor.u32 v1, v5;
	v5 =	vand.u32 $0x7FFF80, v6;
	v13 =	vmul.f32 v13, v4;
	v17 =	vld [tilespmem:s22+$0x50]  }
0x140: {  	v5 =	vor.u32 v1, v5;
	v6 =	vadd.f32 v9, v3;
	[tilespmem:v8+s26+$0x0] =	vst.idx.add.f32.msk $0xffff, v2  }
0x141: {  	v14 =	vmul.f32 v14, v4;
	v15 =	vmul.f32 v15, v4;
	[tilespmem:v12+s26+$0x0] =	vst.idx.add.f32.msk $0xffff, v2  }
.Ltmp5:
0x142: {  	v9 =	vor.u32 v1, v11;
	v8 =	vand.u32 $0x7FFF80, v6;
	v10 =	vmul.f32 v16, v4;
	v6 =	vld [tilespmem:s22+$0x60];
	(pc) =	sbr.rel @p0 .LBB2_12-.Ltmp5, $4  }
0x143: {  	v8 =	vor.u32 v1, v8;
	v15 =	vadd.f32 v15, v3;
	[tilespmem:v7+s26+$0x0] =	vst.idx.add.f32.msk $0xffff, v2  }
0x144: {  	v14 =	vadd.f32 v14, v3;
	v7 =	vadd.f32 v13, v3;
	v12 =	vmul.f32 v17, v4;
	v11 =	vld [tilespmem:s22+$0x70]  }
0x145: {  	v13 =	vand.u32 $0x7FFF80, v15;
	[tilespmem:v5+s26+$0x0] =	vst.idx.add.f32.msk $0xffff, v2  }
0x146: {  	s0 =	sadd.s32 $0x4, s0;
	s1 =	sadd.s32 $0x400, s1;
	v5 =	vand.u32 $0x7FFF80, v7;
	v7 =	vand.u32 $0x7FFF80, v14;
	[tilespmem:v18+s26+$0x0] =	vst.idx.add.f32.msk $0xffff, v2  }
0x147: {  	_ = 	snop  }
0x148: {  	v10 =	vadd.f32 v10, v3;
	v6 =	vmul.f32 v6, v4;
	v13 =	vor.u32 v1, v13  }
0x149: {  	v12 =	vadd.f32 v12, v3;
	v7 =	vor.u32 v1, v7;
	v11 =	vmul.f32 v11, v4  }
0x14a: {  	v5 =	vor.u32 v1, v5;
	v10 =	vand.u32 $0x7FFF80, v10;
	v6 =	vadd.f32 v6, v3  }
0x14b: {  	[tilespmem:v9+s26+$0x0] =	vst.idx.add.f32.msk $0xffff, v2;
	v12 =	vand.u32 $0x7FFF80, v12;
	v10 =	vor.u32 v1, v10;
	v9 =	vadd.f32 v11, v3  }
0x14c: {  	[tilespmem:v8+s26+$0x0] =	vst.idx.add.f32.msk $0xffff, v2;
	v12 =	vor.u32 v1, v12;
	v6 =	vand.u32 $0x7FFF80, v6  }
0x14d: {  	v6 =	vor.u32 v1, v6;
	[tilespmem:v13+s26+$0x0] =	vst.idx.add.f32.msk $0xffff, v2;
	v8 =	vand.u32 $0x7FFF80, v9  }
0x14e: {  	[tilespmem:v7+s26+$0x0] =	vst.idx.add.f32.msk $0xffff, v2;
	v8 =	vor.u32 v1, v8  }
0x14f: {  	[tilespmem:v5+s26+$0x0] =	vst.idx.add.f32.msk $0xffff, v2  }
0x150: {  	[tilespmem:v10+s26+$0x0] =	vst.idx.add.f32.msk $0xffff, v2  }
0x151: {  	[tilespmem:v12+s26+$0x0] =	vst.idx.add.f32.msk $0xffff, v2  }
0x152: {  	[tilespmem:v6+s26+$0x0] =	vst.idx.add.f32.msk $0xffff, v2  }
0x153: {  	s0 =	simm.s32 $0x0;
	[tilespmem:v8+s26+$0x0] =	vst.idx.add.f32.msk $0xffff, v2  }
0x154: {  	[tilespmem:s0], [sflag:$0x1] =	stream.linear.gather [hbm4b:s10+s0], $0x8000, $0x38;
	[tilespmem:$0x13680] =	vst v63  }
0x155: {  	_ =	swait.ge [sflag:s28], $0x8000  }
0x156: {  	s1 =	sand.u32 $0x7C00, s0;
	s0 =	sand.u32 $0x380, s0;
	[sflag:s28] =	ssyncset.done $0x0  }
0x157: {  	s0 =	sor.u32 s0, s1;
	[sflag:s28] =	ssyncadd.s32 $0xFFFF8000  }
0x158: {  	v5 =	vld [tilespmem:s0+$0x8000];
	_ =	sdelay $0x4  }
0x159: {  	v5 =	vmul.f32 v5, v4  }
0x15a: {  	v6 =	vld [tilespmem:s0+$0x8030]  }
0x15b: {  	v5 =	vadd.f32 v5, v3  }
0x15c: {  	v8 =	vld [tilespmem:s0+$0x8050]  }
0x15d: {  	v7 =	vld [tilespmem:s0+$0x8040];
	v5 =	vand.u32 $0x7FFF80, v5  }
0x15e: {  	v9 =	vld [tilespmem:s0+$0x8020];
	v5 =	vor.u32 v1, v5  }
0x15f: {  	v10 =	vld [tilespmem:s0+$0x8010];
	v6 =	vmul.f32 v6, v4  }
0x160: {  	v11 =	vld [tilespmem:s0+$0x8060]  }
0x161: {  	s22 =	simm.s32 $0x400;
	s1 =	simm.s32 $0x4;
	v8 =	vmul.f32 v8, v4;
	v6 =	vadd.f32 v6, v3  }
0x162: {  	s29 =	sand.u32 $0x7C00, s22;
	s1 =	sand.u32 $0x380, s1;
	v12 =	vld [tilespmem:s0+$0x8070];
	v7 =	vmul.f32 v7, v4  }
0x163: {  	s0 =	sor.u32 s1, s29;
	v9 =	vmul.f32 v9, v4;
	v8 =	vadd.f32 v8, v3;
	v6 =	vand.u32 $0x7FFF80, v6;
	[tilespmem:v5+s26+$0x0] =	vst.idx.add.f32.msk $0xffff, v2  }
0x164: {  	v10 =	vmul.f32 v10, v4;
	v6 =	vor.u32 v1, v6;
	v5 =	vadd.f32 v7, v3;
	v7 =	vld [tilespmem:s0+$0x8000]  }
0x165: {  	v13 =	vld [tilespmem:s0+$0x8010];
	v11 =	vmul.f32 v11, v4;
	v9 =	vadd.f32 v9, v3;
	v8 =	vand.u32 $0x7FFF80, v8  }
0x166: {  	v14 =	vld [tilespmem:s0+$0x8020];
	v10 =	vadd.f32 v10, v3;
	v8 =	vor.u32 v1, v8;
	v5 =	vand.u32 $0x7FFF80, v5  }
0x167: {  	v15 =	vld [tilespmem:s0+$0x8030];
	v12 =	vmul.f32 v12, v4;
	v9 =	vand.u32 $0x7FFF80, v9;
	v5 =	vor.u32 v1, v5  }
0x168: {  	v16 =	vld [tilespmem:s0+$0x8040];
	v11 =	vadd.f32 v11, v3;
	v10 =	vand.u32 $0x7FFF80, v10;
	v9 =	vor.u32 v1, v9  }
0x169: {  	v17 =	vor.u32 v1, v10;
	[tilespmem:v6+s26+$0x0] =	vst.idx.add.f32.msk $0xffff, v2;
	v7 =	vmul.f32 v7, v4  }
0x16a: {  	v6 =	vadd.f32 v12, v3;
	v12 =	vld [tilespmem:s0+$0x8050]  }
0x16b: {  	v13 =	vmul.f32 v13, v4;
	v11 =	vand.u32 $0x7FFF80, v11;
	[tilespmem:v8+s26+$0x0] =	vst.idx.add.f32.msk $0xffff, v2;
	v7 =	vadd.f32 v7, v3  }
0x16c: {  	v14 =	vmul.f32 v14, v4;
	v8 =	vand.u32 $0x7FFF80, v6;
	[tilespmem:v5+s26+$0x0] =	vst.idx.add.f32.msk $0xffff, v2;
	v5 =	vor.u32 v1, v11  }
0x16d: {  	[tilespmem:v9+s26+$0x0] =	vst.idx.add.f32.msk $0xffff, v2;
	v9 =	vor.u32 v1, v8;
	v11 =	vmul.f32 v15, v4;
	v7 =	vand.u32 $0x7FFF80, v7  }
0x16e: {  	v63 =	vadd.f32 v13, v3;
	[tilespmem:v17+s26+$0x0] =	vst.idx.add.f32.msk $0xffff, v2;
	v8 =	vor.u32 v1, v7  }
0x16f: {  	v14 =	vadd.f32 v14, v3;
	v15 =	vadd.f32 v11, v3;
	v11 =	vld [tilespmem:s0+$0x8070]  }
0x170: {  	v10 =	vmul.f32 v16, v4;
	v6 =	vld [tilespmem:s0+$0x8060];
	v12 =	vmul.f32 v12, v4  }
0x171: {  	s31 =	simm.s32 $0x8;
	s1 =	simm.s32 $0x800;
	v7 =	vand.u32 $0x7FFF80, v14;
	s0 =	simm.s32 $0x8;
	v13 =	vand.u32 $0x7FFF80, v15;
	[tilespmem:v5+s26+$0x0] =	vst.idx.add.f32.msk $0xffff, v2;
	v5 =	vand.u32 $0x7FFF80, v63  }
.LBB2_14:
0x172: {  	s22 =	sand.u32 $0x7C00, s1;
	s29 =	sand.u32 $0x380, s0;
	s31 =	sadd.s32 $0x8, s31;
	[tilespmem:v9+s26+$0x0] =	vst.idx.add.f32.msk $0xffff, v2  }
0x173: {  	s22 =	sor.u32 s29, s22;
	p0 =	slt.u32 s31, $0x7F8;
	[tilespmem:v8+s26+$0x0] =	vst.idx.add.f32.msk $0xffff, v2;
	v8 =	vadd.f32 v10, v3  }
0x174: {  	v12 =	vadd.f32 v12, v3;
	v10 =	vor.u32 v1, v13;
	v9 =	vld [tilespmem:s22+$0x8000];
	v11 =	vmul.f32 v11, v4  }
0x175: {  	v13 =	vld [tilespmem:s22+$0x8010];
	v8 =	vand.u32 $0x7FFF80, v8  }
0x176: {  	v6 =	vmul.f32 v6, v4;
	v12 =	vand.u32 $0x7FFF80, v12;
	v14 =	vld [tilespmem:s22+$0x8020];
	v8 =	vor.u32 v1, v8  }
0x177: {  	v12 =	vor.u32 v1, v12;
	v11 =	vadd.f32 v11, v3;
	v15 =	vld [tilespmem:s22+$0x8030]  }
0x178: {  	v6 =	vadd.f32 v6, v3;
	v16 =	vld [tilespmem:s22+$0x8040]  }
0x179: {  	v7 =	vor.u32 v1, v7;
	v11 =	vand.u32 $0x7FFF80, v11;
	v9 =	vmul.f32 v9, v4;
	[tilespmem:v10+s26+$0x0] =	vst.idx.add.f32.msk $0xffff, v2  }
0x17a: {  	v18 =	vor.u32 v1, v5;
	v5 =	vand.u32 $0x7FFF80, v6;
	v13 =	vmul.f32 v13, v4;
	v17 =	vld [tilespmem:s22+$0x8050]  }
0x17b: {  	v5 =	vor.u32 v1, v5;
	v6 =	vadd.f32 v9, v3;
	[tilespmem:v8+s26+$0x0] =	vst.idx.add.f32.msk $0xffff, v2  }
0x17c: {  	v14 =	vmul.f32 v14, v4;
	v15 =	vmul.f32 v15, v4;
	[tilespmem:v12+s26+$0x0] =	vst.idx.add.f32.msk $0xffff, v2  }
.Ltmp6:
0x17d: {  	v9 =	vor.u32 v1, v11;
	v8 =	vand.u32 $0x7FFF80, v6;
	v10 =	vmul.f32 v16, v4;
	v6 =	vld [tilespmem:s22+$0x8060];
	(pc) =	sbr.rel @p0 .LBB2_14-.Ltmp6, $4  }
0x17e: {  	v8 =	vor.u32 v1, v8;
	v15 =	vadd.f32 v15, v3;
	[tilespmem:v7+s26+$0x0] =	vst.idx.add.f32.msk $0xffff, v2  }
0x17f: {  	v14 =	vadd.f32 v14, v3;
	v7 =	vadd.f32 v13, v3;
	v12 =	vmul.f32 v17, v4;
	v11 =	vld [tilespmem:s22+$0x8070]  }
0x180: {  	v13 =	vand.u32 $0x7FFF80, v15;
	[tilespmem:v5+s26+$0x0] =	vst.idx.add.f32.msk $0xffff, v2  }
0x181: {  	s0 =	sadd.s32 $0x4, s0;
	s1 =	sadd.s32 $0x400, s1;
	v5 =	vand.u32 $0x7FFF80, v7;
	v7 =	vand.u32 $0x7FFF80, v14;
	[tilespmem:v18+s26+$0x0] =	vst.idx.add.f32.msk $0xffff, v2  }
0x182: {  	_ = 	snop  }
0x183: {  	v10 =	vadd.f32 v10, v3;
	v6 =	vmul.f32 v6, v4;
	v13 =	vor.u32 v1, v13  }
0x184: {  	v12 =	vadd.f32 v12, v3;
	v7 =	vor.u32 v1, v7;
	v11 =	vmul.f32 v11, v4  }
0x185: {  	v5 =	vor.u32 v1, v5;
	v10 =	vand.u32 $0x7FFF80, v10;
	v6 =	vadd.f32 v6, v3  }
0x186: {  	[tilespmem:v9+s26+$0x0] =	vst.idx.add.f32.msk $0xffff, v2;
	v12 =	vand.u32 $0x7FFF80, v12;
	v10 =	vor.u32 v1, v10;
	v9 =	vadd.f32 v11, v3  }
0x187: {  	[tilespmem:v8+s26+$0x0] =	vst.idx.add.f32.msk $0xffff, v2;
	v12 =	vor.u32 v1, v12;
	v6 =	vand.u32 $0x7FFF80, v6  }
0x188: {  	v6 =	vor.u32 v1, v6;
	[tilespmem:v13+s26+$0x0] =	vst.idx.add.f32.msk $0xffff, v2;
	v8 =	vand.u32 $0x7FFF80, v9  }
0x189: {  	[tilespmem:v7+s26+$0x0] =	vst.idx.add.f32.msk $0xffff, v2;
	v8 =	vor.u32 v1, v8  }
0x18a: {  	[tilespmem:v5+s26+$0x0] =	vst.idx.add.f32.msk $0xffff, v2  }
0x18b: {  	[tilespmem:v10+s26+$0x0] =	vst.idx.add.f32.msk $0xffff, v2  }
0x18c: {  	[tilespmem:v12+s26+$0x0] =	vst.idx.add.f32.msk $0xffff, v2  }
0x18d: {  	[tilespmem:v6+s26+$0x0] =	vst.idx.add.f32.msk $0xffff, v2  }
0x18e: {  	s0 =	simm.s32 $0x0;
	[tilespmem:v8+s26+$0x0] =	vst.idx.add.f32.msk $0xffff, v2  }
0x18f: {  	[tilespmem:s24], [sflag:$0x2] =	stream.linear.gather [hbm4b:s11+s0], $0x8000, $0x38;
	[tilespmem:$0x13680] =	vst v63  }
0x190: {  	_ =	swait.ge [sflag:s25], $0x8000  }
0x191: {  	s1 =	sand.u32 $0x7C00, s0;
	s0 =	sand.u32 $0x380, s0;
	[sflag:s25] =	ssyncset.done $0x0  }
0x192: {  	s0 =	sor.u32 s0, s1;
	[sflag:s25] =	ssyncadd.s32 $0xFFFF8000  }
0x193: {  	v5 =	vld [tilespmem:s0+$0x0];
	_ =	sdelay $0x4  }
0x194: {  	v5 =	vmul.f32 v5, v4  }
0x195: {  	v6 =	vld [tilespmem:s0+$0x30]  }
0x196: {  	v5 =	vadd.f32 v5, v3  }
0x197: {  	v8 =	vld [tilespmem:s0+$0x50]  }
0x198: {  	v7 =	vld [tilespmem:s0+$0x40];
	v5 =	vand.u32 $0x7FFF80, v5  }
0x199: {  	v9 =	vld [tilespmem:s0+$0x20];
	v5 =	vor.u32 v1, v5  }
0x19a: {  	v10 =	vld [tilespmem:s0+$0x10];
	v6 =	vmul.f32 v6, v4  }
0x19b: {  	v11 =	vld [tilespmem:s0+$0x60]  }
0x19c: {  	s22 =	simm.s32 $0x400;
	s1 =	simm.s32 $0x4;
	v8 =	vmul.f32 v8, v4;
	v6 =	vadd.f32 v6, v3  }
0x19d: {  	s29 =	sand.u32 $0x7C00, s22;
	s1 =	sand.u32 $0x380, s1;
	v12 =	vld [tilespmem:s0+$0x70];
	v7 =	vmul.f32 v7, v4  }
0x19e: {  	s0 =	sor.u32 s1, s29;
	v9 =	vmul.f32 v9, v4;
	v8 =	vadd.f32 v8, v3;
	v6 =	vand.u32 $0x7FFF80, v6;
	[tilespmem:v5+s26+$0x0] =	vst.idx.add.f32.msk $0xffff, v2  }
0x19f: {  	v10 =	vmul.f32 v10, v4;
	v6 =	vor.u32 v1, v6;
	v5 =	vadd.f32 v7, v3;
	v7 =	vld [tilespmem:s0+$0x0]  }
0x1a0: {  	v13 =	vld [tilespmem:s0+$0x10];
	v11 =	vmul.f32 v11, v4;
	v9 =	vadd.f32 v9, v3;
	v8 =	vand.u32 $0x7FFF80, v8  }
0x1a1: {  	v14 =	vld [tilespmem:s0+$0x20];
	v10 =	vadd.f32 v10, v3;
	v8 =	vor.u32 v1, v8;
	v5 =	vand.u32 $0x7FFF80, v5  }
0x1a2: {  	v15 =	vld [tilespmem:s0+$0x30];
	v12 =	vmul.f32 v12, v4;
	v9 =	vand.u32 $0x7FFF80, v9;
	v5 =	vor.u32 v1, v5  }
0x1a3: {  	v16 =	vld [tilespmem:s0+$0x40];
	v11 =	vadd.f32 v11, v3;
	v10 =	vand.u32 $0x7FFF80, v10;
	v9 =	vor.u32 v1, v9  }
0x1a4: {  	v17 =	vor.u32 v1, v10;
	[tilespmem:v6+s26+$0x0] =	vst.idx.add.f32.msk $0xffff, v2;
	v7 =	vmul.f32 v7, v4  }
0x1a5: {  	v6 =	vadd.f32 v12, v3;
	v12 =	vld [tilespmem:s0+$0x50]  }
0x1a6: {  	v13 =	vmul.f32 v13, v4;
	v11 =	vand.u32 $0x7FFF80, v11;
	[tilespmem:v8+s26+$0x0] =	vst.idx.add.f32.msk $0xffff, v2;
	v7 =	vadd.f32 v7, v3  }
0x1a7: {  	v14 =	vmul.f32 v14, v4;
	v8 =	vand.u32 $0x7FFF80, v6;
	[tilespmem:v5+s26+$0x0] =	vst.idx.add.f32.msk $0xffff, v2;
	v5 =	vor.u32 v1, v11  }
0x1a8: {  	[tilespmem:v9+s26+$0x0] =	vst.idx.add.f32.msk $0xffff, v2;
	v9 =	vor.u32 v1, v8;
	v11 =	vmul.f32 v15, v4;
	v7 =	vand.u32 $0x7FFF80, v7  }
0x1a9: {  	v63 =	vadd.f32 v13, v3;
	[tilespmem:v17+s26+$0x0] =	vst.idx.add.f32.msk $0xffff, v2;
	v8 =	vor.u32 v1, v7  }
0x1aa: {  	v14 =	vadd.f32 v14, v3;
	v15 =	vadd.f32 v11, v3;
	v11 =	vld [tilespmem:s0+$0x70]  }
0x1ab: {  	v10 =	vmul.f32 v16, v4;
	v6 =	vld [tilespmem:s0+$0x60];
	v12 =	vmul.f32 v12, v4  }
0x1ac: {  	s31 =	simm.s32 $0x8;
	s1 =	simm.s32 $0x800;
	v7 =	vand.u32 $0x7FFF80, v14;
	s0 =	simm.s32 $0x8;
	v13 =	vand.u32 $0x7FFF80, v15;
	[tilespmem:v5+s26+$0x0] =	vst.idx.add.f32.msk $0xffff, v2;
	v5 =	vand.u32 $0x7FFF80, v63  }
.LBB2_16:
0x1ad: {  	s22 =	sand.u32 $0x7C00, s1;
	s29 =	sand.u32 $0x380, s0;
	s31 =	sadd.s32 $0x8, s31;
	[tilespmem:v9+s26+$0x0] =	vst.idx.add.f32.msk $0xffff, v2  }
0x1ae: {  	s22 =	sor.u32 s29, s22;
	p0 =	slt.u32 s31, $0x7F8;
	[tilespmem:v8+s26+$0x0] =	vst.idx.add.f32.msk $0xffff, v2;
	v8 =	vadd.f32 v10, v3  }
0x1af: {  	v12 =	vadd.f32 v12, v3;
	v10 =	vor.u32 v1, v13;
	v9 =	vld [tilespmem:s22+$0x0];
	v11 =	vmul.f32 v11, v4  }
0x1b0: {  	v13 =	vld [tilespmem:s22+$0x10];
	v8 =	vand.u32 $0x7FFF80, v8  }
0x1b1: {  	v6 =	vmul.f32 v6, v4;
	v12 =	vand.u32 $0x7FFF80, v12;
	v14 =	vld [tilespmem:s22+$0x20];
	v8 =	vor.u32 v1, v8  }
0x1b2: {  	v12 =	vor.u32 v1, v12;
	v11 =	vadd.f32 v11, v3;
	v15 =	vld [tilespmem:s22+$0x30]  }
0x1b3: {  	v6 =	vadd.f32 v6, v3;
	v16 =	vld [tilespmem:s22+$0x40]  }
0x1b4: {  	v7 =	vor.u32 v1, v7;
	v11 =	vand.u32 $0x7FFF80, v11;
	v9 =	vmul.f32 v9, v4;
	[tilespmem:v10+s26+$0x0] =	vst.idx.add.f32.msk $0xffff, v2  }
0x1b5: {  	v18 =	vor.u32 v1, v5;
	v5 =	vand.u32 $0x7FFF80, v6;
	v13 =	vmul.f32 v13, v4;
	v17 =	vld [tilespmem:s22+$0x50]  }
0x1b6: {  	v5 =	vor.u32 v1, v5;
	v6 =	vadd.f32 v9, v3;
	[tilespmem:v8+s26+$0x0] =	vst.idx.add.f32.msk $0xffff, v2  }
0x1b7: {  	v14 =	vmul.f32 v14, v4;
	v15 =	vmul.f32 v15, v4;
	[tilespmem:v12+s26+$0x0] =	vst.idx.add.f32.msk $0xffff, v2  }
.Ltmp7:
0x1b8: {  	v9 =	vor.u32 v1, v11;
	v8 =	vand.u32 $0x7FFF80, v6;
	v10 =	vmul.f32 v16, v4;
	v6 =	vld [tilespmem:s22+$0x60];
	(pc) =	sbr.rel @p0 .LBB2_16-.Ltmp7, $4  }
0x1b9: {  	v8 =	vor.u32 v1, v8;
	v15 =	vadd.f32 v15, v3;
	[tilespmem:v7+s26+$0x0] =	vst.idx.add.f32.msk $0xffff, v2  }
0x1ba: {  	v14 =	vadd.f32 v14, v3;
	v7 =	vadd.f32 v13, v3;
	v12 =	vmul.f32 v17, v4;
	v11 =	vld [tilespmem:s22+$0x70]  }
0x1bb: {  	v13 =	vand.u32 $0x7FFF80, v15;
	[tilespmem:v5+s26+$0x0] =	vst.idx.add.f32.msk $0xffff, v2  }
0x1bc: {  	s0 =	sadd.s32 $0x4, s0;
	s1 =	sadd.s32 $0x400, s1;
	v5 =	vand.u32 $0x7FFF80, v7;
	v7 =	vand.u32 $0x7FFF80, v14;
	[tilespmem:v18+s26+$0x0] =	vst.idx.add.f32.msk $0xffff, v2  }
0x1bd: {  	_ = 	snop  }
0x1be: {  	v10 =	vadd.f32 v10, v3;
	v6 =	vmul.f32 v6, v4;
	v13 =	vor.u32 v1, v13  }
0x1bf: {  	v12 =	vadd.f32 v12, v3;
	v7 =	vor.u32 v1, v7;
	v11 =	vmul.f32 v11, v4  }
0x1c0: {  	v5 =	vor.u32 v1, v5;
	v10 =	vand.u32 $0x7FFF80, v10;
	v6 =	vadd.f32 v6, v3  }
0x1c1: {  	[tilespmem:v9+s26+$0x0] =	vst.idx.add.f32.msk $0xffff, v2;
	v12 =	vand.u32 $0x7FFF80, v12;
	v10 =	vor.u32 v1, v10;
	v9 =	vadd.f32 v11, v3  }
0x1c2: {  	[tilespmem:v8+s26+$0x0] =	vst.idx.add.f32.msk $0xffff, v2;
	v12 =	vor.u32 v1, v12;
	v6 =	vand.u32 $0x7FFF80, v6  }
0x1c3: {  	v6 =	vor.u32 v1, v6;
	[tilespmem:v13+s26+$0x0] =	vst.idx.add.f32.msk $0xffff, v2;
	v8 =	vand.u32 $0x7FFF80, v9  }
0x1c4: {  	[tilespmem:v7+s26+$0x0] =	vst.idx.add.f32.msk $0xffff, v2;
	v8 =	vor.u32 v1, v8  }
0x1c5: {  	[tilespmem:v5+s26+$0x0] =	vst.idx.add.f32.msk $0xffff, v2  }
0x1c6: {  	[tilespmem:v10+s26+$0x0] =	vst.idx.add.f32.msk $0xffff, v2  }
0x1c7: {  	[tilespmem:v12+s26+$0x0] =	vst.idx.add.f32.msk $0xffff, v2  }
0x1c8: {  	[tilespmem:v6+s26+$0x0] =	vst.idx.add.f32.msk $0xffff, v2  }
0x1c9: {  	s0 =	simm.s32 $0x0;
	[tilespmem:v8+s26+$0x0] =	vst.idx.add.f32.msk $0xffff, v2  }
0x1ca: {  	[tilespmem:s0], [sflag:$0x1] =	stream.linear.gather [hbm4b:s12+s0], $0x8000, $0x38;
	[tilespmem:$0x13680] =	vst v63  }
0x1cb: {  	_ =	swait.ge [sflag:s28], $0x8000  }
0x1cc: {  	s1 =	sand.u32 $0x7C00, s0;
	s0 =	sand.u32 $0x380, s0;
	[sflag:s28] =	ssyncset.done $0x0  }
0x1cd: {  	s0 =	sor.u32 s0, s1;
	[sflag:s28] =	ssyncadd.s32 $0xFFFF8000  }
0x1ce: {  	v5 =	vld [tilespmem:s0+$0x8000];
	_ =	sdelay $0x4  }
0x1cf: {  	v5 =	vmul.f32 v5, v4  }
0x1d0: {  	v6 =	vld [tilespmem:s0+$0x8030]  }
0x1d1: {  	v5 =	vadd.f32 v5, v3  }
0x1d2: {  	v8 =	vld [tilespmem:s0+$0x8050]  }
0x1d3: {  	v7 =	vld [tilespmem:s0+$0x8040];
	v5 =	vand.u32 $0x7FFF80, v5  }
0x1d4: {  	v9 =	vld [tilespmem:s0+$0x8020];
	v5 =	vor.u32 v1, v5  }
0x1d5: {  	v10 =	vld [tilespmem:s0+$0x8010];
	v6 =	vmul.f32 v6, v4  }
0x1d6: {  	v11 =	vld [tilespmem:s0+$0x8060]  }
0x1d7: {  	s22 =	simm.s32 $0x400;
	s1 =	simm.s32 $0x4;
	v8 =	vmul.f32 v8, v4;
	v6 =	vadd.f32 v6, v3  }
0x1d8: {  	s29 =	sand.u32 $0x7C00, s22;
	s1 =	sand.u32 $0x380, s1;
	v12 =	vld [tilespmem:s0+$0x8070];
	v7 =	vmul.f32 v7, v4  }
0x1d9: {  	s0 =	sor.u32 s1, s29;
	v9 =	vmul.f32 v9, v4;
	v8 =	vadd.f32 v8, v3;
	v6 =	vand.u32 $0x7FFF80, v6;
	[tilespmem:v5+s26+$0x0] =	vst.idx.add.f32.msk $0xffff, v2  }
0x1da: {  	v10 =	vmul.f32 v10, v4;
	v6 =	vor.u32 v1, v6;
	v5 =	vadd.f32 v7, v3;
	v7 =	vld [tilespmem:s0+$0x8000]  }
0x1db: {  	v13 =	vld [tilespmem:s0+$0x8010];
	v11 =	vmul.f32 v11, v4;
	v9 =	vadd.f32 v9, v3;
	v8 =	vand.u32 $0x7FFF80, v8  }
0x1dc: {  	v14 =	vld [tilespmem:s0+$0x8020];
	v10 =	vadd.f32 v10, v3;
	v8 =	vor.u32 v1, v8;
	v5 =	vand.u32 $0x7FFF80, v5  }
0x1dd: {  	v15 =	vld [tilespmem:s0+$0x8030];
	v12 =	vmul.f32 v12, v4;
	v9 =	vand.u32 $0x7FFF80, v9;
	v5 =	vor.u32 v1, v5  }
0x1de: {  	v16 =	vld [tilespmem:s0+$0x8040];
	v11 =	vadd.f32 v11, v3;
	v10 =	vand.u32 $0x7FFF80, v10;
	v9 =	vor.u32 v1, v9  }
0x1df: {  	v17 =	vor.u32 v1, v10;
	[tilespmem:v6+s26+$0x0] =	vst.idx.add.f32.msk $0xffff, v2;
	v7 =	vmul.f32 v7, v4  }
0x1e0: {  	v6 =	vadd.f32 v12, v3;
	v12 =	vld [tilespmem:s0+$0x8050]  }
0x1e1: {  	v13 =	vmul.f32 v13, v4;
	v11 =	vand.u32 $0x7FFF80, v11;
	[tilespmem:v8+s26+$0x0] =	vst.idx.add.f32.msk $0xffff, v2;
	v7 =	vadd.f32 v7, v3  }
0x1e2: {  	v14 =	vmul.f32 v14, v4;
	v8 =	vand.u32 $0x7FFF80, v6;
	[tilespmem:v5+s26+$0x0] =	vst.idx.add.f32.msk $0xffff, v2;
	v5 =	vor.u32 v1, v11  }
0x1e3: {  	[tilespmem:v9+s26+$0x0] =	vst.idx.add.f32.msk $0xffff, v2;
	v9 =	vor.u32 v1, v8;
	v11 =	vmul.f32 v15, v4;
	v7 =	vand.u32 $0x7FFF80, v7  }
0x1e4: {  	v63 =	vadd.f32 v13, v3;
	[tilespmem:v17+s26+$0x0] =	vst.idx.add.f32.msk $0xffff, v2;
	v8 =	vor.u32 v1, v7  }
0x1e5: {  	v14 =	vadd.f32 v14, v3;
	v15 =	vadd.f32 v11, v3;
	v11 =	vld [tilespmem:s0+$0x8070]  }
0x1e6: {  	v10 =	vmul.f32 v16, v4;
	v6 =	vld [tilespmem:s0+$0x8060];
	v12 =	vmul.f32 v12, v4  }
0x1e7: {  	s31 =	simm.s32 $0x8;
	s1 =	simm.s32 $0x800;
	v7 =	vand.u32 $0x7FFF80, v14;
	s0 =	simm.s32 $0x8;
	v13 =	vand.u32 $0x7FFF80, v15;
	[tilespmem:v5+s26+$0x0] =	vst.idx.add.f32.msk $0xffff, v2;
	v5 =	vand.u32 $0x7FFF80, v63  }
.LBB2_18:
0x1e8: {  	s22 =	sand.u32 $0x7C00, s1;
	s29 =	sand.u32 $0x380, s0;
	s31 =	sadd.s32 $0x8, s31;
	[tilespmem:v9+s26+$0x0] =	vst.idx.add.f32.msk $0xffff, v2  }
0x1e9: {  	s22 =	sor.u32 s29, s22;
	p0 =	slt.u32 s31, $0x7F8;
	[tilespmem:v8+s26+$0x0] =	vst.idx.add.f32.msk $0xffff, v2;
	v8 =	vadd.f32 v10, v3  }
0x1ea: {  	v12 =	vadd.f32 v12, v3;
	v10 =	vor.u32 v1, v13;
	v9 =	vld [tilespmem:s22+$0x8000];
	v11 =	vmul.f32 v11, v4  }
0x1eb: {  	v13 =	vld [tilespmem:s22+$0x8010];
	v8 =	vand.u32 $0x7FFF80, v8  }
0x1ec: {  	v6 =	vmul.f32 v6, v4;
	v12 =	vand.u32 $0x7FFF80, v12;
	v14 =	vld [tilespmem:s22+$0x8020];
	v8 =	vor.u32 v1, v8  }
0x1ed: {  	v12 =	vor.u32 v1, v12;
	v11 =	vadd.f32 v11, v3;
	v15 =	vld [tilespmem:s22+$0x8030]  }
0x1ee: {  	v6 =	vadd.f32 v6, v3;
	v16 =	vld [tilespmem:s22+$0x8040]  }
0x1ef: {  	v7 =	vor.u32 v1, v7;
	v11 =	vand.u32 $0x7FFF80, v11;
	v9 =	vmul.f32 v9, v4;
	[tilespmem:v10+s26+$0x0] =	vst.idx.add.f32.msk $0xffff, v2  }
0x1f0: {  	v18 =	vor.u32 v1, v5;
	v5 =	vand.u32 $0x7FFF80, v6;
	v13 =	vmul.f32 v13, v4;
	v17 =	vld [tilespmem:s22+$0x8050]  }
0x1f1: {  	v5 =	vor.u32 v1, v5;
	v6 =	vadd.f32 v9, v3;
	[tilespmem:v8+s26+$0x0] =	vst.idx.add.f32.msk $0xffff, v2  }
0x1f2: {  	v14 =	vmul.f32 v14, v4;
	v15 =	vmul.f32 v15, v4;
	[tilespmem:v12+s26+$0x0] =	vst.idx.add.f32.msk $0xffff, v2  }
.Ltmp8:
0x1f3: {  	v9 =	vor.u32 v1, v11;
	v8 =	vand.u32 $0x7FFF80, v6;
	v10 =	vmul.f32 v16, v4;
	v6 =	vld [tilespmem:s22+$0x8060];
	(pc) =	sbr.rel @p0 .LBB2_18-.Ltmp8, $4  }
0x1f4: {  	v8 =	vor.u32 v1, v8;
	v15 =	vadd.f32 v15, v3;
	[tilespmem:v7+s26+$0x0] =	vst.idx.add.f32.msk $0xffff, v2  }
0x1f5: {  	v14 =	vadd.f32 v14, v3;
	v7 =	vadd.f32 v13, v3;
	v12 =	vmul.f32 v17, v4;
	v11 =	vld [tilespmem:s22+$0x8070]  }
0x1f6: {  	v13 =	vand.u32 $0x7FFF80, v15;
	[tilespmem:v5+s26+$0x0] =	vst.idx.add.f32.msk $0xffff, v2  }
0x1f7: {  	s0 =	sadd.s32 $0x4, s0;
	s1 =	sadd.s32 $0x400, s1;
	v5 =	vand.u32 $0x7FFF80, v7;
	v7 =	vand.u32 $0x7FFF80, v14;
	[tilespmem:v18+s26+$0x0] =	vst.idx.add.f32.msk $0xffff, v2  }
0x1f8: {  	_ = 	snop  }
0x1f9: {  	v10 =	vadd.f32 v10, v3;
	v6 =	vmul.f32 v6, v4;
	v13 =	vor.u32 v1, v13  }
0x1fa: {  	v12 =	vadd.f32 v12, v3;
	v7 =	vor.u32 v1, v7;
	v11 =	vmul.f32 v11, v4  }
0x1fb: {  	v5 =	vor.u32 v1, v5;
	v10 =	vand.u32 $0x7FFF80, v10;
	v6 =	vadd.f32 v6, v3  }
0x1fc: {  	[tilespmem:v9+s26+$0x0] =	vst.idx.add.f32.msk $0xffff, v2;
	v12 =	vand.u32 $0x7FFF80, v12;
	v10 =	vor.u32 v1, v10;
	v9 =	vadd.f32 v11, v3  }
0x1fd: {  	[tilespmem:v8+s26+$0x0] =	vst.idx.add.f32.msk $0xffff, v2;
	v12 =	vor.u32 v1, v12;
	v6 =	vand.u32 $0x7FFF80, v6  }
0x1fe: {  	v6 =	vor.u32 v1, v6;
	[tilespmem:v13+s26+$0x0] =	vst.idx.add.f32.msk $0xffff, v2;
	v8 =	vand.u32 $0x7FFF80, v9  }
0x1ff: {  	[tilespmem:v7+s26+$0x0] =	vst.idx.add.f32.msk $0xffff, v2;
	v8 =	vor.u32 v1, v8  }
0x200: {  	[tilespmem:v5+s26+$0x0] =	vst.idx.add.f32.msk $0xffff, v2  }
0x201: {  	[tilespmem:v10+s26+$0x0] =	vst.idx.add.f32.msk $0xffff, v2  }
0x202: {  	[tilespmem:v12+s26+$0x0] =	vst.idx.add.f32.msk $0xffff, v2  }
0x203: {  	[tilespmem:v6+s26+$0x0] =	vst.idx.add.f32.msk $0xffff, v2  }
0x204: {  	s0 =	simm.s32 $0x0;
	[tilespmem:v8+s26+$0x0] =	vst.idx.add.f32.msk $0xffff, v2  }
0x205: {  	[tilespmem:s24], [sflag:$0x2] =	stream.linear.gather [hbm4b:s13+s0], $0x8000, $0x38;
	[tilespmem:$0x13680] =	vst v63  }
0x206: {  	_ =	swait.ge [sflag:s25], $0x8000  }
0x207: {  	s1 =	sand.u32 $0x7C00, s0;
	s0 =	sand.u32 $0x380, s0;
	[sflag:s25] =	ssyncset.done $0x0  }
0x208: {  	s0 =	sor.u32 s0, s1;
	[sflag:s25] =	ssyncadd.s32 $0xFFFF8000  }
0x209: {  	v5 =	vld [tilespmem:s0+$0x0];
	_ =	sdelay $0x4  }
0x20a: {  	v5 =	vmul.f32 v5, v4  }
0x20b: {  	v6 =	vld [tilespmem:s0+$0x30]  }
0x20c: {  	v5 =	vadd.f32 v5, v3  }
0x20d: {  	v8 =	vld [tilespmem:s0+$0x50]  }
0x20e: {  	v7 =	vld [tilespmem:s0+$0x40];
	v5 =	vand.u32 $0x7FFF80, v5  }
0x20f: {  	v9 =	vld [tilespmem:s0+$0x20];
	v5 =	vor.u32 v1, v5  }
0x210: {  	v10 =	vld [tilespmem:s0+$0x10];
	v6 =	vmul.f32 v6, v4  }
0x211: {  	v11 =	vld [tilespmem:s0+$0x60]  }
0x212: {  	s22 =	simm.s32 $0x400;
	s1 =	simm.s32 $0x4;
	v8 =	vmul.f32 v8, v4;
	v6 =	vadd.f32 v6, v3  }
0x213: {  	s29 =	sand.u32 $0x7C00, s22;
	s1 =	sand.u32 $0x380, s1;
	v12 =	vld [tilespmem:s0+$0x70];
	v7 =	vmul.f32 v7, v4  }
0x214: {  	s0 =	sor.u32 s1, s29;
	v9 =	vmul.f32 v9, v4;
	v8 =	vadd.f32 v8, v3;
	v6 =	vand.u32 $0x7FFF80, v6;
	[tilespmem:v5+s26+$0x0] =	vst.idx.add.f32.msk $0xffff, v2  }
0x215: {  	v10 =	vmul.f32 v10, v4;
	v6 =	vor.u32 v1, v6;
	v5 =	vadd.f32 v7, v3;
	v7 =	vld [tilespmem:s0+$0x0]  }
0x216: {  	v13 =	vld [tilespmem:s0+$0x10];
	v11 =	vmul.f32 v11, v4;
	v9 =	vadd.f32 v9, v3;
	v8 =	vand.u32 $0x7FFF80, v8  }
0x217: {  	v14 =	vld [tilespmem:s0+$0x20];
	v10 =	vadd.f32 v10, v3;
	v8 =	vor.u32 v1, v8;
	v5 =	vand.u32 $0x7FFF80, v5  }
0x218: {  	v15 =	vld [tilespmem:s0+$0x30];
	v12 =	vmul.f32 v12, v4;
	v9 =	vand.u32 $0x7FFF80, v9;
	v5 =	vor.u32 v1, v5  }
0x219: {  	v16 =	vld [tilespmem:s0+$0x40];
	v11 =	vadd.f32 v11, v3;
	v10 =	vand.u32 $0x7FFF80, v10;
	v9 =	vor.u32 v1, v9  }
0x21a: {  	v17 =	vor.u32 v1, v10;
	[tilespmem:v6+s26+$0x0] =	vst.idx.add.f32.msk $0xffff, v2;
	v7 =	vmul.f32 v7, v4  }
0x21b: {  	v6 =	vadd.f32 v12, v3;
	v12 =	vld [tilespmem:s0+$0x50]  }
0x21c: {  	v13 =	vmul.f32 v13, v4;
	v11 =	vand.u32 $0x7FFF80, v11;
	[tilespmem:v8+s26+$0x0] =	vst.idx.add.f32.msk $0xffff, v2;
	v7 =	vadd.f32 v7, v3  }
0x21d: {  	v14 =	vmul.f32 v14, v4;
	v8 =	vand.u32 $0x7FFF80, v6;
	[tilespmem:v5+s26+$0x0] =	vst.idx.add.f32.msk $0xffff, v2;
	v5 =	vor.u32 v1, v11  }
0x21e: {  	[tilespmem:v9+s26+$0x0] =	vst.idx.add.f32.msk $0xffff, v2;
	v9 =	vor.u32 v1, v8;
	v11 =	vmul.f32 v15, v4;
	v7 =	vand.u32 $0x7FFF80, v7  }
0x21f: {  	v63 =	vadd.f32 v13, v3;
	[tilespmem:v17+s26+$0x0] =	vst.idx.add.f32.msk $0xffff, v2;
	v8 =	vor.u32 v1, v7  }
0x220: {  	v14 =	vadd.f32 v14, v3;
	v15 =	vadd.f32 v11, v3;
	v11 =	vld [tilespmem:s0+$0x70]  }
0x221: {  	v10 =	vmul.f32 v16, v4;
	v6 =	vld [tilespmem:s0+$0x60];
	v12 =	vmul.f32 v12, v4  }
0x222: {  	s31 =	simm.s32 $0x8;
	s1 =	simm.s32 $0x800;
	v7 =	vand.u32 $0x7FFF80, v14;
	s0 =	simm.s32 $0x8;
	v13 =	vand.u32 $0x7FFF80, v15;
	[tilespmem:v5+s26+$0x0] =	vst.idx.add.f32.msk $0xffff, v2;
	v5 =	vand.u32 $0x7FFF80, v63  }
.LBB2_20:
0x223: {  	s22 =	sand.u32 $0x7C00, s1;
	s29 =	sand.u32 $0x380, s0;
	s31 =	sadd.s32 $0x8, s31;
	[tilespmem:v9+s26+$0x0] =	vst.idx.add.f32.msk $0xffff, v2  }
0x224: {  	s22 =	sor.u32 s29, s22;
	p0 =	slt.u32 s31, $0x7F8;
	[tilespmem:v8+s26+$0x0] =	vst.idx.add.f32.msk $0xffff, v2;
	v8 =	vadd.f32 v10, v3  }
0x225: {  	v12 =	vadd.f32 v12, v3;
	v10 =	vor.u32 v1, v13;
	v9 =	vld [tilespmem:s22+$0x0];
	v11 =	vmul.f32 v11, v4  }
0x226: {  	v13 =	vld [tilespmem:s22+$0x10];
	v8 =	vand.u32 $0x7FFF80, v8  }
0x227: {  	v6 =	vmul.f32 v6, v4;
	v12 =	vand.u32 $0x7FFF80, v12;
	v14 =	vld [tilespmem:s22+$0x20];
	v8 =	vor.u32 v1, v8  }
0x228: {  	v12 =	vor.u32 v1, v12;
	v11 =	vadd.f32 v11, v3;
	v15 =	vld [tilespmem:s22+$0x30]  }
0x229: {  	v6 =	vadd.f32 v6, v3;
	v16 =	vld [tilespmem:s22+$0x40]  }
0x22a: {  	v7 =	vor.u32 v1, v7;
	v11 =	vand.u32 $0x7FFF80, v11;
	v9 =	vmul.f32 v9, v4;
	[tilespmem:v10+s26+$0x0] =	vst.idx.add.f32.msk $0xffff, v2  }
0x22b: {  	v18 =	vor.u32 v1, v5;
	v5 =	vand.u32 $0x7FFF80, v6;
	v13 =	vmul.f32 v13, v4;
	v17 =	vld [tilespmem:s22+$0x50]  }
0x22c: {  	v5 =	vor.u32 v1, v5;
	v6 =	vadd.f32 v9, v3;
	[tilespmem:v8+s26+$0x0] =	vst.idx.add.f32.msk $0xffff, v2  }
0x22d: {  	v14 =	vmul.f32 v14, v4;
	v15 =	vmul.f32 v15, v4;
	[tilespmem:v12+s26+$0x0] =	vst.idx.add.f32.msk $0xffff, v2  }
.Ltmp9:
0x22e: {  	v9 =	vor.u32 v1, v11;
	v8 =	vand.u32 $0x7FFF80, v6;
	v10 =	vmul.f32 v16, v4;
	v6 =	vld [tilespmem:s22+$0x60];
	(pc) =	sbr.rel @p0 .LBB2_20-.Ltmp9, $4  }
0x22f: {  	v8 =	vor.u32 v1, v8;
	v15 =	vadd.f32 v15, v3;
	[tilespmem:v7+s26+$0x0] =	vst.idx.add.f32.msk $0xffff, v2  }
0x230: {  	v14 =	vadd.f32 v14, v3;
	v7 =	vadd.f32 v13, v3;
	v12 =	vmul.f32 v17, v4;
	v11 =	vld [tilespmem:s22+$0x70]  }
0x231: {  	v13 =	vand.u32 $0x7FFF80, v15;
	[tilespmem:v5+s26+$0x0] =	vst.idx.add.f32.msk $0xffff, v2  }
0x232: {  	s0 =	sadd.s32 $0x4, s0;
	s1 =	sadd.s32 $0x400, s1;
	v5 =	vand.u32 $0x7FFF80, v7;
	v7 =	vand.u32 $0x7FFF80, v14;
	[tilespmem:v18+s26+$0x0] =	vst.idx.add.f32.msk $0xffff, v2  }
0x233: {  	_ = 	snop  }
0x234: {  	v10 =	vadd.f32 v10, v3;
	v6 =	vmul.f32 v6, v4;
	v13 =	vor.u32 v1, v13  }
0x235: {  	v12 =	vadd.f32 v12, v3;
	v7 =	vor.u32 v1, v7;
	v11 =	vmul.f32 v11, v4  }
0x236: {  	v5 =	vor.u32 v1, v5;
	v10 =	vand.u32 $0x7FFF80, v10;
	v6 =	vadd.f32 v6, v3  }
0x237: {  	[tilespmem:v9+s26+$0x0] =	vst.idx.add.f32.msk $0xffff, v2;
	v12 =	vand.u32 $0x7FFF80, v12;
	v10 =	vor.u32 v1, v10;
	v9 =	vadd.f32 v11, v3  }
0x238: {  	[tilespmem:v8+s26+$0x0] =	vst.idx.add.f32.msk $0xffff, v2;
	v12 =	vor.u32 v1, v12;
	v6 =	vand.u32 $0x7FFF80, v6  }
0x239: {  	v6 =	vor.u32 v1, v6;
	[tilespmem:v13+s26+$0x0] =	vst.idx.add.f32.msk $0xffff, v2;
	v8 =	vand.u32 $0x7FFF80, v9  }
0x23a: {  	[tilespmem:v7+s26+$0x0] =	vst.idx.add.f32.msk $0xffff, v2;
	v8 =	vor.u32 v1, v8  }
0x23b: {  	[tilespmem:v5+s26+$0x0] =	vst.idx.add.f32.msk $0xffff, v2  }
0x23c: {  	[tilespmem:v10+s26+$0x0] =	vst.idx.add.f32.msk $0xffff, v2  }
0x23d: {  	[tilespmem:v12+s26+$0x0] =	vst.idx.add.f32.msk $0xffff, v2  }
0x23e: {  	[tilespmem:v6+s26+$0x0] =	vst.idx.add.f32.msk $0xffff, v2  }
0x23f: {  	s0 =	simm.s32 $0x0;
	[tilespmem:v8+s26+$0x0] =	vst.idx.add.f32.msk $0xffff, v2  }
0x240: {  	[tilespmem:s0], [sflag:$0x1] =	stream.linear.gather [hbm4b:s14+s0], $0x8000, $0x38;
	[tilespmem:$0x13680] =	vst v63  }
0x241: {  	_ =	swait.ge [sflag:s28], $0x8000  }
0x242: {  	s1 =	sand.u32 $0x7C00, s0;
	s0 =	sand.u32 $0x380, s0;
	[sflag:s28] =	ssyncset.done $0x0  }
0x243: {  	s0 =	sor.u32 s0, s1;
	[sflag:s28] =	ssyncadd.s32 $0xFFFF8000  }
0x244: {  	v5 =	vld [tilespmem:s0+$0x8000];
	_ =	sdelay $0x4  }
0x245: {  	v5 =	vmul.f32 v5, v4  }
0x246: {  	v6 =	vld [tilespmem:s0+$0x8030]  }
0x247: {  	v5 =	vadd.f32 v5, v3  }
0x248: {  	v8 =	vld [tilespmem:s0+$0x8050]  }
0x249: {  	v7 =	vld [tilespmem:s0+$0x8040];
	v5 =	vand.u32 $0x7FFF80, v5  }
0x24a: {  	v9 =	vld [tilespmem:s0+$0x8020];
	v5 =	vor.u32 v1, v5  }
0x24b: {  	v10 =	vld [tilespmem:s0+$0x8010];
	v6 =	vmul.f32 v6, v4  }
0x24c: {  	v11 =	vld [tilespmem:s0+$0x8060]  }
0x24d: {  	s22 =	simm.s32 $0x400;
	s1 =	simm.s32 $0x4;
	v8 =	vmul.f32 v8, v4;
	v6 =	vadd.f32 v6, v3  }
0x24e: {  	s29 =	sand.u32 $0x7C00, s22;
	s1 =	sand.u32 $0x380, s1;
	v12 =	vld [tilespmem:s0+$0x8070];
	v7 =	vmul.f32 v7, v4  }
0x24f: {  	s0 =	sor.u32 s1, s29;
	v9 =	vmul.f32 v9, v4;
	v8 =	vadd.f32 v8, v3;
	v6 =	vand.u32 $0x7FFF80, v6;
	[tilespmem:v5+s26+$0x0] =	vst.idx.add.f32.msk $0xffff, v2  }
0x250: {  	v10 =	vmul.f32 v10, v4;
	v6 =	vor.u32 v1, v6;
	v5 =	vadd.f32 v7, v3;
	v7 =	vld [tilespmem:s0+$0x8000]  }
0x251: {  	v13 =	vld [tilespmem:s0+$0x8010];
	v11 =	vmul.f32 v11, v4;
	v9 =	vadd.f32 v9, v3;
	v8 =	vand.u32 $0x7FFF80, v8  }
0x252: {  	v14 =	vld [tilespmem:s0+$0x8020];
	v10 =	vadd.f32 v10, v3;
	v8 =	vor.u32 v1, v8;
	v5 =	vand.u32 $0x7FFF80, v5  }
0x253: {  	v15 =	vld [tilespmem:s0+$0x8030];
	v12 =	vmul.f32 v12, v4;
	v9 =	vand.u32 $0x7FFF80, v9;
	v5 =	vor.u32 v1, v5  }
0x254: {  	v16 =	vld [tilespmem:s0+$0x8040];
	v11 =	vadd.f32 v11, v3;
	v10 =	vand.u32 $0x7FFF80, v10;
	v9 =	vor.u32 v1, v9  }
0x255: {  	v17 =	vor.u32 v1, v10;
	[tilespmem:v6+s26+$0x0] =	vst.idx.add.f32.msk $0xffff, v2;
	v7 =	vmul.f32 v7, v4  }
0x256: {  	v6 =	vadd.f32 v12, v3;
	v12 =	vld [tilespmem:s0+$0x8050]  }
0x257: {  	v13 =	vmul.f32 v13, v4;
	v11 =	vand.u32 $0x7FFF80, v11;
	[tilespmem:v8+s26+$0x0] =	vst.idx.add.f32.msk $0xffff, v2;
	v7 =	vadd.f32 v7, v3  }
0x258: {  	v14 =	vmul.f32 v14, v4;
	v8 =	vand.u32 $0x7FFF80, v6;
	[tilespmem:v5+s26+$0x0] =	vst.idx.add.f32.msk $0xffff, v2;
	v5 =	vor.u32 v1, v11  }
0x259: {  	[tilespmem:v9+s26+$0x0] =	vst.idx.add.f32.msk $0xffff, v2;
	v9 =	vor.u32 v1, v8;
	v11 =	vmul.f32 v15, v4;
	v7 =	vand.u32 $0x7FFF80, v7  }
0x25a: {  	v63 =	vadd.f32 v13, v3;
	[tilespmem:v17+s26+$0x0] =	vst.idx.add.f32.msk $0xffff, v2;
	v8 =	vor.u32 v1, v7  }
0x25b: {  	v14 =	vadd.f32 v14, v3;
	v15 =	vadd.f32 v11, v3;
	v11 =	vld [tilespmem:s0+$0x8070]  }
0x25c: {  	v10 =	vmul.f32 v16, v4;
	v6 =	vld [tilespmem:s0+$0x8060];
	v12 =	vmul.f32 v12, v4  }
0x25d: {  	s31 =	simm.s32 $0x8;
	s1 =	simm.s32 $0x800;
	v7 =	vand.u32 $0x7FFF80, v14;
	s0 =	simm.s32 $0x8;
	v13 =	vand.u32 $0x7FFF80, v15;
	[tilespmem:v5+s26+$0x0] =	vst.idx.add.f32.msk $0xffff, v2;
	v5 =	vand.u32 $0x7FFF80, v63  }
.LBB2_22:
0x25e: {  	s22 =	sand.u32 $0x7C00, s1;
	s29 =	sand.u32 $0x380, s0;
	s31 =	sadd.s32 $0x8, s31;
	[tilespmem:v9+s26+$0x0] =	vst.idx.add.f32.msk $0xffff, v2  }
0x25f: {  	s22 =	sor.u32 s29, s22;
	p0 =	slt.u32 s31, $0x7F8;
	[tilespmem:v8+s26+$0x0] =	vst.idx.add.f32.msk $0xffff, v2;
	v8 =	vadd.f32 v10, v3  }
0x260: {  	v12 =	vadd.f32 v12, v3;
	v10 =	vor.u32 v1, v13;
	v9 =	vld [tilespmem:s22+$0x8000];
	v11 =	vmul.f32 v11, v4  }
0x261: {  	v13 =	vld [tilespmem:s22+$0x8010];
	v8 =	vand.u32 $0x7FFF80, v8  }
0x262: {  	v6 =	vmul.f32 v6, v4;
	v12 =	vand.u32 $0x7FFF80, v12;
	v14 =	vld [tilespmem:s22+$0x8020];
	v8 =	vor.u32 v1, v8  }
0x263: {  	v12 =	vor.u32 v1, v12;
	v11 =	vadd.f32 v11, v3;
	v15 =	vld [tilespmem:s22+$0x8030]  }
0x264: {  	v6 =	vadd.f32 v6, v3;
	v16 =	vld [tilespmem:s22+$0x8040]  }
0x265: {  	v7 =	vor.u32 v1, v7;
	v11 =	vand.u32 $0x7FFF80, v11;
	v9 =	vmul.f32 v9, v4;
	[tilespmem:v10+s26+$0x0] =	vst.idx.add.f32.msk $0xffff, v2  }
0x266: {  	v18 =	vor.u32 v1, v5;
	v5 =	vand.u32 $0x7FFF80, v6;
	v13 =	vmul.f32 v13, v4;
	v17 =	vld [tilespmem:s22+$0x8050]  }
0x267: {  	v5 =	vor.u32 v1, v5;
	v6 =	vadd.f32 v9, v3;
	[tilespmem:v8+s26+$0x0] =	vst.idx.add.f32.msk $0xffff, v2  }
0x268: {  	v14 =	vmul.f32 v14, v4;
	v15 =	vmul.f32 v15, v4;
	[tilespmem:v12+s26+$0x0] =	vst.idx.add.f32.msk $0xffff, v2  }
.Ltmp10:
0x269: {  	v9 =	vor.u32 v1, v11;
	v8 =	vand.u32 $0x7FFF80, v6;
	v10 =	vmul.f32 v16, v4;
	v6 =	vld [tilespmem:s22+$0x8060];
	(pc) =	sbr.rel @p0 .LBB2_22-.Ltmp10, $4  }
0x26a: {  	v8 =	vor.u32 v1, v8;
	v15 =	vadd.f32 v15, v3;
	[tilespmem:v7+s26+$0x0] =	vst.idx.add.f32.msk $0xffff, v2  }
0x26b: {  	v14 =	vadd.f32 v14, v3;
	v7 =	vadd.f32 v13, v3;
	v12 =	vmul.f32 v17, v4;
	v11 =	vld [tilespmem:s22+$0x8070]  }
0x26c: {  	v13 =	vand.u32 $0x7FFF80, v15;
	[tilespmem:v5+s26+$0x0] =	vst.idx.add.f32.msk $0xffff, v2  }
0x26d: {  	s0 =	sadd.s32 $0x4, s0;
	s1 =	sadd.s32 $0x400, s1;
	v5 =	vand.u32 $0x7FFF80, v7;
	v7 =	vand.u32 $0x7FFF80, v14;
	[tilespmem:v18+s26+$0x0] =	vst.idx.add.f32.msk $0xffff, v2  }
0x26e: {  	_ = 	snop  }
0x26f: {  	v10 =	vadd.f32 v10, v3;
	v6 =	vmul.f32 v6, v4;
	v13 =	vor.u32 v1, v13  }
0x270: {  	v12 =	vadd.f32 v12, v3;
	v7 =	vor.u32 v1, v7;
	v11 =	vmul.f32 v11, v4  }
0x271: {  	v5 =	vor.u32 v1, v5;
	v10 =	vand.u32 $0x7FFF80, v10;
	v6 =	vadd.f32 v6, v3  }
0x272: {  	[tilespmem:v9+s26+$0x0] =	vst.idx.add.f32.msk $0xffff, v2;
	v12 =	vand.u32 $0x7FFF80, v12;
	v10 =	vor.u32 v1, v10;
	v9 =	vadd.f32 v11, v3  }
0x273: {  	[tilespmem:v8+s26+$0x0] =	vst.idx.add.f32.msk $0xffff, v2;
	v12 =	vor.u32 v1, v12;
	v6 =	vand.u32 $0x7FFF80, v6  }
0x274: {  	v6 =	vor.u32 v1, v6;
	[tilespmem:v13+s26+$0x0] =	vst.idx.add.f32.msk $0xffff, v2;
	v8 =	vand.u32 $0x7FFF80, v9  }
0x275: {  	[tilespmem:v7+s26+$0x0] =	vst.idx.add.f32.msk $0xffff, v2;
	v8 =	vor.u32 v1, v8  }
0x276: {  	[tilespmem:v5+s26+$0x0] =	vst.idx.add.f32.msk $0xffff, v2  }
0x277: {  	[tilespmem:v10+s26+$0x0] =	vst.idx.add.f32.msk $0xffff, v2  }
0x278: {  	[tilespmem:v12+s26+$0x0] =	vst.idx.add.f32.msk $0xffff, v2  }
0x279: {  	[tilespmem:v6+s26+$0x0] =	vst.idx.add.f32.msk $0xffff, v2  }
0x27a: {  	s0 =	simm.s32 $0x0;
	[tilespmem:v8+s26+$0x0] =	vst.idx.add.f32.msk $0xffff, v2  }
0x27b: {  	[tilespmem:s24], [sflag:$0x2] =	stream.linear.gather [hbm4b:s15+s0], $0x8000, $0x38;
	[tilespmem:$0x13680] =	vst v63  }
0x27c: {  	_ =	swait.ge [sflag:s25], $0x8000  }
0x27d: {  	s1 =	sand.u32 $0x7C00, s0;
	s0 =	sand.u32 $0x380, s0;
	[sflag:s25] =	ssyncset.done $0x0  }
0x27e: {  	s0 =	sor.u32 s0, s1;
	[sflag:s25] =	ssyncadd.s32 $0xFFFF8000  }
0x27f: {  	v5 =	vld [tilespmem:s0+$0x0];
	_ =	sdelay $0x4  }
0x280: {  	v5 =	vmul.f32 v5, v4  }
0x281: {  	v6 =	vld [tilespmem:s0+$0x30]  }
0x282: {  	v5 =	vadd.f32 v5, v3  }
0x283: {  	v8 =	vld [tilespmem:s0+$0x50]  }
0x284: {  	v7 =	vld [tilespmem:s0+$0x40];
	v5 =	vand.u32 $0x7FFF80, v5  }
0x285: {  	v9 =	vld [tilespmem:s0+$0x20];
	v5 =	vor.u32 v1, v5  }
0x286: {  	v10 =	vld [tilespmem:s0+$0x10];
	v6 =	vmul.f32 v6, v4  }
0x287: {  	v11 =	vld [tilespmem:s0+$0x60]  }
0x288: {  	s22 =	simm.s32 $0x400;
	s1 =	simm.s32 $0x4;
	v8 =	vmul.f32 v8, v4;
	v6 =	vadd.f32 v6, v3  }
0x289: {  	s29 =	sand.u32 $0x7C00, s22;
	s1 =	sand.u32 $0x380, s1;
	v12 =	vld [tilespmem:s0+$0x70];
	v7 =	vmul.f32 v7, v4  }
0x28a: {  	s0 =	sor.u32 s1, s29;
	v9 =	vmul.f32 v9, v4;
	v8 =	vadd.f32 v8, v3;
	v6 =	vand.u32 $0x7FFF80, v6;
	[tilespmem:v5+s26+$0x0] =	vst.idx.add.f32.msk $0xffff, v2  }
0x28b: {  	v10 =	vmul.f32 v10, v4;
	v6 =	vor.u32 v1, v6;
	v5 =	vadd.f32 v7, v3;
	v7 =	vld [tilespmem:s0+$0x0]  }
0x28c: {  	v13 =	vld [tilespmem:s0+$0x10];
	v11 =	vmul.f32 v11, v4;
	v9 =	vadd.f32 v9, v3;
	v8 =	vand.u32 $0x7FFF80, v8  }
0x28d: {  	v14 =	vld [tilespmem:s0+$0x20];
	v10 =	vadd.f32 v10, v3;
	v8 =	vor.u32 v1, v8;
	v5 =	vand.u32 $0x7FFF80, v5  }
0x28e: {  	v15 =	vld [tilespmem:s0+$0x30];
	v12 =	vmul.f32 v12, v4;
	v9 =	vand.u32 $0x7FFF80, v9;
	v5 =	vor.u32 v1, v5  }
0x28f: {  	v16 =	vld [tilespmem:s0+$0x40];
	v11 =	vadd.f32 v11, v3;
	v10 =	vand.u32 $0x7FFF80, v10;
	v9 =	vor.u32 v1, v9  }
0x290: {  	v17 =	vor.u32 v1, v10;
	[tilespmem:v6+s26+$0x0] =	vst.idx.add.f32.msk $0xffff, v2;
	v7 =	vmul.f32 v7, v4  }
0x291: {  	v6 =	vadd.f32 v12, v3;
	v12 =	vld [tilespmem:s0+$0x50]  }
0x292: {  	v13 =	vmul.f32 v13, v4;
	v11 =	vand.u32 $0x7FFF80, v11;
	[tilespmem:v8+s26+$0x0] =	vst.idx.add.f32.msk $0xffff, v2;
	v7 =	vadd.f32 v7, v3  }
0x293: {  	v14 =	vmul.f32 v14, v4;
	v8 =	vand.u32 $0x7FFF80, v6;
	[tilespmem:v5+s26+$0x0] =	vst.idx.add.f32.msk $0xffff, v2;
	v5 =	vor.u32 v1, v11  }
0x294: {  	[tilespmem:v9+s26+$0x0] =	vst.idx.add.f32.msk $0xffff, v2;
	v9 =	vor.u32 v1, v8;
	v11 =	vmul.f32 v15, v4;
	v7 =	vand.u32 $0x7FFF80, v7  }
0x295: {  	v63 =	vadd.f32 v13, v3;
	[tilespmem:v17+s26+$0x0] =	vst.idx.add.f32.msk $0xffff, v2;
	v8 =	vor.u32 v1, v7  }
0x296: {  	v14 =	vadd.f32 v14, v3;
	v15 =	vadd.f32 v11, v3;
	v11 =	vld [tilespmem:s0+$0x70]  }
0x297: {  	v10 =	vmul.f32 v16, v4;
	v6 =	vld [tilespmem:s0+$0x60];
	v12 =	vmul.f32 v12, v4  }
0x298: {  	s31 =	simm.s32 $0x8;
	s1 =	simm.s32 $0x800;
	v7 =	vand.u32 $0x7FFF80, v14;
	s0 =	simm.s32 $0x8;
	v13 =	vand.u32 $0x7FFF80, v15;
	[tilespmem:v5+s26+$0x0] =	vst.idx.add.f32.msk $0xffff, v2;
	v5 =	vand.u32 $0x7FFF80, v63  }
.LBB2_24:
0x299: {  	s22 =	sand.u32 $0x7C00, s1;
	s29 =	sand.u32 $0x380, s0;
	s31 =	sadd.s32 $0x8, s31;
	[tilespmem:v9+s26+$0x0] =	vst.idx.add.f32.msk $0xffff, v2  }
0x29a: {  	s22 =	sor.u32 s29, s22;
	p0 =	slt.u32 s31, $0x7F8;
	[tilespmem:v8+s26+$0x0] =	vst.idx.add.f32.msk $0xffff, v2;
	v8 =	vadd.f32 v10, v3  }
0x29b: {  	v12 =	vadd.f32 v12, v3;
	v10 =	vor.u32 v1, v13;
	v9 =	vld [tilespmem:s22+$0x0];
	v11 =	vmul.f32 v11, v4  }
0x29c: {  	v13 =	vld [tilespmem:s22+$0x10];
	v8 =	vand.u32 $0x7FFF80, v8  }
0x29d: {  	v6 =	vmul.f32 v6, v4;
	v12 =	vand.u32 $0x7FFF80, v12;
	v14 =	vld [tilespmem:s22+$0x20];
	v8 =	vor.u32 v1, v8  }
0x29e: {  	v12 =	vor.u32 v1, v12;
	v11 =	vadd.f32 v11, v3;
	v15 =	vld [tilespmem:s22+$0x30]  }
0x29f: {  	v6 =	vadd.f32 v6, v3;
	v16 =	vld [tilespmem:s22+$0x40]  }
0x2a0: {  	v7 =	vor.u32 v1, v7;
	v11 =	vand.u32 $0x7FFF80, v11;
	v9 =	vmul.f32 v9, v4;
	[tilespmem:v10+s26+$0x0] =	vst.idx.add.f32.msk $0xffff, v2  }
0x2a1: {  	v18 =	vor.u32 v1, v5;
	v5 =	vand.u32 $0x7FFF80, v6;
	v13 =	vmul.f32 v13, v4;
	v17 =	vld [tilespmem:s22+$0x50]  }
0x2a2: {  	v5 =	vor.u32 v1, v5;
	v6 =	vadd.f32 v9, v3;
	[tilespmem:v8+s26+$0x0] =	vst.idx.add.f32.msk $0xffff, v2  }
0x2a3: {  	v14 =	vmul.f32 v14, v4;
	v15 =	vmul.f32 v15, v4;
	[tilespmem:v12+s26+$0x0] =	vst.idx.add.f32.msk $0xffff, v2  }
.Ltmp11:
0x2a4: {  	v9 =	vor.u32 v1, v11;
	v8 =	vand.u32 $0x7FFF80, v6;
	v10 =	vmul.f32 v16, v4;
	v6 =	vld [tilespmem:s22+$0x60];
	(pc) =	sbr.rel @p0 .LBB2_24-.Ltmp11, $4  }
0x2a5: {  	v8 =	vor.u32 v1, v8;
	v15 =	vadd.f32 v15, v3;
	[tilespmem:v7+s26+$0x0] =	vst.idx.add.f32.msk $0xffff, v2  }
0x2a6: {  	v14 =	vadd.f32 v14, v3;
	v7 =	vadd.f32 v13, v3;
	v12 =	vmul.f32 v17, v4;
	v11 =	vld [tilespmem:s22+$0x70]  }
0x2a7: {  	v13 =	vand.u32 $0x7FFF80, v15;
	[tilespmem:v5+s26+$0x0] =	vst.idx.add.f32.msk $0xffff, v2  }
0x2a8: {  	s0 =	sadd.s32 $0x4, s0;
	s1 =	sadd.s32 $0x400, s1;
	v5 =	vand.u32 $0x7FFF80, v7;
	v7 =	vand.u32 $0x7FFF80, v14;
	[tilespmem:v18+s26+$0x0] =	vst.idx.add.f32.msk $0xffff, v2  }
0x2a9: {  	_ = 	snop  }
0x2aa: {  	v10 =	vadd.f32 v10, v3;
	v6 =	vmul.f32 v6, v4;
	v13 =	vor.u32 v1, v13  }
0x2ab: {  	v12 =	vadd.f32 v12, v3;
	v7 =	vor.u32 v1, v7;
	v11 =	vmul.f32 v11, v4  }
0x2ac: {  	v5 =	vor.u32 v1, v5;
	v10 =	vand.u32 $0x7FFF80, v10;
	v6 =	vadd.f32 v6, v3  }
0x2ad: {  	[tilespmem:v9+s26+$0x0] =	vst.idx.add.f32.msk $0xffff, v2;
	v12 =	vand.u32 $0x7FFF80, v12;
	v10 =	vor.u32 v1, v10;
	v9 =	vadd.f32 v11, v3  }
0x2ae: {  	[tilespmem:v8+s26+$0x0] =	vst.idx.add.f32.msk $0xffff, v2;
	v12 =	vor.u32 v1, v12;
	v6 =	vand.u32 $0x7FFF80, v6  }
0x2af: {  	v6 =	vor.u32 v1, v6;
	[tilespmem:v13+s26+$0x0] =	vst.idx.add.f32.msk $0xffff, v2;
	v8 =	vand.u32 $0x7FFF80, v9  }
0x2b0: {  	[tilespmem:v7+s26+$0x0] =	vst.idx.add.f32.msk $0xffff, v2;
	v8 =	vor.u32 v1, v8  }
0x2b1: {  	[tilespmem:v5+s26+$0x0] =	vst.idx.add.f32.msk $0xffff, v2  }
0x2b2: {  	[tilespmem:v10+s26+$0x0] =	vst.idx.add.f32.msk $0xffff, v2  }
0x2b3: {  	[tilespmem:v12+s26+$0x0] =	vst.idx.add.f32.msk $0xffff, v2  }
0x2b4: {  	[tilespmem:v6+s26+$0x0] =	vst.idx.add.f32.msk $0xffff, v2  }
0x2b5: {  	s0 =	simm.s32 $0x0;
	[tilespmem:v8+s26+$0x0] =	vst.idx.add.f32.msk $0xffff, v2  }
0x2b6: {  	[tilespmem:s0], [sflag:$0x1] =	stream.linear.gather [hbm4b:s16+s0], $0x8000, $0x38;
	[tilespmem:$0x13680] =	vst v63  }
0x2b7: {  	_ =	swait.ge [sflag:s28], $0x8000  }
0x2b8: {  	s1 =	sand.u32 $0x7C00, s0;
	s0 =	sand.u32 $0x380, s0;
	[sflag:s28] =	ssyncset.done $0x0  }
0x2b9: {  	s0 =	sor.u32 s0, s1;
	[sflag:s28] =	ssyncadd.s32 $0xFFFF8000  }
0x2ba: {  	v5 =	vld [tilespmem:s0+$0x8000];
	_ =	sdelay $0x4  }
0x2bb: {  	v5 =	vmul.f32 v5, v4  }
0x2bc: {  	v6 =	vld [tilespmem:s0+$0x8030]  }
0x2bd: {  	v5 =	vadd.f32 v5, v3  }
0x2be: {  	v8 =	vld [tilespmem:s0+$0x8050]  }
0x2bf: {  	v7 =	vld [tilespmem:s0+$0x8040];
	v5 =	vand.u32 $0x7FFF80, v5  }
0x2c0: {  	v9 =	vld [tilespmem:s0+$0x8020];
	v5 =	vor.u32 v1, v5  }
0x2c1: {  	v10 =	vld [tilespmem:s0+$0x8010];
	v6 =	vmul.f32 v6, v4  }
0x2c2: {  	v11 =	vld [tilespmem:s0+$0x8060]  }
0x2c3: {  	s22 =	simm.s32 $0x400;
	s1 =	simm.s32 $0x4;
	v8 =	vmul.f32 v8, v4;
	v6 =	vadd.f32 v6, v3  }
0x2c4: {  	s29 =	sand.u32 $0x7C00, s22;
	s1 =	sand.u32 $0x380, s1;
	v12 =	vld [tilespmem:s0+$0x8070];
	v7 =	vmul.f32 v7, v4  }
0x2c5: {  	s0 =	sor.u32 s1, s29;
	v9 =	vmul.f32 v9, v4;
	v8 =	vadd.f32 v8, v3;
	v6 =	vand.u32 $0x7FFF80, v6;
	[tilespmem:v5+s26+$0x0] =	vst.idx.add.f32.msk $0xffff, v2  }
0x2c6: {  	v10 =	vmul.f32 v10, v4;
	v6 =	vor.u32 v1, v6;
	v5 =	vadd.f32 v7, v3;
	v7 =	vld [tilespmem:s0+$0x8000]  }
0x2c7: {  	v13 =	vld [tilespmem:s0+$0x8010];
	v11 =	vmul.f32 v11, v4;
	v9 =	vadd.f32 v9, v3;
	v8 =	vand.u32 $0x7FFF80, v8  }
0x2c8: {  	v14 =	vld [tilespmem:s0+$0x8020];
	v10 =	vadd.f32 v10, v3;
	v8 =	vor.u32 v1, v8;
	v5 =	vand.u32 $0x7FFF80, v5  }
0x2c9: {  	v15 =	vld [tilespmem:s0+$0x8030];
	v12 =	vmul.f32 v12, v4;
	v9 =	vand.u32 $0x7FFF80, v9;
	v5 =	vor.u32 v1, v5  }
0x2ca: {  	v16 =	vld [tilespmem:s0+$0x8040];
	v11 =	vadd.f32 v11, v3;
	v10 =	vand.u32 $0x7FFF80, v10;
	v9 =	vor.u32 v1, v9  }
0x2cb: {  	v17 =	vor.u32 v1, v10;
	[tilespmem:v6+s26+$0x0] =	vst.idx.add.f32.msk $0xffff, v2;
	v7 =	vmul.f32 v7, v4  }
0x2cc: {  	v6 =	vadd.f32 v12, v3;
	v12 =	vld [tilespmem:s0+$0x8050]  }
0x2cd: {  	v13 =	vmul.f32 v13, v4;
	v11 =	vand.u32 $0x7FFF80, v11;
	[tilespmem:v8+s26+$0x0] =	vst.idx.add.f32.msk $0xffff, v2;
	v7 =	vadd.f32 v7, v3  }
0x2ce: {  	v14 =	vmul.f32 v14, v4;
	v8 =	vand.u32 $0x7FFF80, v6;
	[tilespmem:v5+s26+$0x0] =	vst.idx.add.f32.msk $0xffff, v2;
	v5 =	vor.u32 v1, v11  }
0x2cf: {  	[tilespmem:v9+s26+$0x0] =	vst.idx.add.f32.msk $0xffff, v2;
	v9 =	vor.u32 v1, v8;
	v11 =	vmul.f32 v15, v4;
	v7 =	vand.u32 $0x7FFF80, v7  }
0x2d0: {  	v63 =	vadd.f32 v13, v3;
	[tilespmem:v17+s26+$0x0] =	vst.idx.add.f32.msk $0xffff, v2;
	v8 =	vor.u32 v1, v7  }
0x2d1: {  	v14 =	vadd.f32 v14, v3;
	v15 =	vadd.f32 v11, v3;
	v11 =	vld [tilespmem:s0+$0x8070]  }
0x2d2: {  	v10 =	vmul.f32 v16, v4;
	v6 =	vld [tilespmem:s0+$0x8060];
	v12 =	vmul.f32 v12, v4  }
0x2d3: {  	s31 =	simm.s32 $0x8;
	s1 =	simm.s32 $0x800;
	v7 =	vand.u32 $0x7FFF80, v14;
	s0 =	simm.s32 $0x8;
	v13 =	vand.u32 $0x7FFF80, v15;
	[tilespmem:v5+s26+$0x0] =	vst.idx.add.f32.msk $0xffff, v2;
	v5 =	vand.u32 $0x7FFF80, v63  }
.LBB2_26:
0x2d4: {  	s22 =	sand.u32 $0x7C00, s1;
	s29 =	sand.u32 $0x380, s0;
	s31 =	sadd.s32 $0x8, s31;
	[tilespmem:v9+s26+$0x0] =	vst.idx.add.f32.msk $0xffff, v2  }
0x2d5: {  	s22 =	sor.u32 s29, s22;
	p0 =	slt.u32 s31, $0x7F8;
	[tilespmem:v8+s26+$0x0] =	vst.idx.add.f32.msk $0xffff, v2;
	v8 =	vadd.f32 v10, v3  }
0x2d6: {  	v12 =	vadd.f32 v12, v3;
	v10 =	vor.u32 v1, v13;
	v9 =	vld [tilespmem:s22+$0x8000];
	v11 =	vmul.f32 v11, v4  }
0x2d7: {  	v13 =	vld [tilespmem:s22+$0x8010];
	v8 =	vand.u32 $0x7FFF80, v8  }
0x2d8: {  	v6 =	vmul.f32 v6, v4;
	v12 =	vand.u32 $0x7FFF80, v12;
	v14 =	vld [tilespmem:s22+$0x8020];
	v8 =	vor.u32 v1, v8  }
0x2d9: {  	v12 =	vor.u32 v1, v12;
	v11 =	vadd.f32 v11, v3;
	v15 =	vld [tilespmem:s22+$0x8030]  }
0x2da: {  	v6 =	vadd.f32 v6, v3;
	v16 =	vld [tilespmem:s22+$0x8040]  }
0x2db: {  	v7 =	vor.u32 v1, v7;
	v11 =	vand.u32 $0x7FFF80, v11;
	v9 =	vmul.f32 v9, v4;
	[tilespmem:v10+s26+$0x0] =	vst.idx.add.f32.msk $0xffff, v2  }
0x2dc: {  	v18 =	vor.u32 v1, v5;
	v5 =	vand.u32 $0x7FFF80, v6;
	v13 =	vmul.f32 v13, v4;
	v17 =	vld [tilespmem:s22+$0x8050]  }
0x2dd: {  	v5 =	vor.u32 v1, v5;
	v6 =	vadd.f32 v9, v3;
	[tilespmem:v8+s26+$0x0] =	vst.idx.add.f32.msk $0xffff, v2  }
0x2de: {  	v14 =	vmul.f32 v14, v4;
	v15 =	vmul.f32 v15, v4;
	[tilespmem:v12+s26+$0x0] =	vst.idx.add.f32.msk $0xffff, v2  }
.Ltmp12:
0x2df: {  	v9 =	vor.u32 v1, v11;
	v8 =	vand.u32 $0x7FFF80, v6;
	v10 =	vmul.f32 v16, v4;
	v6 =	vld [tilespmem:s22+$0x8060];
	(pc) =	sbr.rel @p0 .LBB2_26-.Ltmp12, $4  }
0x2e0: {  	v8 =	vor.u32 v1, v8;
	v15 =	vadd.f32 v15, v3;
	[tilespmem:v7+s26+$0x0] =	vst.idx.add.f32.msk $0xffff, v2  }
0x2e1: {  	v14 =	vadd.f32 v14, v3;
	v7 =	vadd.f32 v13, v3;
	v12 =	vmul.f32 v17, v4;
	v11 =	vld [tilespmem:s22+$0x8070]  }
0x2e2: {  	v13 =	vand.u32 $0x7FFF80, v15;
	[tilespmem:v5+s26+$0x0] =	vst.idx.add.f32.msk $0xffff, v2  }
0x2e3: {  	s0 =	sadd.s32 $0x4, s0;
	s1 =	sadd.s32 $0x400, s1;
	v5 =	vand.u32 $0x7FFF80, v7;
	v7 =	vand.u32 $0x7FFF80, v14;
	[tilespmem:v18+s26+$0x0] =	vst.idx.add.f32.msk $0xffff, v2  }
0x2e4: {  	_ = 	snop  }
0x2e5: {  	v10 =	vadd.f32 v10, v3;
	v6 =	vmul.f32 v6, v4;
	v13 =	vor.u32 v1, v13  }
0x2e6: {  	v12 =	vadd.f32 v12, v3;
	v7 =	vor.u32 v1, v7;
	v11 =	vmul.f32 v11, v4  }
0x2e7: {  	v5 =	vor.u32 v1, v5;
	v10 =	vand.u32 $0x7FFF80, v10;
	v6 =	vadd.f32 v6, v3  }
0x2e8: {  	[tilespmem:v9+s26+$0x0] =	vst.idx.add.f32.msk $0xffff, v2;
	v12 =	vand.u32 $0x7FFF80, v12;
	v10 =	vor.u32 v1, v10;
	v9 =	vadd.f32 v11, v3  }
0x2e9: {  	[tilespmem:v8+s26+$0x0] =	vst.idx.add.f32.msk $0xffff, v2;
	v12 =	vor.u32 v1, v12;
	v6 =	vand.u32 $0x7FFF80, v6  }
0x2ea: {  	v6 =	vor.u32 v1, v6;
	[tilespmem:v13+s26+$0x0] =	vst.idx.add.f32.msk $0xffff, v2;
	v8 =	vand.u32 $0x7FFF80, v9  }
0x2eb: {  	[tilespmem:v7+s26+$0x0] =	vst.idx.add.f32.msk $0xffff, v2;
	v8 =	vor.u32 v1, v8  }
0x2ec: {  	[tilespmem:v5+s26+$0x0] =	vst.idx.add.f32.msk $0xffff, v2  }
0x2ed: {  	[tilespmem:v10+s26+$0x0] =	vst.idx.add.f32.msk $0xffff, v2  }
0x2ee: {  	[tilespmem:v12+s26+$0x0] =	vst.idx.add.f32.msk $0xffff, v2  }
0x2ef: {  	[tilespmem:v6+s26+$0x0] =	vst.idx.add.f32.msk $0xffff, v2  }
0x2f0: {  	s0 =	simm.s32 $0x0;
	[tilespmem:v8+s26+$0x0] =	vst.idx.add.f32.msk $0xffff, v2  }
0x2f1: {  	[tilespmem:s24], [sflag:$0x2] =	stream.linear.gather [hbm4b:s17+s0], $0x8000, $0x38;
	[tilespmem:$0x13680] =	vst v63  }
0x2f2: {  	_ =	swait.ge [sflag:s25], $0x8000  }
0x2f3: {  	s1 =	sand.u32 $0x7C00, s0;
	s0 =	sand.u32 $0x380, s0;
	[sflag:s25] =	ssyncset.done $0x0  }
0x2f4: {  	s0 =	sor.u32 s0, s1;
	[sflag:s25] =	ssyncadd.s32 $0xFFFF8000  }
0x2f5: {  	v5 =	vld [tilespmem:s0+$0x0];
	_ =	sdelay $0x4  }
0x2f6: {  	v5 =	vmul.f32 v5, v4  }
0x2f7: {  	v6 =	vld [tilespmem:s0+$0x30]  }
0x2f8: {  	v5 =	vadd.f32 v5, v3  }
0x2f9: {  	v8 =	vld [tilespmem:s0+$0x50]  }
0x2fa: {  	v7 =	vld [tilespmem:s0+$0x40];
	v5 =	vand.u32 $0x7FFF80, v5  }
0x2fb: {  	v9 =	vld [tilespmem:s0+$0x20];
	v5 =	vor.u32 v1, v5  }
0x2fc: {  	v10 =	vld [tilespmem:s0+$0x10];
	v6 =	vmul.f32 v6, v4  }
0x2fd: {  	v11 =	vld [tilespmem:s0+$0x60]  }
0x2fe: {  	s22 =	simm.s32 $0x400;
	s1 =	simm.s32 $0x4;
	v8 =	vmul.f32 v8, v4;
	v6 =	vadd.f32 v6, v3  }
0x2ff: {  	s29 =	sand.u32 $0x7C00, s22;
	s1 =	sand.u32 $0x380, s1;
	v12 =	vld [tilespmem:s0+$0x70];
	v7 =	vmul.f32 v7, v4  }
0x300: {  	s0 =	sor.u32 s1, s29;
	v9 =	vmul.f32 v9, v4;
	v8 =	vadd.f32 v8, v3;
	v6 =	vand.u32 $0x7FFF80, v6;
	[tilespmem:v5+s26+$0x0] =	vst.idx.add.f32.msk $0xffff, v2  }
0x301: {  	v10 =	vmul.f32 v10, v4;
	v6 =	vor.u32 v1, v6;
	v5 =	vadd.f32 v7, v3;
	v7 =	vld [tilespmem:s0+$0x0]  }
0x302: {  	v13 =	vld [tilespmem:s0+$0x10];
	v11 =	vmul.f32 v11, v4;
	v9 =	vadd.f32 v9, v3;
	v8 =	vand.u32 $0x7FFF80, v8  }
0x303: {  	v14 =	vld [tilespmem:s0+$0x20];
	v10 =	vadd.f32 v10, v3;
	v8 =	vor.u32 v1, v8;
	v5 =	vand.u32 $0x7FFF80, v5  }
0x304: {  	v15 =	vld [tilespmem:s0+$0x30];
	v12 =	vmul.f32 v12, v4;
	v9 =	vand.u32 $0x7FFF80, v9;
	v5 =	vor.u32 v1, v5  }
0x305: {  	v16 =	vld [tilespmem:s0+$0x40];
	v11 =	vadd.f32 v11, v3;
	v10 =	vand.u32 $0x7FFF80, v10;
	v9 =	vor.u32 v1, v9  }
0x306: {  	v17 =	vor.u32 v1, v10;
	[tilespmem:v6+s26+$0x0] =	vst.idx.add.f32.msk $0xffff, v2;
	v7 =	vmul.f32 v7, v4  }
0x307: {  	v6 =	vadd.f32 v12, v3;
	v12 =	vld [tilespmem:s0+$0x50]  }
0x308: {  	v13 =	vmul.f32 v13, v4;
	v11 =	vand.u32 $0x7FFF80, v11;
	[tilespmem:v8+s26+$0x0] =	vst.idx.add.f32.msk $0xffff, v2;
	v7 =	vadd.f32 v7, v3  }
0x309: {  	v14 =	vmul.f32 v14, v4;
	v8 =	vand.u32 $0x7FFF80, v6;
	[tilespmem:v5+s26+$0x0] =	vst.idx.add.f32.msk $0xffff, v2;
	v5 =	vor.u32 v1, v11  }
0x30a: {  	[tilespmem:v9+s26+$0x0] =	vst.idx.add.f32.msk $0xffff, v2;
	v9 =	vor.u32 v1, v8;
	v11 =	vmul.f32 v15, v4;
	v7 =	vand.u32 $0x7FFF80, v7  }
0x30b: {  	v63 =	vadd.f32 v13, v3;
	[tilespmem:v17+s26+$0x0] =	vst.idx.add.f32.msk $0xffff, v2;
	v8 =	vor.u32 v1, v7  }
0x30c: {  	v14 =	vadd.f32 v14, v3;
	v15 =	vadd.f32 v11, v3;
	v11 =	vld [tilespmem:s0+$0x70]  }
0x30d: {  	v10 =	vmul.f32 v16, v4;
	v6 =	vld [tilespmem:s0+$0x60];
	v12 =	vmul.f32 v12, v4  }
0x30e: {  	s31 =	simm.s32 $0x8;
	s1 =	simm.s32 $0x800;
	v7 =	vand.u32 $0x7FFF80, v14;
	s0 =	simm.s32 $0x8;
	v13 =	vand.u32 $0x7FFF80, v15;
	[tilespmem:v5+s26+$0x0] =	vst.idx.add.f32.msk $0xffff, v2;
	v5 =	vand.u32 $0x7FFF80, v63  }
.LBB2_28:
0x30f: {  	s22 =	sand.u32 $0x7C00, s1;
	s29 =	sand.u32 $0x380, s0;
	s31 =	sadd.s32 $0x8, s31;
	[tilespmem:v9+s26+$0x0] =	vst.idx.add.f32.msk $0xffff, v2  }
0x310: {  	s22 =	sor.u32 s29, s22;
	p0 =	slt.u32 s31, $0x7F8;
	[tilespmem:v8+s26+$0x0] =	vst.idx.add.f32.msk $0xffff, v2;
	v8 =	vadd.f32 v10, v3  }
0x311: {  	v12 =	vadd.f32 v12, v3;
	v10 =	vor.u32 v1, v13;
	v9 =	vld [tilespmem:s22+$0x0];
	v11 =	vmul.f32 v11, v4  }
0x312: {  	v13 =	vld [tilespmem:s22+$0x10];
	v8 =	vand.u32 $0x7FFF80, v8  }
0x313: {  	v6 =	vmul.f32 v6, v4;
	v12 =	vand.u32 $0x7FFF80, v12;
	v14 =	vld [tilespmem:s22+$0x20];
	v8 =	vor.u32 v1, v8  }
0x314: {  	v12 =	vor.u32 v1, v12;
	v11 =	vadd.f32 v11, v3;
	v15 =	vld [tilespmem:s22+$0x30]  }
0x315: {  	v6 =	vadd.f32 v6, v3;
	v16 =	vld [tilespmem:s22+$0x40]  }
0x316: {  	v7 =	vor.u32 v1, v7;
	v11 =	vand.u32 $0x7FFF80, v11;
	v9 =	vmul.f32 v9, v4;
	[tilespmem:v10+s26+$0x0] =	vst.idx.add.f32.msk $0xffff, v2  }
0x317: {  	v18 =	vor.u32 v1, v5;
	v5 =	vand.u32 $0x7FFF80, v6;
	v13 =	vmul.f32 v13, v4;
	v17 =	vld [tilespmem:s22+$0x50]  }
0x318: {  	v5 =	vor.u32 v1, v5;
	v6 =	vadd.f32 v9, v3;
	[tilespmem:v8+s26+$0x0] =	vst.idx.add.f32.msk $0xffff, v2  }
0x319: {  	v14 =	vmul.f32 v14, v4;
	v15 =	vmul.f32 v15, v4;
	[tilespmem:v12+s26+$0x0] =	vst.idx.add.f32.msk $0xffff, v2  }
.Ltmp13:
0x31a: {  	v9 =	vor.u32 v1, v11;
	v8 =	vand.u32 $0x7FFF80, v6;
	v10 =	vmul.f32 v16, v4;
	v6 =	vld [tilespmem:s22+$0x60];
	(pc) =	sbr.rel @p0 .LBB2_28-.Ltmp13, $4  }
0x31b: {  	v8 =	vor.u32 v1, v8;
	v15 =	vadd.f32 v15, v3;
	[tilespmem:v7+s26+$0x0] =	vst.idx.add.f32.msk $0xffff, v2  }
0x31c: {  	v14 =	vadd.f32 v14, v3;
	v7 =	vadd.f32 v13, v3;
	v12 =	vmul.f32 v17, v4;
	v11 =	vld [tilespmem:s22+$0x70]  }
0x31d: {  	v13 =	vand.u32 $0x7FFF80, v15;
	[tilespmem:v5+s26+$0x0] =	vst.idx.add.f32.msk $0xffff, v2  }
0x31e: {  	s0 =	sadd.s32 $0x4, s0;
	s1 =	sadd.s32 $0x400, s1;
	v5 =	vand.u32 $0x7FFF80, v7;
	v7 =	vand.u32 $0x7FFF80, v14;
	[tilespmem:v18+s26+$0x0] =	vst.idx.add.f32.msk $0xffff, v2  }
0x31f: {  	_ = 	snop  }
0x320: {  	v10 =	vadd.f32 v10, v3;
	v6 =	vmul.f32 v6, v4;
	v13 =	vor.u32 v1, v13  }
0x321: {  	v12 =	vadd.f32 v12, v3;
	v7 =	vor.u32 v1, v7;
	v11 =	vmul.f32 v11, v4  }
0x322: {  	v5 =	vor.u32 v1, v5;
	v10 =	vand.u32 $0x7FFF80, v10;
	v6 =	vadd.f32 v6, v3  }
0x323: {  	[tilespmem:v9+s26+$0x0] =	vst.idx.add.f32.msk $0xffff, v2;
	v12 =	vand.u32 $0x7FFF80, v12;
	v10 =	vor.u32 v1, v10;
	v9 =	vadd.f32 v11, v3  }
0x324: {  	[tilespmem:v8+s26+$0x0] =	vst.idx.add.f32.msk $0xffff, v2;
	v12 =	vor.u32 v1, v12;
	v6 =	vand.u32 $0x7FFF80, v6  }
0x325: {  	v6 =	vor.u32 v1, v6;
	[tilespmem:v13+s26+$0x0] =	vst.idx.add.f32.msk $0xffff, v2;
	v8 =	vand.u32 $0x7FFF80, v9  }
0x326: {  	[tilespmem:v7+s26+$0x0] =	vst.idx.add.f32.msk $0xffff, v2;
	v8 =	vor.u32 v1, v8  }
0x327: {  	[tilespmem:v5+s26+$0x0] =	vst.idx.add.f32.msk $0xffff, v2  }
0x328: {  	[tilespmem:v10+s26+$0x0] =	vst.idx.add.f32.msk $0xffff, v2  }
0x329: {  	[tilespmem:v12+s26+$0x0] =	vst.idx.add.f32.msk $0xffff, v2  }
0x32a: {  	[tilespmem:v6+s26+$0x0] =	vst.idx.add.f32.msk $0xffff, v2  }
0x32b: {  	s0 =	simm.s32 $0x0;
	[tilespmem:v8+s26+$0x0] =	vst.idx.add.f32.msk $0xffff, v2  }
0x32c: {  	[tilespmem:s0], [sflag:$0x1] =	stream.linear.gather [hbm4b:s18+s0], $0x8000, $0x38;
	[tilespmem:$0x13680] =	vst v63  }
0x32d: {  	_ =	swait.ge [sflag:s28], $0x8000  }
0x32e: {  	s1 =	sand.u32 $0x7C00, s0;
	s0 =	sand.u32 $0x380, s0;
	[sflag:s28] =	ssyncset.done $0x0  }
0x32f: {  	s0 =	sor.u32 s0, s1;
	[sflag:s28] =	ssyncadd.s32 $0xFFFF8000  }
0x330: {  	v5 =	vld [tilespmem:s0+$0x8000];
	_ =	sdelay $0x4  }
0x331: {  	v5 =	vmul.f32 v5, v4  }
0x332: {  	v6 =	vld [tilespmem:s0+$0x8030]  }
0x333: {  	v5 =	vadd.f32 v5, v3  }
0x334: {  	v8 =	vld [tilespmem:s0+$0x8050]  }
0x335: {  	v7 =	vld [tilespmem:s0+$0x8040];
	v5 =	vand.u32 $0x7FFF80, v5  }
0x336: {  	v9 =	vld [tilespmem:s0+$0x8020];
	v5 =	vor.u32 v1, v5  }
0x337: {  	v10 =	vld [tilespmem:s0+$0x8010];
	v6 =	vmul.f32 v6, v4  }
0x338: {  	v11 =	vld [tilespmem:s0+$0x8060]  }
0x339: {  	s22 =	simm.s32 $0x400;
	s1 =	simm.s32 $0x4;
	v8 =	vmul.f32 v8, v4;
	v6 =	vadd.f32 v6, v3  }
0x33a: {  	s29 =	sand.u32 $0x7C00, s22;
	s1 =	sand.u32 $0x380, s1;
	v12 =	vld [tilespmem:s0+$0x8070];
	v7 =	vmul.f32 v7, v4  }
0x33b: {  	s0 =	sor.u32 s1, s29;
	v9 =	vmul.f32 v9, v4;
	v8 =	vadd.f32 v8, v3;
	v6 =	vand.u32 $0x7FFF80, v6;
	[tilespmem:v5+s26+$0x0] =	vst.idx.add.f32.msk $0xffff, v2  }
0x33c: {  	v10 =	vmul.f32 v10, v4;
	v6 =	vor.u32 v1, v6;
	v5 =	vadd.f32 v7, v3;
	v7 =	vld [tilespmem:s0+$0x8000]  }
0x33d: {  	v13 =	vld [tilespmem:s0+$0x8010];
	v11 =	vmul.f32 v11, v4;
	v9 =	vadd.f32 v9, v3;
	v8 =	vand.u32 $0x7FFF80, v8  }
0x33e: {  	v14 =	vld [tilespmem:s0+$0x8020];
	v10 =	vadd.f32 v10, v3;
	v8 =	vor.u32 v1, v8;
	v5 =	vand.u32 $0x7FFF80, v5  }
0x33f: {  	v15 =	vld [tilespmem:s0+$0x8030];
	v12 =	vmul.f32 v12, v4;
	v9 =	vand.u32 $0x7FFF80, v9;
	v5 =	vor.u32 v1, v5  }
0x340: {  	v16 =	vld [tilespmem:s0+$0x8040];
	v11 =	vadd.f32 v11, v3;
	v10 =	vand.u32 $0x7FFF80, v10;
	v9 =	vor.u32 v1, v9  }
0x341: {  	v17 =	vor.u32 v1, v10;
	[tilespmem:v6+s26+$0x0] =	vst.idx.add.f32.msk $0xffff, v2;
	v7 =	vmul.f32 v7, v4  }
0x342: {  	v6 =	vadd.f32 v12, v3;
	v12 =	vld [tilespmem:s0+$0x8050]  }
0x343: {  	v13 =	vmul.f32 v13, v4;
	v11 =	vand.u32 $0x7FFF80, v11;
	[tilespmem:v8+s26+$0x0] =	vst.idx.add.f32.msk $0xffff, v2;
	v7 =	vadd.f32 v7, v3  }
0x344: {  	v14 =	vmul.f32 v14, v4;
	v8 =	vand.u32 $0x7FFF80, v6;
	[tilespmem:v5+s26+$0x0] =	vst.idx.add.f32.msk $0xffff, v2;
	v5 =	vor.u32 v1, v11  }
0x345: {  	[tilespmem:v9+s26+$0x0] =	vst.idx.add.f32.msk $0xffff, v2;
	v9 =	vor.u32 v1, v8;
	v11 =	vmul.f32 v15, v4;
	v7 =	vand.u32 $0x7FFF80, v7  }
0x346: {  	v63 =	vadd.f32 v13, v3;
	[tilespmem:v17+s26+$0x0] =	vst.idx.add.f32.msk $0xffff, v2;
	v8 =	vor.u32 v1, v7  }
0x347: {  	v14 =	vadd.f32 v14, v3;
	v15 =	vadd.f32 v11, v3;
	v11 =	vld [tilespmem:s0+$0x8070]  }
0x348: {  	v10 =	vmul.f32 v16, v4;
	v6 =	vld [tilespmem:s0+$0x8060];
	v12 =	vmul.f32 v12, v4  }
0x349: {  	s31 =	simm.s32 $0x8;
	s1 =	simm.s32 $0x800;
	v7 =	vand.u32 $0x7FFF80, v14;
	s0 =	simm.s32 $0x8;
	v13 =	vand.u32 $0x7FFF80, v15;
	[tilespmem:v5+s26+$0x0] =	vst.idx.add.f32.msk $0xffff, v2;
	v5 =	vand.u32 $0x7FFF80, v63  }
.LBB2_30:
0x34a: {  	s22 =	sand.u32 $0x7C00, s1;
	s29 =	sand.u32 $0x380, s0;
	s31 =	sadd.s32 $0x8, s31;
	[tilespmem:v9+s26+$0x0] =	vst.idx.add.f32.msk $0xffff, v2  }
0x34b: {  	s22 =	sor.u32 s29, s22;
	p0 =	slt.u32 s31, $0x7F8;
	[tilespmem:v8+s26+$0x0] =	vst.idx.add.f32.msk $0xffff, v2;
	v8 =	vadd.f32 v10, v3  }
0x34c: {  	v12 =	vadd.f32 v12, v3;
	v10 =	vor.u32 v1, v13;
	v9 =	vld [tilespmem:s22+$0x8000];
	v11 =	vmul.f32 v11, v4  }
0x34d: {  	v13 =	vld [tilespmem:s22+$0x8010];
	v8 =	vand.u32 $0x7FFF80, v8  }
0x34e: {  	v6 =	vmul.f32 v6, v4;
	v12 =	vand.u32 $0x7FFF80, v12;
	v14 =	vld [tilespmem:s22+$0x8020];
	v8 =	vor.u32 v1, v8  }
0x34f: {  	v12 =	vor.u32 v1, v12;
	v11 =	vadd.f32 v11, v3;
	v15 =	vld [tilespmem:s22+$0x8030]  }
0x350: {  	v6 =	vadd.f32 v6, v3;
	v16 =	vld [tilespmem:s22+$0x8040]  }
0x351: {  	v7 =	vor.u32 v1, v7;
	v11 =	vand.u32 $0x7FFF80, v11;
	v9 =	vmul.f32 v9, v4;
	[tilespmem:v10+s26+$0x0] =	vst.idx.add.f32.msk $0xffff, v2  }
0x352: {  	v18 =	vor.u32 v1, v5;
	v5 =	vand.u32 $0x7FFF80, v6;
	v13 =	vmul.f32 v13, v4;
	v17 =	vld [tilespmem:s22+$0x8050]  }
0x353: {  	v5 =	vor.u32 v1, v5;
	v6 =	vadd.f32 v9, v3;
	[tilespmem:v8+s26+$0x0] =	vst.idx.add.f32.msk $0xffff, v2  }
0x354: {  	v14 =	vmul.f32 v14, v4;
	v15 =	vmul.f32 v15, v4;
	[tilespmem:v12+s26+$0x0] =	vst.idx.add.f32.msk $0xffff, v2  }
.Ltmp14:
0x355: {  	v9 =	vor.u32 v1, v11;
	v8 =	vand.u32 $0x7FFF80, v6;
	v10 =	vmul.f32 v16, v4;
	v6 =	vld [tilespmem:s22+$0x8060];
	(pc) =	sbr.rel @p0 .LBB2_30-.Ltmp14, $4  }
0x356: {  	v8 =	vor.u32 v1, v8;
	v15 =	vadd.f32 v15, v3;
	[tilespmem:v7+s26+$0x0] =	vst.idx.add.f32.msk $0xffff, v2  }
0x357: {  	v14 =	vadd.f32 v14, v3;
	v7 =	vadd.f32 v13, v3;
	v12 =	vmul.f32 v17, v4;
	v11 =	vld [tilespmem:s22+$0x8070]  }
0x358: {  	v13 =	vand.u32 $0x7FFF80, v15;
	[tilespmem:v5+s26+$0x0] =	vst.idx.add.f32.msk $0xffff, v2  }
0x359: {  	s0 =	sadd.s32 $0x4, s0;
	s1 =	sadd.s32 $0x400, s1;
	v5 =	vand.u32 $0x7FFF80, v7;
	v7 =	vand.u32 $0x7FFF80, v14;
	[tilespmem:v18+s26+$0x0] =	vst.idx.add.f32.msk $0xffff, v2  }
0x35a: {  	_ = 	snop  }
0x35b: {  	v10 =	vadd.f32 v10, v3;
	v6 =	vmul.f32 v6, v4;
	v13 =	vor.u32 v1, v13  }
0x35c: {  	v12 =	vadd.f32 v12, v3;
	v7 =	vor.u32 v1, v7;
	v11 =	vmul.f32 v11, v4  }
0x35d: {  	v5 =	vor.u32 v1, v5;
	v10 =	vand.u32 $0x7FFF80, v10;
	v6 =	vadd.f32 v6, v3  }
0x35e: {  	[tilespmem:v9+s26+$0x0] =	vst.idx.add.f32.msk $0xffff, v2;
	v12 =	vand.u32 $0x7FFF80, v12;
	v10 =	vor.u32 v1, v10;
	v9 =	vadd.f32 v11, v3  }
0x35f: {  	[tilespmem:v8+s26+$0x0] =	vst.idx.add.f32.msk $0xffff, v2;
	v12 =	vor.u32 v1, v12;
	v6 =	vand.u32 $0x7FFF80, v6  }
0x360: {  	v6 =	vor.u32 v1, v6;
	[tilespmem:v13+s26+$0x0] =	vst.idx.add.f32.msk $0xffff, v2;
	v8 =	vand.u32 $0x7FFF80, v9  }
0x361: {  	[tilespmem:v7+s26+$0x0] =	vst.idx.add.f32.msk $0xffff, v2;
	v8 =	vor.u32 v1, v8  }
0x362: {  	[tilespmem:v5+s26+$0x0] =	vst.idx.add.f32.msk $0xffff, v2  }
0x363: {  	[tilespmem:v10+s26+$0x0] =	vst.idx.add.f32.msk $0xffff, v2  }
0x364: {  	[tilespmem:v12+s26+$0x0] =	vst.idx.add.f32.msk $0xffff, v2  }
0x365: {  	[tilespmem:v6+s26+$0x0] =	vst.idx.add.f32.msk $0xffff, v2  }
0x366: {  	s0 =	simm.s32 $0x0;
	[tilespmem:v8+s26+$0x0] =	vst.idx.add.f32.msk $0xffff, v2  }
0x367: {  	[tilespmem:s24], [sflag:$0x2] =	stream.linear.gather [hbm4b:s19+s0], $0x8000, $0x38;
	[tilespmem:$0x13680] =	vst v63  }
0x368: {  	_ =	swait.ge [sflag:s25], $0x8000  }
0x369: {  	s1 =	sand.u32 $0x7C00, s0;
	s0 =	sand.u32 $0x380, s0;
	[sflag:s25] =	ssyncset.done $0x0  }
0x36a: {  	s0 =	sor.u32 s0, s1;
	[sflag:s25] =	ssyncadd.s32 $0xFFFF8000  }
0x36b: {  	v5 =	vld [tilespmem:s0+$0x0];
	_ =	sdelay $0x4  }
0x36c: {  	v5 =	vmul.f32 v5, v4  }
0x36d: {  	v6 =	vld [tilespmem:s0+$0x30]  }
0x36e: {  	v5 =	vadd.f32 v5, v3  }
0x36f: {  	v8 =	vld [tilespmem:s0+$0x50]  }
0x370: {  	v7 =	vld [tilespmem:s0+$0x40];
	v5 =	vand.u32 $0x7FFF80, v5  }
0x371: {  	v9 =	vld [tilespmem:s0+$0x20];
	v5 =	vor.u32 v1, v5  }
0x372: {  	v10 =	vld [tilespmem:s0+$0x10];
	v6 =	vmul.f32 v6, v4  }
0x373: {  	v11 =	vld [tilespmem:s0+$0x60]  }
0x374: {  	s22 =	simm.s32 $0x400;
	s1 =	simm.s32 $0x4;
	v8 =	vmul.f32 v8, v4;
	v6 =	vadd.f32 v6, v3  }
0x375: {  	s29 =	sand.u32 $0x7C00, s22;
	s1 =	sand.u32 $0x380, s1;
	v12 =	vld [tilespmem:s0+$0x70];
	v7 =	vmul.f32 v7, v4  }
0x376: {  	s0 =	sor.u32 s1, s29;
	v9 =	vmul.f32 v9, v4;
	v8 =	vadd.f32 v8, v3;
	v6 =	vand.u32 $0x7FFF80, v6;
	[tilespmem:v5+s26+$0x0] =	vst.idx.add.f32.msk $0xffff, v2  }
0x377: {  	v10 =	vmul.f32 v10, v4;
	v6 =	vor.u32 v1, v6;
	v5 =	vadd.f32 v7, v3;
	v7 =	vld [tilespmem:s0+$0x0]  }
0x378: {  	v13 =	vld [tilespmem:s0+$0x10];
	v11 =	vmul.f32 v11, v4;
	v9 =	vadd.f32 v9, v3;
	v8 =	vand.u32 $0x7FFF80, v8  }
0x379: {  	v14 =	vld [tilespmem:s0+$0x20];
	v10 =	vadd.f32 v10, v3;
	v8 =	vor.u32 v1, v8;
	v5 =	vand.u32 $0x7FFF80, v5  }
0x37a: {  	v15 =	vld [tilespmem:s0+$0x30];
	v12 =	vmul.f32 v12, v4;
	v9 =	vand.u32 $0x7FFF80, v9;
	v5 =	vor.u32 v1, v5  }
0x37b: {  	v16 =	vld [tilespmem:s0+$0x40];
	v11 =	vadd.f32 v11, v3;
	v10 =	vand.u32 $0x7FFF80, v10;
	v9 =	vor.u32 v1, v9  }
0x37c: {  	v17 =	vor.u32 v1, v10;
	[tilespmem:v6+s26+$0x0] =	vst.idx.add.f32.msk $0xffff, v2;
	v7 =	vmul.f32 v7, v4  }
0x37d: {  	v6 =	vadd.f32 v12, v3;
	v12 =	vld [tilespmem:s0+$0x50]  }
0x37e: {  	v13 =	vmul.f32 v13, v4;
	v11 =	vand.u32 $0x7FFF80, v11;
	[tilespmem:v8+s26+$0x0] =	vst.idx.add.f32.msk $0xffff, v2;
	v7 =	vadd.f32 v7, v3  }
0x37f: {  	v14 =	vmul.f32 v14, v4;
	v8 =	vand.u32 $0x7FFF80, v6;
	[tilespmem:v5+s26+$0x0] =	vst.idx.add.f32.msk $0xffff, v2;
	v5 =	vor.u32 v1, v11  }
0x380: {  	[tilespmem:v9+s26+$0x0] =	vst.idx.add.f32.msk $0xffff, v2;
	v9 =	vor.u32 v1, v8;
	v11 =	vmul.f32 v15, v4;
	v7 =	vand.u32 $0x7FFF80, v7  }
0x381: {  	v63 =	vadd.f32 v13, v3;
	[tilespmem:v17+s26+$0x0] =	vst.idx.add.f32.msk $0xffff, v2;
	v8 =	vor.u32 v1, v7  }
0x382: {  	v14 =	vadd.f32 v14, v3;
	v15 =	vadd.f32 v11, v3;
	v11 =	vld [tilespmem:s0+$0x70]  }
0x383: {  	v10 =	vmul.f32 v16, v4;
	v6 =	vld [tilespmem:s0+$0x60];
	v12 =	vmul.f32 v12, v4  }
0x384: {  	s31 =	simm.s32 $0x8;
	s1 =	simm.s32 $0x800;
	v7 =	vand.u32 $0x7FFF80, v14;
	s0 =	simm.s32 $0x8;
	v13 =	vand.u32 $0x7FFF80, v15;
	[tilespmem:v5+s26+$0x0] =	vst.idx.add.f32.msk $0xffff, v2;
	v5 =	vand.u32 $0x7FFF80, v63  }
.LBB2_32:
0x385: {  	s22 =	sand.u32 $0x7C00, s1;
	s29 =	sand.u32 $0x380, s0;
	s31 =	sadd.s32 $0x8, s31;
	[tilespmem:v9+s26+$0x0] =	vst.idx.add.f32.msk $0xffff, v2  }
0x386: {  	s22 =	sor.u32 s29, s22;
	p0 =	slt.u32 s31, $0x7F8;
	[tilespmem:v8+s26+$0x0] =	vst.idx.add.f32.msk $0xffff, v2;
	v8 =	vadd.f32 v10, v3  }
0x387: {  	v12 =	vadd.f32 v12, v3;
	v10 =	vor.u32 v1, v13;
	v9 =	vld [tilespmem:s22+$0x0];
	v11 =	vmul.f32 v11, v4  }
0x388: {  	v13 =	vld [tilespmem:s22+$0x10];
	v8 =	vand.u32 $0x7FFF80, v8  }
0x389: {  	v6 =	vmul.f32 v6, v4;
	v12 =	vand.u32 $0x7FFF80, v12;
	v14 =	vld [tilespmem:s22+$0x20];
	v8 =	vor.u32 v1, v8  }
0x38a: {  	v12 =	vor.u32 v1, v12;
	v11 =	vadd.f32 v11, v3;
	v15 =	vld [tilespmem:s22+$0x30]  }
0x38b: {  	v6 =	vadd.f32 v6, v3;
	v16 =	vld [tilespmem:s22+$0x40]  }
0x38c: {  	v7 =	vor.u32 v1, v7;
	v11 =	vand.u32 $0x7FFF80, v11;
	v9 =	vmul.f32 v9, v4;
	[tilespmem:v10+s26+$0x0] =	vst.idx.add.f32.msk $0xffff, v2  }
0x38d: {  	v18 =	vor.u32 v1, v5;
	v5 =	vand.u32 $0x7FFF80, v6;
	v13 =	vmul.f32 v13, v4;
	v17 =	vld [tilespmem:s22+$0x50]  }
0x38e: {  	v5 =	vor.u32 v1, v5;
	v6 =	vadd.f32 v9, v3;
	[tilespmem:v8+s26+$0x0] =	vst.idx.add.f32.msk $0xffff, v2  }
0x38f: {  	v14 =	vmul.f32 v14, v4;
	v15 =	vmul.f32 v15, v4;
	[tilespmem:v12+s26+$0x0] =	vst.idx.add.f32.msk $0xffff, v2  }
.Ltmp15:
0x390: {  	v9 =	vor.u32 v1, v11;
	v8 =	vand.u32 $0x7FFF80, v6;
	v10 =	vmul.f32 v16, v4;
	v6 =	vld [tilespmem:s22+$0x60];
	(pc) =	sbr.rel @p0 .LBB2_32-.Ltmp15, $4  }
0x391: {  	v8 =	vor.u32 v1, v8;
	v15 =	vadd.f32 v15, v3;
	[tilespmem:v7+s26+$0x0] =	vst.idx.add.f32.msk $0xffff, v2  }
0x392: {  	v14 =	vadd.f32 v14, v3;
	v7 =	vadd.f32 v13, v3;
	v12 =	vmul.f32 v17, v4;
	v11 =	vld [tilespmem:s22+$0x70]  }
0x393: {  	v13 =	vand.u32 $0x7FFF80, v15;
	[tilespmem:v5+s26+$0x0] =	vst.idx.add.f32.msk $0xffff, v2  }
0x394: {  	s0 =	sadd.s32 $0x4, s0;
	s1 =	sadd.s32 $0x400, s1;
	v5 =	vand.u32 $0x7FFF80, v7;
	v7 =	vand.u32 $0x7FFF80, v14;
	[tilespmem:v18+s26+$0x0] =	vst.idx.add.f32.msk $0xffff, v2  }
0x395: {  	_ = 	snop  }
0x396: {  	v10 =	vadd.f32 v10, v3;
	v6 =	vmul.f32 v6, v4;
	v13 =	vor.u32 v1, v13  }
0x397: {  	v12 =	vadd.f32 v12, v3;
	v7 =	vor.u32 v1, v7;
	v11 =	vmul.f32 v11, v4  }
0x398: {  	v5 =	vor.u32 v1, v5;
	v10 =	vand.u32 $0x7FFF80, v10;
	v6 =	vadd.f32 v6, v3  }
0x399: {  	[tilespmem:v9+s26+$0x0] =	vst.idx.add.f32.msk $0xffff, v2;
	v12 =	vand.u32 $0x7FFF80, v12;
	v10 =	vor.u32 v1, v10;
	v9 =	vadd.f32 v11, v3  }
0x39a: {  	[tilespmem:v8+s26+$0x0] =	vst.idx.add.f32.msk $0xffff, v2;
	v12 =	vor.u32 v1, v12;
	v6 =	vand.u32 $0x7FFF80, v6  }
0x39b: {  	v6 =	vor.u32 v1, v6;
	[tilespmem:v13+s26+$0x0] =	vst.idx.add.f32.msk $0xffff, v2;
	v8 =	vand.u32 $0x7FFF80, v9  }
0x39c: {  	[tilespmem:v7+s26+$0x0] =	vst.idx.add.f32.msk $0xffff, v2;
	v8 =	vor.u32 v1, v8  }
0x39d: {  	[tilespmem:v5+s26+$0x0] =	vst.idx.add.f32.msk $0xffff, v2  }
0x39e: {  	[tilespmem:v10+s26+$0x0] =	vst.idx.add.f32.msk $0xffff, v2  }
0x39f: {  	[tilespmem:v12+s26+$0x0] =	vst.idx.add.f32.msk $0xffff, v2  }
0x3a0: {  	[tilespmem:v6+s26+$0x0] =	vst.idx.add.f32.msk $0xffff, v2  }
0x3a1: {  	[tilespmem:v8+s26+$0x0] =	vst.idx.add.f32.msk $0xffff, v2  }
0x3a2: {  	s0 =	simm.s32 $0x0;
	_ =	swait.ge [sflag:s28], $0x8000  }
0x3a3: {  	s1 =	sand.u32 $0x7C00, s0;
	s0 =	sand.u32 $0x380, s0;
	[sflag:s28] =	ssyncset.done $0x0  }
0x3a4: {  	s0 =	sor.u32 s0, s1;
	[sflag:s28] =	ssyncadd.s32 $0xFFFF8000  }
0x3a5: {  	v5 =	vld [tilespmem:s0+$0x8000];
	_ =	sdelay $0x4  }
0x3a6: {  	v5 =	vmul.f32 v5, v4  }
0x3a7: {  	v6 =	vld [tilespmem:s0+$0x8030]  }
0x3a8: {  	v5 =	vadd.f32 v5, v3  }
0x3a9: {  	v8 =	vld [tilespmem:s0+$0x8050]  }
0x3aa: {  	v7 =	vld [tilespmem:s0+$0x8040];
	v5 =	vand.u32 $0x7FFF80, v5  }
0x3ab: {  	v9 =	vld [tilespmem:s0+$0x8020];
	v5 =	vor.u32 v1, v5  }
0x3ac: {  	v10 =	vld [tilespmem:s0+$0x8010];
	v6 =	vmul.f32 v6, v4  }
0x3ad: {  	v11 =	vld [tilespmem:s0+$0x8060]  }
0x3ae: {  	s22 =	simm.s32 $0x400;
	s1 =	simm.s32 $0x4;
	v8 =	vmul.f32 v8, v4;
	v6 =	vadd.f32 v6, v3  }
0x3af: {  	s29 =	sand.u32 $0x7C00, s22;
	s1 =	sand.u32 $0x380, s1;
	v12 =	vld [tilespmem:s0+$0x8070];
	v7 =	vmul.f32 v7, v4  }
0x3b0: {  	s0 =	sor.u32 s1, s29;
	v9 =	vmul.f32 v9, v4;
	v8 =	vadd.f32 v8, v3;
	v6 =	vand.u32 $0x7FFF80, v6;
	[tilespmem:v5+s26+$0x0] =	vst.idx.add.f32.msk $0xffff, v2  }
0x3b1: {  	v10 =	vmul.f32 v10, v4;
	v6 =	vor.u32 v1, v6;
	v5 =	vadd.f32 v7, v3;
	v7 =	vld [tilespmem:s0+$0x8000]  }
0x3b2: {  	v13 =	vld [tilespmem:s0+$0x8010];
	v11 =	vmul.f32 v11, v4;
	v9 =	vadd.f32 v9, v3;
	v8 =	vand.u32 $0x7FFF80, v8  }
0x3b3: {  	v14 =	vld [tilespmem:s0+$0x8020];
	v10 =	vadd.f32 v10, v3;
	v8 =	vor.u32 v1, v8;
	v5 =	vand.u32 $0x7FFF80, v5  }
0x3b4: {  	v15 =	vld [tilespmem:s0+$0x8030];
	v12 =	vmul.f32 v12, v4;
	v9 =	vand.u32 $0x7FFF80, v9;
	v5 =	vor.u32 v1, v5  }
0x3b5: {  	v16 =	vld [tilespmem:s0+$0x8040];
	v11 =	vadd.f32 v11, v3;
	v10 =	vand.u32 $0x7FFF80, v10;
	v9 =	vor.u32 v1, v9  }
0x3b6: {  	v17 =	vor.u32 v1, v10;
	[tilespmem:v6+s26+$0x0] =	vst.idx.add.f32.msk $0xffff, v2;
	v7 =	vmul.f32 v7, v4  }
0x3b7: {  	v6 =	vadd.f32 v12, v3;
	v12 =	vld [tilespmem:s0+$0x8050]  }
0x3b8: {  	v13 =	vmul.f32 v13, v4;
	v11 =	vand.u32 $0x7FFF80, v11;
	[tilespmem:v8+s26+$0x0] =	vst.idx.add.f32.msk $0xffff, v2;
	v7 =	vadd.f32 v7, v3  }
0x3b9: {  	v14 =	vmul.f32 v14, v4;
	v8 =	vand.u32 $0x7FFF80, v6;
	[tilespmem:v5+s26+$0x0] =	vst.idx.add.f32.msk $0xffff, v2;
	v5 =	vor.u32 v1, v11  }
0x3ba: {  	[tilespmem:v9+s26+$0x0] =	vst.idx.add.f32.msk $0xffff, v2;
	v9 =	vor.u32 v1, v8;
	v11 =	vmul.f32 v15, v4;
	v7 =	vand.u32 $0x7FFF80, v7  }
0x3bb: {  	v63 =	vadd.f32 v13, v3;
	[tilespmem:v17+s26+$0x0] =	vst.idx.add.f32.msk $0xffff, v2;
	v8 =	vor.u32 v1, v7  }
0x3bc: {  	v14 =	vadd.f32 v14, v3;
	v15 =	vadd.f32 v11, v3;
	v11 =	vld [tilespmem:s0+$0x8070]  }
0x3bd: {  	v10 =	vmul.f32 v16, v4;
	v6 =	vld [tilespmem:s0+$0x8060];
	v12 =	vmul.f32 v12, v4  }
0x3be: {  	s31 =	simm.s32 $0x8;
	s1 =	simm.s32 $0x800;
	v7 =	vand.u32 $0x7FFF80, v14;
	s0 =	simm.s32 $0x8;
	v13 =	vand.u32 $0x7FFF80, v15;
	[tilespmem:v5+s26+$0x0] =	vst.idx.add.f32.msk $0xffff, v2;
	v5 =	vand.u32 $0x7FFF80, v63  }
.LBB2_34:
0x3bf: {  	s22 =	sand.u32 $0x7C00, s1;
	s29 =	sand.u32 $0x380, s0;
	s31 =	sadd.s32 $0x8, s31;
	[tilespmem:v9+s26+$0x0] =	vst.idx.add.f32.msk $0xffff, v2  }
0x3c0: {  	s22 =	sor.u32 s29, s22;
	p0 =	slt.u32 s31, $0x7F8;
	[tilespmem:v8+s26+$0x0] =	vst.idx.add.f32.msk $0xffff, v2;
	v8 =	vadd.f32 v10, v3  }
0x3c1: {  	v12 =	vadd.f32 v12, v3;
	v10 =	vor.u32 v1, v13;
	v9 =	vld [tilespmem:s22+$0x8000];
	v11 =	vmul.f32 v11, v4  }
0x3c2: {  	v13 =	vld [tilespmem:s22+$0x8010];
	v8 =	vand.u32 $0x7FFF80, v8  }
0x3c3: {  	v6 =	vmul.f32 v6, v4;
	v12 =	vand.u32 $0x7FFF80, v12;
	v14 =	vld [tilespmem:s22+$0x8020];
	v8 =	vor.u32 v1, v8  }
0x3c4: {  	v12 =	vor.u32 v1, v12;
	v11 =	vadd.f32 v11, v3;
	v15 =	vld [tilespmem:s22+$0x8030]  }
0x3c5: {  	v6 =	vadd.f32 v6, v3;
	v16 =	vld [tilespmem:s22+$0x8040]  }
0x3c6: {  	v7 =	vor.u32 v1, v7;
	v11 =	vand.u32 $0x7FFF80, v11;
	v9 =	vmul.f32 v9, v4;
	[tilespmem:v10+s26+$0x0] =	vst.idx.add.f32.msk $0xffff, v2  }
0x3c7: {  	v18 =	vor.u32 v1, v5;
	v5 =	vand.u32 $0x7FFF80, v6;
	v13 =	vmul.f32 v13, v4;
	v17 =	vld [tilespmem:s22+$0x8050]  }
0x3c8: {  	v5 =	vor.u32 v1, v5;
	v6 =	vadd.f32 v9, v3;
	[tilespmem:v8+s26+$0x0] =	vst.idx.add.f32.msk $0xffff, v2  }
0x3c9: {  	v14 =	vmul.f32 v14, v4;
	v15 =	vmul.f32 v15, v4;
	[tilespmem:v12+s26+$0x0] =	vst.idx.add.f32.msk $0xffff, v2  }
.Ltmp16:
0x3ca: {  	v9 =	vor.u32 v1, v11;
	v8 =	vand.u32 $0x7FFF80, v6;
	v10 =	vmul.f32 v16, v4;
	v6 =	vld [tilespmem:s22+$0x8060];
	(pc) =	sbr.rel @p0 .LBB2_34-.Ltmp16, $4  }
0x3cb: {  	v8 =	vor.u32 v1, v8;
	v15 =	vadd.f32 v15, v3;
	[tilespmem:v7+s26+$0x0] =	vst.idx.add.f32.msk $0xffff, v2  }
0x3cc: {  	v14 =	vadd.f32 v14, v3;
	v7 =	vadd.f32 v13, v3;
	v12 =	vmul.f32 v17, v4;
	v11 =	vld [tilespmem:s22+$0x8070]  }
0x3cd: {  	v13 =	vand.u32 $0x7FFF80, v15;
	[tilespmem:v5+s26+$0x0] =	vst.idx.add.f32.msk $0xffff, v2  }
0x3ce: {  	s0 =	sadd.s32 $0x4, s0;
	s1 =	sadd.s32 $0x400, s1;
	v5 =	vand.u32 $0x7FFF80, v7;
	v7 =	vand.u32 $0x7FFF80, v14;
	[tilespmem:v18+s26+$0x0] =	vst.idx.add.f32.msk $0xffff, v2  }
0x3cf: {  	_ = 	snop  }
0x3d0: {  	v10 =	vadd.f32 v10, v3;
	v6 =	vmul.f32 v6, v4;
	v13 =	vor.u32 v1, v13  }
0x3d1: {  	v12 =	vadd.f32 v12, v3;
	v25 =	vor.u32 v1, v7;
	v23 =	vmul.f32 v11, v4  }
0x3d2: {  	v5 =	vor.u32 v1, v5;
	v10 =	vand.u32 $0x7FFF80, v10;
	v6 =	vadd.f32 v6, v3  }
0x3d3: {  	[tilespmem:v9+s26+$0x0] =	vst.idx.add.f32.msk $0xffff, v2;
	v24 =	vand.u32 $0x7FFF80, v12;
	v10 =	vor.u32 v1, v10;
	v3 =	vadd.f32 v23, v3  }
0x3d4: {  	[tilespmem:v8+s26+$0x0] =	vst.idx.add.f32.msk $0xffff, v2;
	v11 =	vor.u32 v1, v24;
	v6 =	vand.u32 $0x7FFF80, v6  }
0x3d5: {  	v6 =	vor.u32 v1, v6;
	[tilespmem:v13+s26+$0x0] =	vst.idx.add.f32.msk $0xffff, v2;
	v3 =	vand.u32 $0x7FFF80, v3  }
0x3d6: {  	[tilespmem:v25+s26+$0x0] =	vst.idx.add.f32.msk $0xffff, v2;
	v3 =	vor.u32 v1, v3  }
0x3d7: {  	[tilespmem:v5+s26+$0x0] =	vst.idx.add.f32.msk $0xffff, v2  }
0x3d8: {  	[tilespmem:v10+s26+$0x0] =	vst.idx.add.f32.msk $0xffff, v2  }
0x3d9: {  	[tilespmem:v11+s26+$0x0] =	vst.idx.add.f32.msk $0xffff, v2  }
0x3da: {  	[tilespmem:v6+s26+$0x0] =	vst.idx.add.f32.msk $0xffff, v2  }
0x3db: {  	[tilespmem:v3+s26+$0x0] =	vst.idx.add.f32.msk $0xffff, v2  }
0x3dc: {  	v3 =	vld [tilespmem:$0x10100]  }
0x3dd: {  	v4 =	vld [tilespmem:$0x10180]  }
0x3de: {  	v5 =	vld [tilespmem:$0x10200]  }
0x3df: {  	v6 =	vld [tilespmem:$0x10280]  }
0x3e0: {  	v26 =	vld [tilespmem:$0x10300]  }
0x3e1: {  	v8 =	vld [tilespmem:$0x10380]  }
0x3e2: {  	v9 =	vld [tilespmem:$0x10400]  }
0x3e3: {  	v27 =	vld [tilespmem:$0x10500];
	[tilespmem:$0x11A80] =	vst v3  }
0x3e4: {  	v28 =	vld [tilespmem:$0x10580];
	[tilespmem:$0x11B00] =	vst v4  }
0x3e5: {  	v29 =	vld [tilespmem:$0x10600];
	[tilespmem:$0x11B80] =	vst v5  }
0x3e6: {  	v30 =	vld [tilespmem:$0x10680];
	[tilespmem:$0x11C00] =	vst v6  }
0x3e7: {  	v31 =	vld [tilespmem:$0x10700];
	[tilespmem:$0x11C80] =	vst v26  }
0x3e8: {  	v32 =	vld [tilespmem:$0x10780];
	[tilespmem:$0x11D00] =	vst v8  }
0x3e9: {  	v33 =	vld [tilespmem:$0x10880];
	[tilespmem:$0x11D80] =	vst v9  }
0x3ea: {  	v34 =	vld [tilespmem:$0x10900];
	[tilespmem:$0x11E80] =	vst v27  }
0x3eb: {  	v35 =	vld [tilespmem:$0x10980];
	[tilespmem:$0x11F00] =	vst v28  }
0x3ec: {  	v36 =	vld [tilespmem:$0x10A00];
	[tilespmem:$0x11F80] =	vst v29  }
0x3ed: {  	v37 =	vld [tilespmem:$0x10A80];
	[tilespmem:$0x12000] =	vst v30  }
0x3ee: {  	v38 =	vld [tilespmem:$0x10B00];
	[tilespmem:$0x12080] =	vst v31  }
0x3ef: {  	v3 =	vld [tilespmem:$0x10480];
	[tilespmem:$0x12100] =	vst v32  }
0x3f0: {  	v39 =	vld [tilespmem:$0x10C00];
	[tilespmem:$0x12200] =	vst v33  }
0x3f1: {  	v40 =	vld [tilespmem:$0x10C80];
	[tilespmem:$0x12280] =	vst v34  }
0x3f2: {  	v41 =	vld [tilespmem:$0x10D00];
	[tilespmem:$0x12300] =	vst v35  }
0x3f3: {  	v42 =	vld [tilespmem:$0x10D80];
	[tilespmem:$0x12380] =	vst v36  }
0x3f4: {  	[tilespmem:$0x11E00] =	vst v3;
	v3 =	vld [tilespmem:$0x10800]  }
0x3f5: {  	v43 =	vld [tilespmem:$0x10E00];
	[tilespmem:$0x12400] =	vst v37  }
0x3f6: {  	v44 =	vld [tilespmem:$0x10E80];
	[tilespmem:$0x12480] =	vst v38  }
0x3f7: {  	v45 =	vld [tilespmem:$0x10F80];
	[tilespmem:$0x12580] =	vst v39  }
0x3f8: {  	v46 =	vld [tilespmem:$0x11000];
	[tilespmem:$0x12600] =	vst v40  }
0x3f9: {  	[tilespmem:$0x12180] =	vst v3;
	v3 =	vld [tilespmem:$0x10B80]  }
0x3fa: {  	v47 =	vld [tilespmem:$0x11080];
	[tilespmem:$0x12680] =	vst v41  }
0x3fb: {  	v48 =	vld [tilespmem:$0x11100];
	[tilespmem:$0x12700] =	vst v42  }
0x3fc: {  	v49 =	vld [tilespmem:$0x11180];
	[tilespmem:$0x12780] =	vst v43  }
0x3fd: {  	v50 =	vld [tilespmem:$0x11200];
	[tilespmem:$0x12800] =	vst v44  }
0x3fe: {  	[tilespmem:$0x12500] =	vst v3;
	v3 =	vld [tilespmem:$0x10F00]  }
0x3ff: {  	v51 =	vld [tilespmem:$0x11300];
	[tilespmem:$0x12900] =	vst v45  }
0x400: {  	v52 =	vld [tilespmem:$0x11380];
	[tilespmem:$0x12980] =	vst v46  }
0x401: {  	v53 =	vld [tilespmem:$0x11400];
	[tilespmem:$0x12A00] =	vst v47  }
0x402: {  	v54 =	vld [tilespmem:$0x11480];
	[tilespmem:$0x12A80] =	vst v48  }
0x403: {  	[tilespmem:$0x12880] =	vst v3;
	v3 =	vld [tilespmem:$0x11280]  }
0x404: {  	v55 =	vld [tilespmem:$0x11500];
	[tilespmem:$0x12B00] =	vst v49  }
0x405: {  	v56 =	vld [tilespmem:$0x11580];
	[tilespmem:$0x12B80] =	vst v50  }
0x406: {  	v57 =	vld [tilespmem:$0x11680];
	[tilespmem:$0x12C80] =	vst v51  }
0x407: {  	v58 =	vld [tilespmem:$0x11700];
	[tilespmem:$0x12D00] =	vst v52  }
0x408: {  	[tilespmem:$0x12C00] =	vst v3;
	v3 =	vld [tilespmem:$0x11600]  }
0x409: {  	v59 =	vld [tilespmem:$0x11780];
	[tilespmem:$0x12D80] =	vst v53  }
0x40a: {  	v60 =	vld [tilespmem:$0x11800];
	[tilespmem:$0x12E00] =	vst v54  }
0x40b: {  	v61 =	vld [tilespmem:$0x11880];
	[tilespmem:$0x12E80] =	vst v55  }
0x40c: {  	v62 =	vld [tilespmem:$0x11980];
	[tilespmem:$0x12F00] =	vst v56  }
0x40d: {  	[tilespmem:$0x12F80] =	vst v3;
	v3 =	vld [tilespmem:$0x11A00]  }
0x40e: {  	v63 =	vld [tilespmem:$0x11900];
	[tilespmem:$0x13000] =	vst v57  }
0x40f: {  	[tilespmem:$0x13080] =	vst v58  }
0x410: {  	[tilespmem:$0x13100] =	vst v59  }
0x411: {  	[tilespmem:$0x13180] =	vst v60  }
0x412: {  	s30 =	sadd.s32 $0x1, s30;
	[tilespmem:$0x13200] =	vst v61;
	v3 =	vadd.f32 v3, v62  }
0x413: {  	p0 =	sne.s32 s30, s21;
	[tilespmem:$0x13280] =	vst v63  }
.Ltmp17:
0x414: {  	s0 =	simm.s32 $0x11A80;
	[tilespmem:$0x13300] =	vst v3;
	(pc) =	sbr.rel @p0 .LBB2_1-.Ltmp17, $4  }
0x415: {  	[hbm4b:s20+s2] =	stream.linear.scatter [tilespmem:s0], [sflag:$0x3], $0x1900, $0x38;
	[tilespmem:$0x13680] =	vst v63  }
0x416: {  	_ =	swait.ge [sflag:s23], $0x1900  }
0x417: {  	[sflag:s23] =	ssyncset.done $0x0  }
0x418: {  	[sflag:s23] =	ssyncadd.s32 $0xFFFFE700  }
0x419: {  	_ =	sfence.sel $0x180000  }
0x41a: {  	[bflag:$0x0] =	sbarrier.arrive $0xFFFF  }
0x41b: {  	_ =	strace $0x90000047  }
0x41c: {  	s0 =	stileid.u32;
	[bflag:$0x2] =	sbarrier.arrive $0xFFFF  }
0x41d: {  	p0 =	sne.s32 s0, $0x0;
	s0 =	rddreg [dreg:$0x2]  }
0x41e: {  	s0 =	sadd.s32 @!p0 $0x100000, s0  }
0x41f: {  	[sflag:s0] =	ssyncadd.tile.s32 @!p0 $0x1;
	_ =	shalt  }
.Lfunc_end2:
_tile_overlayer_lowered:
.L_overlay_start_2:
0x420: {  	(tag) =	ssettag $0x2  }
0x421: {  	s0 =	rddreg [dreg:$0x0];
	s2 =	stileid.u32  }
0x422: {  	s1 =	rddreg [dreg:$0x1];
	p0 =	sne.s32 s2, $0x0  }
0x423: {  	s3 =	rddreg [dreg:$0x2];
	[bflag:$0x3] =	sbarrier.arrive $0xFFFF;
	s2 =	simm.s32 @!p0 $0x1C03  }
0x424: {  	[timem:s3], [sflag:s2] =	dma.local @!p0 [hbm:s0], s1  }
0x425: {  	s0 =	simm.s32 @!p0 $0x3  }
0x426: {  	_ =	swait.ge @!p0 [sflag:s0], s1  }
0x427: {  	s1 =	ssub.s32 @!p0 $0x0, s1;
	[sflag:s0] =	ssyncset.done @!p0 $0x0  }
0x428: {  	[sflag:s0] =	ssyncadd.s32 @!p0 s1  }
0x429: {  	[bflag:$0x3] =	sbarrier.arrive $0xFFFF  }
0x42a: {  	_ =	shalt  }

</sc_bundles>
